<compile_context>
chip_gen: v7x
topology: tpu7x:2x2x1
jax: 0.10.2.dev20260603
libtpu: 0.0.44.dev20260713+nightly
codegen_flags: <defaults>
</compile_context>

<pallas_src>
import functools

import jax
import jax.numpy as jnp
from jax import lax
from jax.experimental import pallas as pl
from jax.experimental.pallas import tpu as pltpu
from jax.experimental.pallas import tpu_sc as plsc

_NC, _NS, _L = 2, 16, 16
_NW = _NC * _NS
_NSLOT = 16


@functools.lru_cache(maxsize=None)
def _build(batch, emb_dim):
    bw = batch // _NW
    nblk = bw // _NSLOT
    mesh = plsc.VectorSubcoreMesh(
        core_axis_name="c", subcore_axis_name="s",
        num_cores=_NC, num_subcores=_NS)

    slot_types = [pltpu.VMEM((emb_dim, 128), jnp.float32)] * _NSLOT
    sem_types = [pltpu.SemaphoreType.DMA] * _NSLOT

    @functools.partial(
        pl.kernel,
        out_type=jax.ShapeDtypeStruct((2, emb_dim, batch), jnp.float32),
        mesh=mesh,
        compiler_params=pltpu.CompilerParams(
            use_tc_tiling_on_sc=True, needs_layout_passes=False),
        scratch_types=[
            pltpu.VMEM((2, bw), jnp.int32),
            pltpu.VMEM((emb_dim, bw), jnp.float32),
            pltpu.VMEM((emb_dim, bw), jnp.float32),
            pltpu.SemaphoreType.DMA,
        ] + slot_types + sem_types,
    )
    def lookup(xT_hbm, uT_hbm, iT_hbm, out_hbm, idv, uslab, islab, osem,
               *slots_and_sems):
        slots = slots_and_sems[:_NSLOT]
        sems = slots_and_sems[_NSLOT:]
        wid = lax.axis_index("s") * _NC + lax.axis_index("c")
        base = wid * bw
        pltpu.sync_copy(xT_hbm.at[:, pl.ds(base, bw)], idv)

        iota = lax.iota(jnp.int32, _L)
        iota_hi = iota + _L if emb_dim == 2 * _L else None

        def run_table(t_hbm, slab, s):
            def window_starts(b):
                return idv[s, pl.ds(b * _NSLOT, _NSLOT)] & jnp.int32(~127)

            def fetch_block(b):
                jv = window_starts(b)
                for k in range(_NSLOT):
                    pltpu.async_copy(
                        t_hbm.at[:, pl.ds(pl.multiple_of(jv[k], 128), 128)],
                        slots[k], sems[k])

            fetch_block(0)

            def body(b, carry):
                lv = idv[s, pl.ds(b * _NSLOT, _NSLOT)] - window_starts(b)
                for k in range(_NSLOT):
                    pltpu.make_async_copy(
                        t_hbm.at[:, pl.ds(0, 128)], slots[k], sems[k]).wait()
                    lane = jnp.broadcast_to(lv[k], (_L,))
                    pos = jnp.broadcast_to(b * _NSLOT + k, (_L,))
                    v0 = plsc.load_gather(slots[k], [iota, lane])
                    plsc.store_scatter(slab, [iota, pos], v0)
                    if iota_hi is not None:
                        v1 = plsc.load_gather(slots[k], [iota_hi, lane])
                        plsc.store_scatter(slab, [iota_hi, pos], v1)

                @pl.when(b + 1 < nblk)
                def _():
                    fetch_block(b + 1)

                return carry

            lax.fori_loop(0, nblk, body, 0)

        run_table(uT_hbm, uslab, 0)
        plsc.subcore_barrier()
        ocp0 = pltpu.async_copy(
            uslab, out_hbm.at[0].at[:, pl.ds(base, bw)], osem)
        run_table(iT_hbm, islab, 1)
        plsc.subcore_barrier()
        ocp1 = pltpu.async_copy(
            islab, out_hbm.at[1].at[:, pl.ds(base, bw)], osem)
        ocp0.wait()
        ocp1.wait()

    return lookup


def kernel(x, uid_table, iid_table):
    batch = x.shape[0]
    emb_dim = uid_table.shape[1]
    out3 = _build(batch, emb_dim)(x.T, uid_table.T, iid_table.T)
    return lax.transpose(out3, (2, 0, 1))

# --- scband reference (transcript-rebuilt; emitter-appended) ---
"""Pipeline reference for scband-float-lookup-embedding-64639257805435 (READ-ONLY COPY).

The authoritative reference and input builder live on the scoring server;
editing this copy changes nothing except your own understanding.
"""

import jax, jax.numpy as jnp
import numpy as np

UID_ALL = 1000000
IID_ALL = 1000000
EMB_DIM = 32
BATCH = 16384


def setup_inputs(seed: int = 0) -> dict:
    key = jax.random.key(seed)
    k1, k2, k3 = jax.random.split(key, 3)
    # integer id pairs [uid, iid] -> triggers the non-float branch of forward
    x = jax.random.randint(k1, (BATCH, 2), 0, 1000000, dtype=jnp.int32)
    # learned parameters: two embedding tables, initialized N(0,1) like nn.Embedding
    uid_table = jax.random.normal(k2, (UID_ALL, EMB_DIM), dtype=jnp.float32)
    iid_table = jax.random.normal(k3, (IID_ALL, EMB_DIM), dtype=jnp.float32)
    return {"x": x, "uid_table": uid_table, "iid_table": iid_table}


def reference(x, uid_table, iid_table):
    # int-dtype branch of FloatLookupEmbedding.forward:
    # uid_emb = self.uid_embedding(x[:, 0].unsqueeze(1))  -> [B, 1, D]
    # iid_emb = self.iid_embedding(x[:, 1].unsqueeze(1))  -> [B, 1, D]
    # emb = torch.cat([uid_emb, iid_emb], dim=1)          -> [B, 2, D]
    uid_emb = jnp.take(uid_table, x[:, 0], axis=0)[:, None, :]
    iid_emb = jnp.take(iid_table, x[:, 1], axis=0)[:, None, :]
    emb = jnp.concatenate([uid_emb, iid_emb], axis=1)
    return emb

if __name__ == "__main__":
    import jax
    _d = setup_inputs()
    print(jax.jit(kernel)(*tuple(_d.values())))

</pallas_src>

<mosaic_0001>
#map = affine_map<(d0, d1) -> (0, 0)>
#map1 = affine_map<(d0, d1) -> (0, 0, 0)>
module attributes {stable_mosaic.version = 14 : i64} {
  func.func @lookup(%arg0: i32, %arg1: i32, %arg2: memref<2x16384xi32, #tpu.memory_space<hbm>>, %arg3: memref<32x1000000xf32, #tpu.memory_space<hbm>>, %arg4: memref<32x1000000xf32, #tpu.memory_space<hbm>>, %arg5: memref<2x32x16384xf32, #tpu.memory_space<hbm>>, %arg6: memref<2x512xi32, #tpu.memory_space<vmem>>, %arg7: memref<32x512xf32, #tpu.memory_space<vmem>>, %arg8: memref<32x512xf32, #tpu.memory_space<vmem>>, %arg9: memref<!tpu.dma_semaphore, #tpu.memory_space<semaphore_mem>>, %arg10: memref<32x128xf32, #tpu.memory_space<vmem>>, %arg11: memref<32x128xf32, #tpu.memory_space<vmem>>, %arg12: memref<32x128xf32, #tpu.memory_space<vmem>>, %arg13: memref<32x128xf32, #tpu.memory_space<vmem>>, %arg14: memref<32x128xf32, #tpu.memory_space<vmem>>, %arg15: memref<32x128xf32, #tpu.memory_space<vmem>>, %arg16: memref<32x128xf32, #tpu.memory_space<vmem>>, %arg17: memref<32x128xf32, #tpu.memory_space<vmem>>, %arg18: memref<32x128xf32, #tpu.memory_space<vmem>>, %arg19: memref<32x128xf32, #tpu.memory_space<vmem>>, %arg20: memref<32x128xf32, #tpu.memory_space<vmem>>, %arg21: memref<32x128xf32, #tpu.memory_space<vmem>>, %arg22: memref<32x128xf32, #tpu.memory_space<vmem>>, %arg23: memref<32x128xf32, #tpu.memory_space<vmem>>, %arg24: memref<32x128xf32, #tpu.memory_space<vmem>>, %arg25: memref<32x128xf32, #tpu.memory_space<vmem>>, %arg26: memref<!tpu.dma_semaphore, #tpu.memory_space<semaphore_mem>>, %arg27: memref<!tpu.dma_semaphore, #tpu.memory_space<semaphore_mem>>, %arg28: memref<!tpu.dma_semaphore, #tpu.memory_space<semaphore_mem>>, %arg29: memref<!tpu.dma_semaphore, #tpu.memory_space<semaphore_mem>>, %arg30: memref<!tpu.dma_semaphore, #tpu.memory_space<semaphore_mem>>, %arg31: memref<!tpu.dma_semaphore, #tpu.memory_space<semaphore_mem>>, %arg32: memref<!tpu.dma_semaphore, #tpu.memory_space<semaphore_mem>>, %arg33: memref<!tpu.dma_semaphore, #tpu.memory_space<semaphore_mem>>, %arg34: memref<!tpu.dma_semaphore, #tpu.memory_space<semaphore_mem>>, %arg35: memref<!tpu.dma_semaphore, #tpu.memory_space<semaphore_mem>>, %arg36: memref<!tpu.dma_semaphore, #tpu.memory_space<semaphore_mem>>, %arg37: memref<!tpu.dma_semaphore, #tpu.memory_space<semaphore_mem>>, %arg38: memref<!tpu.dma_semaphore, #tpu.memory_space<semaphore_mem>>, %arg39: memref<!tpu.dma_semaphore, #tpu.memory_space<semaphore_mem>>, %arg40: memref<!tpu.dma_semaphore, #tpu.memory_space<semaphore_mem>>, %arg41: memref<!tpu.dma_semaphore, #tpu.memory_space<semaphore_mem>>) attributes {dimension_semantics = [#tpu.dimension_semantics<core_parallel>, #tpu.dimension_semantics<subcore_parallel>], iteration_bounds = array<i64: 2, 16>, scalar_prefetch = 0 : i64, scratch_operands = 36 : i64, tpu.core_type = #tpu.core_type<sc_vector_subcore>, window_params = [{transform_indices = #map}, {transform_indices = #map}, {transform_indices = #map}, {transform_indices = #map1}]} {
    %mul3A = arith.constant 2 : i32
    %mul3A_0 = arith.muli %arg1, %mul3A : i32
    %add3A = arith.addi %mul3A_0, %arg0 : i32
    %mul3A_1 = arith.constant 512 : i32
    %mul3A_2 = arith.muli %add3A, %mul3A_1 : i32
    "tpu.region"() ({
      %run_scoped3A = tpu.sem_alloc : memref<!tpu.dma_semaphore, #tpu.memory_space<semaphore_mem>>
      %dma_start3A_301 = arith.constant 0 : i32
      %dma_start3A_302 = tpu.memref_slice %arg2[%dma_start3A_301, %mul3A_2] : memref<2x16384xi32, #tpu.memory_space<hbm>> -> memref<2x512xi32, #tpu.memory_space<hbm>>
      %dma_start3A_303 = arith.constant 0 : i32
      %dma_start3A_304 = tpu.memref_slice %arg2[%dma_start3A_303, %mul3A_2] : memref<2x16384xi32, #tpu.memory_space<hbm>> -> memref<2x512xi32, #tpu.memory_space<hbm>>
      tpu.enqueue_dma source(%dma_start3A_304 : memref<2x512xi32, #tpu.memory_space<hbm>>) target(%arg6 : memref<2x512xi32, #tpu.memory_space<vmem>>) target_semaphore(%run_scoped3A : memref<!tpu.dma_semaphore, #tpu.memory_space<semaphore_mem>>)
      %dma_wait3A_305 = arith.constant 0 : i32
      %dma_wait3A_306 = tpu.memref_slice %arg2[%dma_wait3A_305, %mul3A_2] : memref<2x16384xi32, #tpu.memory_space<hbm>> -> memref<2x512xi32, #tpu.memory_space<hbm>>
      %dma_wait3A_307 = arith.constant 0 : i32
      %dma_wait3A_308 = tpu.memref_slice %arg2[%dma_wait3A_307, %mul3A_2] : memref<2x16384xi32, #tpu.memory_space<hbm>> -> memref<2x512xi32, #tpu.memory_space<hbm>>
      tpu.wait_dma2 semaphore(%run_scoped3A : memref<!tpu.dma_semaphore, #tpu.memory_space<semaphore_mem>>) src(%dma_wait3A_308 : memref<2x512xi32, #tpu.memory_space<hbm>>) dst(%arg6 : memref<2x512xi32, #tpu.memory_space<vmem>>)
      tpu.yield
    }) : () -> ()
    %iota3A = tpu.iota {dimensions = array<i32: 0>} : vector<16xi32>
    %add3A_3 = arith.constant 16 : i32
    %add3A_4 = vector.broadcast %add3A_3 : i32 to vector<16xi32>
    %add3A_5 = arith.addi %iota3A, %add3A_4 : vector<16xi32>
    %get3A = arith.constant 0 : i32
    %get3A_6 = arith.index_cast %get3A : i32 to index
    %get3A_7 = arith.constant 0 : index
    %get3A_8 = tpu.vector_load %arg6[%get3A_6, %get3A_7] {strides = array<i32>} : memref<2x512xi32, #tpu.memory_space<vmem>>, vector<16xi32>,
    %and3A = arith.constant -128 : i32
    %and3A_9 = vector.broadcast %and3A : i32 to vector<16xi32>
    %and3A_10 = arith.andi %get3A_8, %and3A_9 : vector<16xi32>
    %slice3A = vector.extract_strided_slice %and3A_10 {offsets = [0], sizes = [1], strides = [1]} : vector<16xi32> to vector<1xi32>
    %squeeze3A = vector.extract %slice3A[0] : i32 from vector<1xi32>
    %multiple_of3A = tpu.assume_multiple %squeeze3A, 128 : i32
    %dma_start3A = arith.constant 0 : i32
    %dma_start3A_11 = tpu.memref_slice %arg3[%dma_start3A, %multiple_of3A] : memref<32x1000000xf32, #tpu.memory_space<hbm>> -> memref<32x128xf32, #tpu.memory_space<hbm>>
    %dma_start3A_12 = arith.constant 0 : i32
    %dma_start3A_13 = tpu.memref_slice %arg3[%dma_start3A_12, %multiple_of3A] : memref<32x1000000xf32, #tpu.memory_space<hbm>> -> memref<32x128xf32, #tpu.memory_space<hbm>>
    tpu.enqueue_dma source(%dma_start3A_13 : memref<32x128xf32, #tpu.memory_space<hbm>>) target(%arg10 : memref<32x128xf32, #tpu.memory_space<vmem>>) target_semaphore(%arg26 : memref<!tpu.dma_semaphore, #tpu.memory_space<semaphore_mem>>)
    %slice3A_14 = vector.extract_strided_slice %and3A_10 {offsets = [1], sizes = [1], strides = [1]} : vector<16xi32> to vector<1xi32>
    %squeeze3A_15 = vector.extract %slice3A_14[0] : i32 from vector<1xi32>
    %multiple_of3A_16 = tpu.assume_multiple %squeeze3A_15, 128 : i32
    %dma_start3A_17 = arith.constant 0 : i32
    %dma_start3A_18 = tpu.memref_slice %arg3[%dma_start3A_17, %multiple_of3A_16] : memref<32x1000000xf32, #tpu.memory_space<hbm>> -> memref<32x128xf32, #tpu.memory_space<hbm>>
    %dma_start3A_19 = arith.constant 0 : i32
    %dma_start3A_20 = tpu.memref_slice %arg3[%dma_start3A_19, %multiple_of3A_16] : memref<32x1000000xf32, #tpu.memory_space<hbm>> -> memref<32x128xf32, #tpu.memory_space<hbm>>
    tpu.enqueue_dma source(%dma_start3A_20 : memref<32x128xf32, #tpu.memory_space<hbm>>) target(%arg11 : memref<32x128xf32, #tpu.memory_space<vmem>>) target_semaphore(%arg27 : memref<!tpu.dma_semaphore, #tpu.memory_space<semaphore_mem>>)
    %slice3A_21 = vector.extract_strided_slice %and3A_10 {offsets = [2], sizes = [1], strides = [1]} : vector<16xi32> to vector<1xi32>
    %squeeze3A_22 = vector.extract %slice3A_21[0] : i32 from vector<1xi32>
    %multiple_of3A_23 = tpu.assume_multiple %squeeze3A_22, 128 : i32
    %dma_start3A_24 = arith.constant 0 : i32
    %dma_start3A_25 = tpu.memref_slice %arg3[%dma_start3A_24, %multiple_of3A_23] : memref<32x1000000xf32, #tpu.memory_space<hbm>> -> memref<32x128xf32, #tpu.memory_space<hbm>>
    %dma_start3A_26 = arith.constant 0 : i32
    %dma_start3A_27 = tpu.memref_slice %arg3[%dma_start3A_26, %multiple_of3A_23] : memref<32x1000000xf32, #tpu.memory_space<hbm>> -> memref<32x128xf32, #tpu.memory_space<hbm>>
    tpu.enqueue_dma source(%dma_start3A_27 : memref<32x128xf32, #tpu.memory_space<hbm>>) target(%arg12 : memref<32x128xf32, #tpu.memory_space<vmem>>) target_semaphore(%arg28 : memref<!tpu.dma_semaphore, #tpu.memory_space<semaphore_mem>>)
    %slice3A_28 = vector.extract_strided_slice %and3A_10 {offsets = [3], sizes = [1], strides = [1]} : vector<16xi32> to vector<1xi32>
    %squeeze3A_29 = vector.extract %slice3A_28[0] : i32 from vector<1xi32>
    %multiple_of3A_30 = tpu.assume_multiple %squeeze3A_29, 128 : i32
    %dma_start3A_31 = arith.constant 0 : i32
    %dma_start3A_32 = tpu.memref_slice %arg3[%dma_start3A_31, %multiple_of3A_30] : memref<32x1000000xf32, #tpu.memory_space<hbm>> -> memref<32x128xf32, #tpu.memory_space<hbm>>
    %dma_start3A_33 = arith.constant 0 : i32
    %dma_start3A_34 = tpu.memref_slice %arg3[%dma_start3A_33, %multiple_of3A_30] : memref<32x1000000xf32, #tpu.memory_space<hbm>> -> memref<32x128xf32, #tpu.memory_space<hbm>>
    tpu.enqueue_dma source(%dma_start3A_34 : memref<32x128xf32, #tpu.memory_space<hbm>>) target(%arg13 : memref<32x128xf32, #tpu.memory_space<vmem>>) target_semaphore(%arg29 : memref<!tpu.dma_semaphore, #tpu.memory_space<semaphore_mem>>)
    %slice3A_35 = vector.extract_strided_slice %and3A_10 {offsets = [4], sizes = [1], strides = [1]} : vector<16xi32> to vector<1xi32>
    %squeeze3A_36 = vector.extract %slice3A_35[0] : i32 from vector<1xi32>
    %multiple_of3A_37 = tpu.assume_multiple %squeeze3A_36, 128 : i32
    %dma_start3A_38 = arith.constant 0 : i32
    %dma_start3A_39 = tpu.memref_slice %arg3[%dma_start3A_38, %multiple_of3A_37] : memref<32x1000000xf32, #tpu.memory_space<hbm>> -> memref<32x128xf32, #tpu.memory_space<hbm>>
    %dma_start3A_40 = arith.constant 0 : i32
    %dma_start3A_41 = tpu.memref_slice %arg3[%dma_start3A_40, %multiple_of3A_37] : memref<32x1000000xf32, #tpu.memory_space<hbm>> -> memref<32x128xf32, #tpu.memory_space<hbm>>
    tpu.enqueue_dma source(%dma_start3A_41 : memref<32x128xf32, #tpu.memory_space<hbm>>) target(%arg14 : memref<32x128xf32, #tpu.memory_space<vmem>>) target_semaphore(%arg30 : memref<!tpu.dma_semaphore, #tpu.memory_space<semaphore_mem>>)
    %slice3A_42 = vector.extract_strided_slice %and3A_10 {offsets = [5], sizes = [1], strides = [1]} : vector<16xi32> to vector<1xi32>
    %squeeze3A_43 = vector.extract %slice3A_42[0] : i32 from vector<1xi32>
    %multiple_of3A_44 = tpu.assume_multiple %squeeze3A_43, 128 : i32
    %dma_start3A_45 = arith.constant 0 : i32
    %dma_start3A_46 = tpu.memref_slice %arg3[%dma_start3A_45, %multiple_of3A_44] : memref<32x1000000xf32, #tpu.memory_space<hbm>> -> memref<32x128xf32, #tpu.memory_space<hbm>>
    %dma_start3A_47 = arith.constant 0 : i32
    %dma_start3A_48 = tpu.memref_slice %arg3[%dma_start3A_47, %multiple_of3A_44] : memref<32x1000000xf32, #tpu.memory_space<hbm>> -> memref<32x128xf32, #tpu.memory_space<hbm>>
    tpu.enqueue_dma source(%dma_start3A_48 : memref<32x128xf32, #tpu.memory_space<hbm>>) target(%arg15 : memref<32x128xf32, #tpu.memory_space<vmem>>) target_semaphore(%arg31 : memref<!tpu.dma_semaphore, #tpu.memory_space<semaphore_mem>>)
    %slice3A_49 = vector.extract_strided_slice %and3A_10 {offsets = [6], sizes = [1], strides = [1]} : vector<16xi32> to vector<1xi32>
    %squeeze3A_50 = vector.extract %slice3A_49[0] : i32 from vector<1xi32>
    %multiple_of3A_51 = tpu.assume_multiple %squeeze3A_50, 128 : i32
    %dma_start3A_52 = arith.constant 0 : i32
    %dma_start3A_53 = tpu.memref_slice %arg3[%dma_start3A_52, %multiple_of3A_51] : memref<32x1000000xf32, #tpu.memory_space<hbm>> -> memref<32x128xf32, #tpu.memory_space<hbm>>
    %dma_start3A_54 = arith.constant 0 : i32
    %dma_start3A_55 = tpu.memref_slice %arg3[%dma_start3A_54, %multiple_of3A_51] : memref<32x1000000xf32, #tpu.memory_space<hbm>> -> memref<32x128xf32, #tpu.memory_space<hbm>>
    tpu.enqueue_dma source(%dma_start3A_55 : memref<32x128xf32, #tpu.memory_space<hbm>>) target(%arg16 : memref<32x128xf32, #tpu.memory_space<vmem>>) target_semaphore(%arg32 : memref<!tpu.dma_semaphore, #tpu.memory_space<semaphore_mem>>)
    %slice3A_56 = vector.extract_strided_slice %and3A_10 {offsets = [7], sizes = [1], strides = [1]} : vector<16xi32> to vector<1xi32>
    %squeeze3A_57 = vector.extract %slice3A_56[0] : i32 from vector<1xi32>
    %multiple_of3A_58 = tpu.assume_multiple %squeeze3A_57, 128 : i32
    %dma_start3A_59 = arith.constant 0 : i32
    %dma_start3A_60 = tpu.memref_slice %arg3[%dma_start3A_59, %multiple_of3A_58] : memref<32x1000000xf32, #tpu.memory_space<hbm>> -> memref<32x128xf32, #tpu.memory_space<hbm>>
    %dma_start3A_61 = arith.constant 0 : i32
    %dma_start3A_62 = tpu.memref_slice %arg3[%dma_start3A_61, %multiple_of3A_58] : memref<32x1000000xf32, #tpu.memory_space<hbm>> -> memref<32x128xf32, #tpu.memory_space<hbm>>
    tpu.enqueue_dma source(%dma_start3A_62 : memref<32x128xf32, #tpu.memory_space<hbm>>) target(%arg17 : memref<32x128xf32, #tpu.memory_space<vmem>>) target_semaphore(%arg33 : memref<!tpu.dma_semaphore, #tpu.memory_space<semaphore_mem>>)
    %slice3A_63 = vector.extract_strided_slice %and3A_10 {offsets = [8], sizes = [1], strides = [1]} : vector<16xi32> to vector<1xi32>
    %squeeze3A_64 = vector.extract %slice3A_63[0] : i32 from vector<1xi32>
    %multiple_of3A_65 = tpu.assume_multiple %squeeze3A_64, 128 : i32
    %dma_start3A_66 = arith.constant 0 : i32
    %dma_start3A_67 = tpu.memref_slice %arg3[%dma_start3A_66, %multiple_of3A_65] : memref<32x1000000xf32, #tpu.memory_space<hbm>> -> memref<32x128xf32, #tpu.memory_space<hbm>>
    %dma_start3A_68 = arith.constant 0 : i32
    %dma_start3A_69 = tpu.memref_slice %arg3[%dma_start3A_68, %multiple_of3A_65] : memref<32x1000000xf32, #tpu.memory_space<hbm>> -> memref<32x128xf32, #tpu.memory_space<hbm>>
    tpu.enqueue_dma source(%dma_start3A_69 : memref<32x128xf32, #tpu.memory_space<hbm>>) target(%arg18 : memref<32x128xf32, #tpu.memory_space<vmem>>) target_semaphore(%arg34 : memref<!tpu.dma_semaphore, #tpu.memory_space<semaphore_mem>>)
    %slice3A_70 = vector.extract_strided_slice %and3A_10 {offsets = [9], sizes = [1], strides = [1]} : vector<16xi32> to vector<1xi32>
    %squeeze3A_71 = vector.extract %slice3A_70[0] : i32 from vector<1xi32>
    %multiple_of3A_72 = tpu.assume_multiple %squeeze3A_71, 128 : i32
    %dma_start3A_73 = arith.constant 0 : i32
    %dma_start3A_74 = tpu.memref_slice %arg3[%dma_start3A_73, %multiple_of3A_72] : memref<32x1000000xf32, #tpu.memory_space<hbm>> -> memref<32x128xf32, #tpu.memory_space<hbm>>
    %dma_start3A_75 = arith.constant 0 : i32
    %dma_start3A_76 = tpu.memref_slice %arg3[%dma_start3A_75, %multiple_of3A_72] : memref<32x1000000xf32, #tpu.memory_space<hbm>> -> memref<32x128xf32, #tpu.memory_space<hbm>>
    tpu.enqueue_dma source(%dma_start3A_76 : memref<32x128xf32, #tpu.memory_space<hbm>>) target(%arg19 : memref<32x128xf32, #tpu.memory_space<vmem>>) target_semaphore(%arg35 : memref<!tpu.dma_semaphore, #tpu.memory_space<semaphore_mem>>)
    %slice3A_77 = vector.extract_strided_slice %and3A_10 {offsets = [10], sizes = [1], strides = [1]} : vector<16xi32> to vector<1xi32>
    %squeeze3A_78 = vector.extract %slice3A_77[0] : i32 from vector<1xi32>
    %multiple_of3A_79 = tpu.assume_multiple %squeeze3A_78, 128 : i32
    %dma_start3A_80 = arith.constant 0 : i32
    %dma_start3A_81 = tpu.memref_slice %arg3[%dma_start3A_80, %multiple_of3A_79] : memref<32x1000000xf32, #tpu.memory_space<hbm>> -> memref<32x128xf32, #tpu.memory_space<hbm>>
    %dma_start3A_82 = arith.constant 0 : i32
    %dma_start3A_83 = tpu.memref_slice %arg3[%dma_start3A_82, %multiple_of3A_79] : memref<32x1000000xf32, #tpu.memory_space<hbm>> -> memref<32x128xf32, #tpu.memory_space<hbm>>
    tpu.enqueue_dma source(%dma_start3A_83 : memref<32x128xf32, #tpu.memory_space<hbm>>) target(%arg20 : memref<32x128xf32, #tpu.memory_space<vmem>>) target_semaphore(%arg36 : memref<!tpu.dma_semaphore, #tpu.memory_space<semaphore_mem>>)
    %slice3A_84 = vector.extract_strided_slice %and3A_10 {offsets = [11], sizes = [1], strides = [1]} : vector<16xi32> to vector<1xi32>
    %squeeze3A_85 = vector.extract %slice3A_84[0] : i32 from vector<1xi32>
    %multiple_of3A_86 = tpu.assume_multiple %squeeze3A_85, 128 : i32
    %dma_start3A_87 = arith.constant 0 : i32
    %dma_start3A_88 = tpu.memref_slice %arg3[%dma_start3A_87, %multiple_of3A_86] : memref<32x1000000xf32, #tpu.memory_space<hbm>> -> memref<32x128xf32, #tpu.memory_space<hbm>>
    %dma_start3A_89 = arith.constant 0 : i32
    %dma_start3A_90 = tpu.memref_slice %arg3[%dma_start3A_89, %multiple_of3A_86] : memref<32x1000000xf32, #tpu.memory_space<hbm>> -> memref<32x128xf32, #tpu.memory_space<hbm>>
    tpu.enqueue_dma source(%dma_start3A_90 : memref<32x128xf32, #tpu.memory_space<hbm>>) target(%arg21 : memref<32x128xf32, #tpu.memory_space<vmem>>) target_semaphore(%arg37 : memref<!tpu.dma_semaphore, #tpu.memory_space<semaphore_mem>>)
    %slice3A_91 = vector.extract_strided_slice %and3A_10 {offsets = [12], sizes = [1], strides = [1]} : vector<16xi32> to vector<1xi32>
    %squeeze3A_92 = vector.extract %slice3A_91[0] : i32 from vector<1xi32>
    %multiple_of3A_93 = tpu.assume_multiple %squeeze3A_92, 128 : i32
    %dma_start3A_94 = arith.constant 0 : i32
    %dma_start3A_95 = tpu.memref_slice %arg3[%dma_start3A_94, %multiple_of3A_93] : memref<32x1000000xf32, #tpu.memory_space<hbm>> -> memref<32x128xf32, #tpu.memory_space<hbm>>
    %dma_start3A_96 = arith.constant 0 : i32
    %dma_start3A_97 = tpu.memref_slice %arg3[%dma_start3A_96, %multiple_of3A_93] : memref<32x1000000xf32, #tpu.memory_space<hbm>> -> memref<32x128xf32, #tpu.memory_space<hbm>>
    tpu.enqueue_dma source(%dma_start3A_97 : memref<32x128xf32, #tpu.memory_space<hbm>>) target(%arg22 : memref<32x128xf32, #tpu.memory_space<vmem>>) target_semaphore(%arg38 : memref<!tpu.dma_semaphore, #tpu.memory_space<semaphore_mem>>)
    %slice3A_98 = vector.extract_strided_slice %and3A_10 {offsets = [13], sizes = [1], strides = [1]} : vector<16xi32> to vector<1xi32>
    %squeeze3A_99 = vector.extract %slice3A_98[0] : i32 from vector<1xi32>
    %multiple_of3A_100 = tpu.assume_multiple %squeeze3A_99, 128 : i32
    %dma_start3A_101 = arith.constant 0 : i32
    %dma_start3A_102 = tpu.memref_slice %arg3[%dma_start3A_101, %multiple_of3A_100] : memref<32x1000000xf32, #tpu.memory_space<hbm>> -> memref<32x128xf32, #tpu.memory_space<hbm>>
    %dma_start3A_103 = arith.constant 0 : i32
    %dma_start3A_104 = tpu.memref_slice %arg3[%dma_start3A_103, %multiple_of3A_100] : memref<32x1000000xf32, #tpu.memory_space<hbm>> -> memref<32x128xf32, #tpu.memory_space<hbm>>
    tpu.enqueue_dma source(%dma_start3A_104 : memref<32x128xf32, #tpu.memory_space<hbm>>) target(%arg23 : memref<32x128xf32, #tpu.memory_space<vmem>>) target_semaphore(%arg39 : memref<!tpu.dma_semaphore, #tpu.memory_space<semaphore_mem>>)
    %slice3A_105 = vector.extract_strided_slice %and3A_10 {offsets = [14], sizes = [1], strides = [1]} : vector<16xi32> to vector<1xi32>
    %squeeze3A_106 = vector.extract %slice3A_105[0] : i32 from vector<1xi32>
    %multiple_of3A_107 = tpu.assume_multiple %squeeze3A_106, 128 : i32
    %dma_start3A_108 = arith.constant 0 : i32
    %dma_start3A_109 = tpu.memref_slice %arg3[%dma_start3A_108, %multiple_of3A_107] : memref<32x1000000xf32, #tpu.memory_space<hbm>> -> memref<32x128xf32, #tpu.memory_space<hbm>>
    %dma_start3A_110 = arith.constant 0 : i32
    %dma_start3A_111 = tpu.memref_slice %arg3[%dma_start3A_110, %multiple_of3A_107] : memref<32x1000000xf32, #tpu.memory_space<hbm>> -> memref<32x128xf32, #tpu.memory_space<hbm>>
    tpu.enqueue_dma source(%dma_start3A_111 : memref<32x128xf32, #tpu.memory_space<hbm>>) target(%arg24 : memref<32x128xf32, #tpu.memory_space<vmem>>) target_semaphore(%arg40 : memref<!tpu.dma_semaphore, #tpu.memory_space<semaphore_mem>>)
    %slice3A_112 = vector.extract_strided_slice %and3A_10 {offsets = [15], sizes = [1], strides = [1]} : vector<16xi32> to vector<1xi32>
    %squeeze3A_113 = vector.extract %slice3A_112[0] : i32 from vector<1xi32>
    %multiple_of3A_114 = tpu.assume_multiple %squeeze3A_113, 128 : i32
    %dma_start3A_115 = arith.constant 0 : i32
    %dma_start3A_116 = tpu.memref_slice %arg3[%dma_start3A_115, %multiple_of3A_114] : memref<32x1000000xf32, #tpu.memory_space<hbm>> -> memref<32x128xf32, #tpu.memory_space<hbm>>
    %dma_start3A_117 = arith.constant 0 : i32
    %dma_start3A_118 = tpu.memref_slice %arg3[%dma_start3A_117, %multiple_of3A_114] : memref<32x1000000xf32, #tpu.memory_space<hbm>> -> memref<32x128xf32, #tpu.memory_space<hbm>>
    tpu.enqueue_dma source(%dma_start3A_118 : memref<32x128xf32, #tpu.memory_space<hbm>>) target(%arg25 : memref<32x128xf32, #tpu.memory_space<vmem>>) target_semaphore(%arg41 : memref<!tpu.dma_semaphore, #tpu.memory_space<semaphore_mem>>)
    %scan3A = arith.constant 0 : i32
    %scan3A_119 = arith.constant 0 : i32
    %scan3A_120 = arith.constant 32 : i32
    %scan3A_121 = arith.addi %scan3A_119, %scan3A_120 : i32
    %scan3A_122 = arith.constant 1 : i32
    scf.for %scan3A_301 = %scan3A_119 to %scan3A_121 step %scan3A_122  : i32 {
      %mul3A_302 = arith.constant 16 : i32
      %mul3A_303 = arith.muli %scan3A_301, %mul3A_302 : i32
      %get3A_304 = arith.constant 0 : i32
      %get3A_305 = arith.index_cast %get3A_304 : i32 to index
      %get3A_306 = arith.index_cast %mul3A_303 : i32 to index
      %get3A_307 = tpu.vector_load %arg6[%get3A_305, %get3A_306] {strides = array<i32>} : memref<2x512xi32, #tpu.memory_space<vmem>>, vector<16xi32>,
      %mul3A_308 = arith.constant 16 : i32
      %mul3A_309 = arith.muli %scan3A_301, %mul3A_308 : i32
      %get3A_310 = arith.constant 0 : i32
      %get3A_311 = arith.index_cast %get3A_310 : i32 to index
      %get3A_312 = arith.index_cast %mul3A_309 : i32 to index
      %get3A_313 = tpu.vector_load %arg6[%get3A_311, %get3A_312] {strides = array<i32>} : memref<2x512xi32, #tpu.memory_space<vmem>>, vector<16xi32>,
      %and3A_314 = arith.constant -128 : i32
      %and3A_315 = vector.broadcast %and3A_314 : i32 to vector<16xi32>
      %and3A_316 = arith.andi %get3A_313, %and3A_315 : vector<16xi32>
      %sub3A = arith.subi %get3A_307, %and3A_316 : vector<16xi32>
      %dma_wait3A_317 = arith.constant 0 : i32
      %dma_wait3A_318 = arith.constant 0 : i32
      %dma_wait3A_319 = tpu.memref_slice %arg3[%dma_wait3A_317, %dma_wait3A_318] : memref<32x1000000xf32, #tpu.memory_space<hbm>> -> memref<32x128xf32, #tpu.memory_space<hbm>>
      %dma_wait3A_320 = arith.constant 0 : i32
      %dma_wait3A_321 = arith.constant 0 : i32
      %dma_wait3A_322 = tpu.memref_slice %arg3[%dma_wait3A_320, %dma_wait3A_321] : memref<32x1000000xf32, #tpu.memory_space<hbm>> -> memref<32x128xf32, #tpu.memory_space<hbm>>
      tpu.wait_dma2 semaphore(%arg26 : memref<!tpu.dma_semaphore, #tpu.memory_space<semaphore_mem>>) src(%dma_wait3A_322 : memref<32x128xf32, #tpu.memory_space<hbm>>) dst(%arg10 : memref<32x128xf32, #tpu.memory_space<vmem>>)
      %slice3A_323 = vector.extract_strided_slice %sub3A {offsets = [0], sizes = [1], strides = [1]} : vector<16xi32> to vector<1xi32>
      %squeeze3A_324 = vector.extract %slice3A_323[0] : i32 from vector<1xi32>
      %broadcast_in_dim3A = vector.broadcast %squeeze3A_324 : i32 to vector<16xi32>
      %mul3A_325 = arith.constant 16 : i32
      %mul3A_326 = arith.muli %scan3A_301, %mul3A_325 : i32
      %add3A_327 = arith.constant 0 : i32
      %add3A_328 = arith.addi %mul3A_326, %add3A_327 : i32
      %broadcast_in_dim3A_329 = vector.broadcast %add3A_328 : i32 to vector<16xi32>
      %gather3A = tpu.vector_load_idx %arg10[%iota3A, %broadcast_in_dim3A] : memref<32x128xf32, #tpu.memory_space<vmem>>[vector<16xi32>, vector<16xi32>], vector<16xf32>,
      tpu.vector_store_idx %arg7[%iota3A, %broadcast_in_dim3A_329], %gather3A : memref<32x512xf32, #tpu.memory_space<vmem>>[vector<16xi32>, vector<16xi32>], vector<16xf32>,
      %gather3A_330 = tpu.vector_load_idx %arg10[%add3A_5, %broadcast_in_dim3A] : memref<32x128xf32, #tpu.memory_space<vmem>>[vector<16xi32>, vector<16xi32>], vector<16xf32>,
      tpu.vector_store_idx %arg7[%add3A_5, %broadcast_in_dim3A_329], %gather3A_330 : memref<32x512xf32, #tpu.memory_space<vmem>>[vector<16xi32>, vector<16xi32>], vector<16xf32>,
      %dma_wait3A_331 = arith.constant 0 : i32
      %dma_wait3A_332 = arith.constant 0 : i32
      %dma_wait3A_333 = tpu.memref_slice %arg3[%dma_wait3A_331, %dma_wait3A_332] : memref<32x1000000xf32, #tpu.memory_space<hbm>> -> memref<32x128xf32, #tpu.memory_space<hbm>>
      %dma_wait3A_334 = arith.constant 0 : i32
      %dma_wait3A_335 = arith.constant 0 : i32
      %dma_wait3A_336 = tpu.memref_slice %arg3[%dma_wait3A_334, %dma_wait3A_335] : memref<32x1000000xf32, #tpu.memory_space<hbm>> -> memref<32x128xf32, #tpu.memory_space<hbm>>
      tpu.wait_dma2 semaphore(%arg27 : memref<!tpu.dma_semaphore, #tpu.memory_space<semaphore_mem>>) src(%dma_wait3A_336 : memref<32x128xf32, #tpu.memory_space<hbm>>) dst(%arg11 : memref<32x128xf32, #tpu.memory_space<vmem>>)
      %slice3A_337 = vector.extract_strided_slice %sub3A {offsets = [1], sizes = [1], strides = [1]} : vector<16xi32> to vector<1xi32>
      %squeeze3A_338 = vector.extract %slice3A_337[0] : i32 from vector<1xi32>
      %broadcast_in_dim3A_339 = vector.broadcast %squeeze3A_338 : i32 to vector<16xi32>
      %mul3A_340 = arith.constant 16 : i32
      %mul3A_341 = arith.muli %scan3A_301, %mul3A_340 : i32
      %add3A_342 = arith.constant 1 : i32
      %add3A_343 = arith.addi %mul3A_341, %add3A_342 : i32
      %broadcast_in_dim3A_344 = vector.broadcast %add3A_343 : i32 to vector<16xi32>
      %gather3A_345 = tpu.vector_load_idx %arg11[%iota3A, %broadcast_in_dim3A_339] : memref<32x128xf32, #tpu.memory_space<vmem>>[vector<16xi32>, vector<16xi32>], vector<16xf32>,
      tpu.vector_store_idx %arg7[%iota3A, %broadcast_in_dim3A_344], %gather3A_345 : memref<32x512xf32, #tpu.memory_space<vmem>>[vector<16xi32>, vector<16xi32>], vector<16xf32>,
      %gather3A_346 = tpu.vector_load_idx %arg11[%add3A_5, %broadcast_in_dim3A_339] : memref<32x128xf32, #tpu.memory_space<vmem>>[vector<16xi32>, vector<16xi32>], vector<16xf32>,
      tpu.vector_store_idx %arg7[%add3A_5, %broadcast_in_dim3A_344], %gather3A_346 : memref<32x512xf32, #tpu.memory_space<vmem>>[vector<16xi32>, vector<16xi32>], vector<16xf32>,
      %dma_wait3A_347 = arith.constant 0 : i32
      %dma_wait3A_348 = arith.constant 0 : i32
      %dma_wait3A_349 = tpu.memref_slice %arg3[%dma_wait3A_347, %dma_wait3A_348] : memref<32x1000000xf32, #tpu.memory_space<hbm>> -> memref<32x128xf32, #tpu.memory_space<hbm>>
      %dma_wait3A_350 = arith.constant 0 : i32
      %dma_wait3A_351 = arith.constant 0 : i32
      %dma_wait3A_352 = tpu.memref_slice %arg3[%dma_wait3A_350, %dma_wait3A_351] : memref<32x1000000xf32, #tpu.memory_space<hbm>> -> memref<32x128xf32, #tpu.memory_space<hbm>>
      tpu.wait_dma2 semaphore(%arg28 : memref<!tpu.dma_semaphore, #tpu.memory_space<semaphore_mem>>) src(%dma_wait3A_352 : memref<32x128xf32, #tpu.memory_space<hbm>>) dst(%arg12 : memref<32x128xf32, #tpu.memory_space<vmem>>)
      %slice3A_353 = vector.extract_strided_slice %sub3A {offsets = [2], sizes = [1], strides = [1]} : vector<16xi32> to vector<1xi32>
      %squeeze3A_354 = vector.extract %slice3A_353[0] : i32 from vector<1xi32>
      %broadcast_in_dim3A_355 = vector.broadcast %squeeze3A_354 : i32 to vector<16xi32>
      %mul3A_356 = arith.constant 16 : i32
      %mul3A_357 = arith.muli %scan3A_301, %mul3A_356 : i32
      %add3A_358 = arith.constant 2 : i32
      %add3A_359 = arith.addi %mul3A_357, %add3A_358 : i32
      %broadcast_in_dim3A_360 = vector.broadcast %add3A_359 : i32 to vector<16xi32>
      %gather3A_361 = tpu.vector_load_idx %arg12[%iota3A, %broadcast_in_dim3A_355] : memref<32x128xf32, #tpu.memory_space<vmem>>[vector<16xi32>, vector<16xi32>], vector<16xf32>,
      tpu.vector_store_idx %arg7[%iota3A, %broadcast_in_dim3A_360], %gather3A_361 : memref<32x512xf32, #tpu.memory_space<vmem>>[vector<16xi32>, vector<16xi32>], vector<16xf32>,
      %gather3A_362 = tpu.vector_load_idx %arg12[%add3A_5, %broadcast_in_dim3A_355] : memref<32x128xf32, #tpu.memory_space<vmem>>[vector<16xi32>, vector<16xi32>], vector<16xf32>,
      tpu.vector_store_idx %arg7[%add3A_5, %broadcast_in_dim3A_360], %gather3A_362 : memref<32x512xf32, #tpu.memory_space<vmem>>[vector<16xi32>, vector<16xi32>], vector<16xf32>,
      %dma_wait3A_363 = arith.constant 0 : i32
      %dma_wait3A_364 = arith.constant 0 : i32
      %dma_wait3A_365 = tpu.memref_slice %arg3[%dma_wait3A_363, %dma_wait3A_364] : memref<32x1000000xf32, #tpu.memory_space<hbm>> -> memref<32x128xf32, #tpu.memory_space<hbm>>
      %dma_wait3A_366 = arith.constant 0 : i32
      %dma_wait3A_367 = arith.constant 0 : i32
      %dma_wait3A_368 = tpu.memref_slice %arg3[%dma_wait3A_366, %dma_wait3A_367] : memref<32x1000000xf32, #tpu.memory_space<hbm>> -> memref<32x128xf32, #tpu.memory_space<hbm>>
      tpu.wait_dma2 semaphore(%arg29 : memref<!tpu.dma_semaphore, #tpu.memory_space<semaphore_mem>>) src(%dma_wait3A_368 : memref<32x128xf32, #tpu.memory_space<hbm>>) dst(%arg13 : memref<32x128xf32, #tpu.memory_space<vmem>>)
      %slice3A_369 = vector.extract_strided_slice %sub3A {offsets = [3], sizes = [1], strides = [1]} : vector<16xi32> to vector<1xi32>
      %squeeze3A_370 = vector.extract %slice3A_369[0] : i32 from vector<1xi32>
      %broadcast_in_dim3A_371 = vector.broadcast %squeeze3A_370 : i32 to vector<16xi32>
      %mul3A_372 = arith.constant 16 : i32
      %mul3A_373 = arith.muli %scan3A_301, %mul3A_372 : i32
      %add3A_374 = arith.constant 3 : i32
      %add3A_375 = arith.addi %mul3A_373, %add3A_374 : i32
      %broadcast_in_dim3A_376 = vector.broadcast %add3A_375 : i32 to vector<16xi32>
      %gather3A_377 = tpu.vector_load_idx %arg13[%iota3A, %broadcast_in_dim3A_371] : memref<32x128xf32, #tpu.memory_space<vmem>>[vector<16xi32>, vector<16xi32>], vector<16xf32>,
      tpu.vector_store_idx %arg7[%iota3A, %broadcast_in_dim3A_376], %gather3A_377 : memref<32x512xf32, #tpu.memory_space<vmem>>[vector<16xi32>, vector<16xi32>], vector<16xf32>,
      %gather3A_378 = tpu.vector_load_idx %arg13[%add3A_5, %broadcast_in_dim3A_371] : memref<32x128xf32, #tpu.memory_space<vmem>>[vector<16xi32>, vector<16xi32>], vector<16xf32>,
      tpu.vector_store_idx %arg7[%add3A_5, %broadcast_in_dim3A_376], %gather3A_378 : memref<32x512xf32, #tpu.memory_space<vmem>>[vector<16xi32>, vector<16xi32>], vector<16xf32>,
      %dma_wait3A_379 = arith.constant 0 : i32
      %dma_wait3A_380 = arith.constant 0 : i32
      %dma_wait3A_381 = tpu.memref_slice %arg3[%dma_wait3A_379, %dma_wait3A_380] : memref<32x1000000xf32, #tpu.memory_space<hbm>> -> memref<32x128xf32, #tpu.memory_space<hbm>>
      %dma_wait3A_382 = arith.constant 0 : i32
      %dma_wait3A_383 = arith.constant 0 : i32
      %dma_wait3A_384 = tpu.memref_slice %arg3[%dma_wait3A_382, %dma_wait3A_383] : memref<32x1000000xf32, #tpu.memory_space<hbm>> -> memref<32x128xf32, #tpu.memory_space<hbm>>
      tpu.wait_dma2 semaphore(%arg30 : memref<!tpu.dma_semaphore, #tpu.memory_space<semaphore_mem>>) src(%dma_wait3A_384 : memref<32x128xf32, #tpu.memory_space<hbm>>) dst(%arg14 : memref<32x128xf32, #tpu.memory_space<vmem>>)
      %slice3A_385 = vector.extract_strided_slice %sub3A {offsets = [4], sizes = [1], strides = [1]} : vector<16xi32> to vector<1xi32>
      %squeeze3A_386 = vector.extract %slice3A_385[0] : i32 from vector<1xi32>
      %broadcast_in_dim3A_387 = vector.broadcast %squeeze3A_386 : i32 to vector<16xi32>
      %mul3A_388 = arith.constant 16 : i32
      %mul3A_389 = arith.muli %scan3A_301, %mul3A_388 : i32
      %add3A_390 = arith.constant 4 : i32
      %add3A_391 = arith.addi %mul3A_389, %add3A_390 : i32
      %broadcast_in_dim3A_392 = vector.broadcast %add3A_391 : i32 to vector<16xi32>
      %gather3A_393 = tpu.vector_load_idx %arg14[%iota3A, %broadcast_in_dim3A_387] : memref<32x128xf32, #tpu.memory_space<vmem>>[vector<16xi32>, vector<16xi32>], vector<16xf32>,
      tpu.vector_store_idx %arg7[%iota3A, %broadcast_in_dim3A_392], %gather3A_393 : memref<32x512xf32, #tpu.memory_space<vmem>>[vector<16xi32>, vector<16xi32>], vector<16xf32>,
      %gather3A_394 = tpu.vector_load_idx %arg14[%add3A_5, %broadcast_in_dim3A_387] : memref<32x128xf32, #tpu.memory_space<vmem>>[vector<16xi32>, vector<16xi32>], vector<16xf32>,
      tpu.vector_store_idx %arg7[%add3A_5, %broadcast_in_dim3A_392], %gather3A_394 : memref<32x512xf32, #tpu.memory_space<vmem>>[vector<16xi32>, vector<16xi32>], vector<16xf32>,
      %dma_wait3A_395 = arith.constant 0 : i32
      %dma_wait3A_396 = arith.constant 0 : i32
      %dma_wait3A_397 = tpu.memref_slice %arg3[%dma_wait3A_395, %dma_wait3A_396] : memref<32x1000000xf32, #tpu.memory_space<hbm>> -> memref<32x128xf32, #tpu.memory_space<hbm>>
      %dma_wait3A_398 = arith.constant 0 : i32
      %dma_wait3A_399 = arith.constant 0 : i32
      %dma_wait3A_400 = tpu.memref_slice %arg3[%dma_wait3A_398, %dma_wait3A_399] : memref<32x1000000xf32, #tpu.memory_space<hbm>> -> memref<32x128xf32, #tpu.memory_space<hbm>>
      tpu.wait_dma2 semaphore(%arg31 : memref<!tpu.dma_semaphore, #tpu.memory_space<semaphore_mem>>) src(%dma_wait3A_400 : memref<32x128xf32, #tpu.memory_space<hbm>>) dst(%arg15 : memref<32x128xf32, #tpu.memory_space<vmem>>)
      %slice3A_401 = vector.extract_strided_slice %sub3A {offsets = [5], sizes = [1], strides = [1]} : vector<16xi32> to vector<1xi32>
      %squeeze3A_402 = vector.extract %slice3A_401[0] : i32 from vector<1xi32>
      %broadcast_in_dim3A_403 = vector.broadcast %squeeze3A_402 : i32 to vector<16xi32>
      %mul3A_404 = arith.constant 16 : i32
      %mul3A_405 = arith.muli %scan3A_301, %mul3A_404 : i32
      %add3A_406 = arith.constant 5 : i32
      %add3A_407 = arith.addi %mul3A_405, %add3A_406 : i32
      %broadcast_in_dim3A_408 = vector.broadcast %add3A_407 : i32 to vector<16xi32>
      %gather3A_409 = tpu.vector_load_idx %arg15[%iota3A, %broadcast_in_dim3A_403] : memref<32x128xf32, #tpu.memory_space<vmem>>[vector<16xi32>, vector<16xi32>], vector<16xf32>,
      tpu.vector_store_idx %arg7[%iota3A, %broadcast_in_dim3A_408], %gather3A_409 : memref<32x512xf32, #tpu.memory_space<vmem>>[vector<16xi32>, vector<16xi32>], vector<16xf32>,
      %gather3A_410 = tpu.vector_load_idx %arg15[%add3A_5, %broadcast_in_dim3A_403] : memref<32x128xf32, #tpu.memory_space<vmem>>[vector<16xi32>, vector<16xi32>], vector<16xf32>,
      tpu.vector_store_idx %arg7[%add3A_5, %broadcast_in_dim3A_408], %gather3A_410 : memref<32x512xf32, #tpu.memory_space<vmem>>[vector<16xi32>, vector<16xi32>], vector<16xf32>,
      %dma_wait3A_411 = arith.constant 0 : i32
      %dma_wait3A_412 = arith.constant 0 : i32
      %dma_wait3A_413 = tpu.memref_slice %arg3[%dma_wait3A_411, %dma_wait3A_412] : memref<32x1000000xf32, #tpu.memory_space<hbm>> -> memref<32x128xf32, #tpu.memory_space<hbm>>
      %dma_wait3A_414 = arith.constant 0 : i32
      %dma_wait3A_415 = arith.constant 0 : i32
      %dma_wait3A_416 = tpu.memref_slice %arg3[%dma_wait3A_414, %dma_wait3A_415] : memref<32x1000000xf32, #tpu.memory_space<hbm>> -> memref<32x128xf32, #tpu.memory_space<hbm>>
      tpu.wait_dma2 semaphore(%arg32 : memref<!tpu.dma_semaphore, #tpu.memory_space<semaphore_mem>>) src(%dma_wait3A_416 : memref<32x128xf32, #tpu.memory_space<hbm>>) dst(%arg16 : memref<32x128xf32, #tpu.memory_space<vmem>>)
      %slice3A_417 = vector.extract_strided_slice %sub3A {offsets = [6], sizes = [1], strides = [1]} : vector<16xi32> to vector<1xi32>
      %squeeze3A_418 = vector.extract %slice3A_417[0] : i32 from vector<1xi32>
      %broadcast_in_dim3A_419 = vector.broadcast %squeeze3A_418 : i32 to vector<16xi32>
      %mul3A_420 = arith.constant 16 : i32
      %mul3A_421 = arith.muli %scan3A_301, %mul3A_420 : i32
      %add3A_422 = arith.constant 6 : i32
      %add3A_423 = arith.addi %mul3A_421, %add3A_422 : i32
      %broadcast_in_dim3A_424 = vector.broadcast %add3A_423 : i32 to vector<16xi32>
      %gather3A_425 = tpu.vector_load_idx %arg16[%iota3A, %broadcast_in_dim3A_419] : memref<32x128xf32, #tpu.memory_space<vmem>>[vector<16xi32>, vector<16xi32>], vector<16xf32>,
      tpu.vector_store_idx %arg7[%iota3A, %broadcast_in_dim3A_424], %gather3A_425 : memref<32x512xf32, #tpu.memory_space<vmem>>[vector<16xi32>, vector<16xi32>], vector<16xf32>,
      %gather3A_426 = tpu.vector_load_idx %arg16[%add3A_5, %broadcast_in_dim3A_419] : memref<32x128xf32, #tpu.memory_space<vmem>>[vector<16xi32>, vector<16xi32>], vector<16xf32>,
      tpu.vector_store_idx %arg7[%add3A_5, %broadcast_in_dim3A_424], %gather3A_426 : memref<32x512xf32, #tpu.memory_space<vmem>>[vector<16xi32>, vector<16xi32>], vector<16xf32>,
      %dma_wait3A_427 = arith.constant 0 : i32
      %dma_wait3A_428 = arith.constant 0 : i32
      %dma_wait3A_429 = tpu.memref_slice %arg3[%dma_wait3A_427, %dma_wait3A_428] : memref<32x1000000xf32, #tpu.memory_space<hbm>> -> memref<32x128xf32, #tpu.memory_space<hbm>>
      %dma_wait3A_430 = arith.constant 0 : i32
      %dma_wait3A_431 = arith.constant 0 : i32
      %dma_wait3A_432 = tpu.memref_slice %arg3[%dma_wait3A_430, %dma_wait3A_431] : memref<32x1000000xf32, #tpu.memory_space<hbm>> -> memref<32x128xf32, #tpu.memory_space<hbm>>
      tpu.wait_dma2 semaphore(%arg33 : memref<!tpu.dma_semaphore, #tpu.memory_space<semaphore_mem>>) src(%dma_wait3A_432 : memref<32x128xf32, #tpu.memory_space<hbm>>) dst(%arg17 : memref<32x128xf32, #tpu.memory_space<vmem>>)
      %slice3A_433 = vector.extract_strided_slice %sub3A {offsets = [7], sizes = [1], strides = [1]} : vector<16xi32> to vector<1xi32>
      %squeeze3A_434 = vector.extract %slice3A_433[0] : i32 from vector<1xi32>
      %broadcast_in_dim3A_435 = vector.broadcast %squeeze3A_434 : i32 to vector<16xi32>
      %mul3A_436 = arith.constant 16 : i32
      %mul3A_437 = arith.muli %scan3A_301, %mul3A_436 : i32
      %add3A_438 = arith.constant 7 : i32
      %add3A_439 = arith.addi %mul3A_437, %add3A_438 : i32
      %broadcast_in_dim3A_440 = vector.broadcast %add3A_439 : i32 to vector<16xi32>
      %gather3A_441 = tpu.vector_load_idx %arg17[%iota3A, %broadcast_in_dim3A_435] : memref<32x128xf32, #tpu.memory_space<vmem>>[vector<16xi32>, vector<16xi32>], vector<16xf32>,
      tpu.vector_store_idx %arg7[%iota3A, %broadcast_in_dim3A_440], %gather3A_441 : memref<32x512xf32, #tpu.memory_space<vmem>>[vector<16xi32>, vector<16xi32>], vector<16xf32>,
      %gather3A_442 = tpu.vector_load_idx %arg17[%add3A_5, %broadcast_in_dim3A_435] : memref<32x128xf32, #tpu.memory_space<vmem>>[vector<16xi32>, vector<16xi32>], vector<16xf32>,
      tpu.vector_store_idx %arg7[%add3A_5, %broadcast_in_dim3A_440], %gather3A_442 : memref<32x512xf32, #tpu.memory_space<vmem>>[vector<16xi32>, vector<16xi32>], vector<16xf32>,
      %dma_wait3A_443 = arith.constant 0 : i32
      %dma_wait3A_444 = arith.constant 0 : i32
      %dma_wait3A_445 = tpu.memref_slice %arg3[%dma_wait3A_443, %dma_wait3A_444] : memref<32x1000000xf32, #tpu.memory_space<hbm>> -> memref<32x128xf32, #tpu.memory_space<hbm>>
      %dma_wait3A_446 = arith.constant 0 : i32
      %dma_wait3A_447 = arith.constant 0 : i32
      %dma_wait3A_448 = tpu.memref_slice %arg3[%dma_wait3A_446, %dma_wait3A_447] : memref<32x1000000xf32, #tpu.memory_space<hbm>> -> memref<32x128xf32, #tpu.memory_space<hbm>>
      tpu.wait_dma2 semaphore(%arg34 : memref<!tpu.dma_semaphore, #tpu.memory_space<semaphore_mem>>) src(%dma_wait3A_448 : memref<32x128xf32, #tpu.memory_space<hbm>>) dst(%arg18 : memref<32x128xf32, #tpu.memory_space<vmem>>)
      %slice3A_449 = vector.extract_strided_slice %sub3A {offsets = [8], sizes = [1], strides = [1]} : vector<16xi32> to vector<1xi32>
      %squeeze3A_450 = vector.extract %slice3A_449[0] : i32 from vector<1xi32>
      %broadcast_in_dim3A_451 = vector.broadcast %squeeze3A_450 : i32 to vector<16xi32>
      %mul3A_452 = arith.constant 16 : i32
      %mul3A_453 = arith.muli %scan3A_301, %mul3A_452 : i32
      %add3A_454 = arith.constant 8 : i32
      %add3A_455 = arith.addi %mul3A_453, %add3A_454 : i32
      %broadcast_in_dim3A_456 = vector.broadcast %add3A_455 : i32 to vector<16xi32>
      %gather3A_457 = tpu.vector_load_idx %arg18[%iota3A, %broadcast_in_dim3A_451] : memref<32x128xf32, #tpu.memory_space<vmem>>[vector<16xi32>, vector<16xi32>], vector<16xf32>,
      tpu.vector_store_idx %arg7[%iota3A, %broadcast_in_dim3A_456], %gather3A_457 : memref<32x512xf32, #tpu.memory_space<vmem>>[vector<16xi32>, vector<16xi32>], vector<16xf32>,
      %gather3A_458 = tpu.vector_load_idx %arg18[%add3A_5, %broadcast_in_dim3A_451] : memref<32x128xf32, #tpu.memory_space<vmem>>[vector<16xi32>, vector<16xi32>], vector<16xf32>,
      tpu.vector_store_idx %arg7[%add3A_5, %broadcast_in_dim3A_456], %gather3A_458 : memref<32x512xf32, #tpu.memory_space<vmem>>[vector<16xi32>, vector<16xi32>], vector<16xf32>,
      %dma_wait3A_459 = arith.constant 0 : i32
      %dma_wait3A_460 = arith.constant 0 : i32
      %dma_wait3A_461 = tpu.memref_slice %arg3[%dma_wait3A_459, %dma_wait3A_460] : memref<32x1000000xf32, #tpu.memory_space<hbm>> -> memref<32x128xf32, #tpu.memory_space<hbm>>
      %dma_wait3A_462 = arith.constant 0 : i32
      %dma_wait3A_463 = arith.constant 0 : i32
      %dma_wait3A_464 = tpu.memref_slice %arg3[%dma_wait3A_462, %dma_wait3A_463] : memref<32x1000000xf32, #tpu.memory_space<hbm>> -> memref<32x128xf32, #tpu.memory_space<hbm>>
      tpu.wait_dma2 semaphore(%arg35 : memref<!tpu.dma_semaphore, #tpu.memory_space<semaphore_mem>>) src(%dma_wait3A_464 : memref<32x128xf32, #tpu.memory_space<hbm>>) dst(%arg19 : memref<32x128xf32, #tpu.memory_space<vmem>>)
      %slice3A_465 = vector.extract_strided_slice %sub3A {offsets = [9], sizes = [1], strides = [1]} : vector<16xi32> to vector<1xi32>
      %squeeze3A_466 = vector.extract %slice3A_465[0] : i32 from vector<1xi32>
      %broadcast_in_dim3A_467 = vector.broadcast %squeeze3A_466 : i32 to vector<16xi32>
      %mul3A_468 = arith.constant 16 : i32
      %mul3A_469 = arith.muli %scan3A_301, %mul3A_468 : i32
      %add3A_470 = arith.constant 9 : i32
      %add3A_471 = arith.addi %mul3A_469, %add3A_470 : i32
      %broadcast_in_dim3A_472 = vector.broadcast %add3A_471 : i32 to vector<16xi32>
      %gather3A_473 = tpu.vector_load_idx %arg19[%iota3A, %broadcast_in_dim3A_467] : memref<32x128xf32, #tpu.memory_space<vmem>>[vector<16xi32>, vector<16xi32>], vector<16xf32>,
      tpu.vector_store_idx %arg7[%iota3A, %broadcast_in_dim3A_472], %gather3A_473 : memref<32x512xf32, #tpu.memory_space<vmem>>[vector<16xi32>, vector<16xi32>], vector<16xf32>,
      %gather3A_474 = tpu.vector_load_idx %arg19[%add3A_5, %broadcast_in_dim3A_467] : memref<32x128xf32, #tpu.memory_space<vmem>>[vector<16xi32>, vector<16xi32>], vector<16xf32>,
      tpu.vector_store_idx %arg7[%add3A_5, %broadcast_in_dim3A_472], %gather3A_474 : memref<32x512xf32, #tpu.memory_space<vmem>>[vector<16xi32>, vector<16xi32>], vector<16xf32>,
      %dma_wait3A_475 = arith.constant 0 : i32
      %dma_wait3A_476 = arith.constant 0 : i32
      %dma_wait3A_477 = tpu.memref_slice %arg3[%dma_wait3A_475, %dma_wait3A_476] : memref<32x1000000xf32, #tpu.memory_space<hbm>> -> memref<32x128xf32, #tpu.memory_space<hbm>>
      %dma_wait3A_478 = arith.constant 0 : i32
      %dma_wait3A_479 = arith.constant 0 : i32
      %dma_wait3A_480 = tpu.memref_slice %arg3[%dma_wait3A_478, %dma_wait3A_479] : memref<32x1000000xf32, #tpu.memory_space<hbm>> -> memref<32x128xf32, #tpu.memory_space<hbm>>
      tpu.wait_dma2 semaphore(%arg36 : memref<!tpu.dma_semaphore, #tpu.memory_space<semaphore_mem>>) src(%dma_wait3A_480 : memref<32x128xf32, #tpu.memory_space<hbm>>) dst(%arg20 : memref<32x128xf32, #tpu.memory_space<vmem>>)
      %slice3A_481 = vector.extract_strided_slice %sub3A {offsets = [10], sizes = [1], strides = [1]} : vector<16xi32> to vector<1xi32>
      %squeeze3A_482 = vector.extract %slice3A_481[0] : i32 from vector<1xi32>
      %broadcast_in_dim3A_483 = vector.broadcast %squeeze3A_482 : i32 to vector<16xi32>
      %mul3A_484 = arith.constant 16 : i32
      %mul3A_485 = arith.muli %scan3A_301, %mul3A_484 : i32
      %add3A_486 = arith.constant 10 : i32
      %add3A_487 = arith.addi %mul3A_485, %add3A_486 : i32
      %broadcast_in_dim3A_488 = vector.broadcast %add3A_487 : i32 to vector<16xi32>
      %gather3A_489 = tpu.vector_load_idx %arg20[%iota3A, %broadcast_in_dim3A_483] : memref<32x128xf32, #tpu.memory_space<vmem>>[vector<16xi32>, vector<16xi32>], vector<16xf32>,
      tpu.vector_store_idx %arg7[%iota3A, %broadcast_in_dim3A_488], %gather3A_489 : memref<32x512xf32, #tpu.memory_space<vmem>>[vector<16xi32>, vector<16xi32>], vector<16xf32>,
      %gather3A_490 = tpu.vector_load_idx %arg20[%add3A_5, %broadcast_in_dim3A_483] : memref<32x128xf32, #tpu.memory_space<vmem>>[vector<16xi32>, vector<16xi32>], vector<16xf32>,
      tpu.vector_store_idx %arg7[%add3A_5, %broadcast_in_dim3A_488], %gather3A_490 : memref<32x512xf32, #tpu.memory_space<vmem>>[vector<16xi32>, vector<16xi32>], vector<16xf32>,
      %dma_wait3A_491 = arith.constant 0 : i32
      %dma_wait3A_492 = arith.constant 0 : i32
      %dma_wait3A_493 = tpu.memref_slice %arg3[%dma_wait3A_491, %dma_wait3A_492] : memref<32x1000000xf32, #tpu.memory_space<hbm>> -> memref<32x128xf32, #tpu.memory_space<hbm>>
      %dma_wait3A_494 = arith.constant 0 : i32
      %dma_wait3A_495 = arith.constant 0 : i32
      %dma_wait3A_496 = tpu.memref_slice %arg3[%dma_wait3A_494, %dma_wait3A_495] : memref<32x1000000xf32, #tpu.memory_space<hbm>> -> memref<32x128xf32, #tpu.memory_space<hbm>>
      tpu.wait_dma2 semaphore(%arg37 : memref<!tpu.dma_semaphore, #tpu.memory_space<semaphore_mem>>) src(%dma_wait3A_496 : memref<32x128xf32, #tpu.memory_space<hbm>>) dst(%arg21 : memref<32x128xf32, #tpu.memory_space<vmem>>)
      %slice3A_497 = vector.extract_strided_slice %sub3A {offsets = [11], sizes = [1], strides = [1]} : vector<16xi32> to vector<1xi32>
      %squeeze3A_498 = vector.extract %slice3A_497[0] : i32 from vector<1xi32>
      %broadcast_in_dim3A_499 = vector.broadcast %squeeze3A_498 : i32 to vector<16xi32>
      %mul3A_500 = arith.constant 16 : i32
      %mul3A_501 = arith.muli %scan3A_301, %mul3A_500 : i32
      %add3A_502 = arith.constant 11 : i32
      %add3A_503 = arith.addi %mul3A_501, %add3A_502 : i32
      %broadcast_in_dim3A_504 = vector.broadcast %add3A_503 : i32 to vector<16xi32>
      %gather3A_505 = tpu.vector_load_idx %arg21[%iota3A, %broadcast_in_dim3A_499] : memref<32x128xf32, #tpu.memory_space<vmem>>[vector<16xi32>, vector<16xi32>], vector<16xf32>,
      tpu.vector_store_idx %arg7[%iota3A, %broadcast_in_dim3A_504], %gather3A_505 : memref<32x512xf32, #tpu.memory_space<vmem>>[vector<16xi32>, vector<16xi32>], vector<16xf32>,
      %gather3A_506 = tpu.vector_load_idx %arg21[%add3A_5, %broadcast_in_dim3A_499] : memref<32x128xf32, #tpu.memory_space<vmem>>[vector<16xi32>, vector<16xi32>], vector<16xf32>,
      tpu.vector_store_idx %arg7[%add3A_5, %broadcast_in_dim3A_504], %gather3A_506 : memref<32x512xf32, #tpu.memory_space<vmem>>[vector<16xi32>, vector<16xi32>], vector<16xf32>,
      %dma_wait3A_507 = arith.constant 0 : i32
      %dma_wait3A_508 = arith.constant 0 : i32
      %dma_wait3A_509 = tpu.memref_slice %arg3[%dma_wait3A_507, %dma_wait3A_508] : memref<32x1000000xf32, #tpu.memory_space<hbm>> -> memref<32x128xf32, #tpu.memory_space<hbm>>
      %dma_wait3A_510 = arith.constant 0 : i32
      %dma_wait3A_511 = arith.constant 0 : i32
      %dma_wait3A_512 = tpu.memref_slice %arg3[%dma_wait3A_510, %dma_wait3A_511] : memref<32x1000000xf32, #tpu.memory_space<hbm>> -> memref<32x128xf32, #tpu.memory_space<hbm>>
      tpu.wait_dma2 semaphore(%arg38 : memref<!tpu.dma_semaphore, #tpu.memory_space<semaphore_mem>>) src(%dma_wait3A_512 : memref<32x128xf32, #tpu.memory_space<hbm>>) dst(%arg22 : memref<32x128xf32, #tpu.memory_space<vmem>>)
      %slice3A_513 = vector.extract_strided_slice %sub3A {offsets = [12], sizes = [1], strides = [1]} : vector<16xi32> to vector<1xi32>
      %squeeze3A_514 = vector.extract %slice3A_513[0] : i32 from vector<1xi32>
      %broadcast_in_dim3A_515 = vector.broadcast %squeeze3A_514 : i32 to vector<16xi32>
      %mul3A_516 = arith.constant 16 : i32
      %mul3A_517 = arith.muli %scan3A_301, %mul3A_516 : i32
      %add3A_518 = arith.constant 12 : i32
      %add3A_519 = arith.addi %mul3A_517, %add3A_518 : i32
      %broadcast_in_dim3A_520 = vector.broadcast %add3A_519 : i32 to vector<16xi32>
      %gather3A_521 = tpu.vector_load_idx %arg22[%iota3A, %broadcast_in_dim3A_515] : memref<32x128xf32, #tpu.memory_space<vmem>>[vector<16xi32>, vector<16xi32>], vector<16xf32>,
      tpu.vector_store_idx %arg7[%iota3A, %broadcast_in_dim3A_520], %gather3A_521 : memref<32x512xf32, #tpu.memory_space<vmem>>[vector<16xi32>, vector<16xi32>], vector<16xf32>,
      %gather3A_522 = tpu.vector_load_idx %arg22[%add3A_5, %broadcast_in_dim3A_515] : memref<32x128xf32, #tpu.memory_space<vmem>>[vector<16xi32>, vector<16xi32>], vector<16xf32>,
      tpu.vector_store_idx %arg7[%add3A_5, %broadcast_in_dim3A_520], %gather3A_522 : memref<32x512xf32, #tpu.memory_space<vmem>>[vector<16xi32>, vector<16xi32>], vector<16xf32>,
      %dma_wait3A_523 = arith.constant 0 : i32
      %dma_wait3A_524 = arith.constant 0 : i32
      %dma_wait3A_525 = tpu.memref_slice %arg3[%dma_wait3A_523, %dma_wait3A_524] : memref<32x1000000xf32, #tpu.memory_space<hbm>> -> memref<32x128xf32, #tpu.memory_space<hbm>>
      %dma_wait3A_526 = arith.constant 0 : i32
      %dma_wait3A_527 = arith.constant 0 : i32
      %dma_wait3A_528 = tpu.memref_slice %arg3[%dma_wait3A_526, %dma_wait3A_527] : memref<32x1000000xf32, #tpu.memory_space<hbm>> -> memref<32x128xf32, #tpu.memory_space<hbm>>
      tpu.wait_dma2 semaphore(%arg39 : memref<!tpu.dma_semaphore, #tpu.memory_space<semaphore_mem>>) src(%dma_wait3A_528 : memref<32x128xf32, #tpu.memory_space<hbm>>) dst(%arg23 : memref<32x128xf32, #tpu.memory_space<vmem>>)
      %slice3A_529 = vector.extract_strided_slice %sub3A {offsets = [13], sizes = [1], strides = [1]} : vector<16xi32> to vector<1xi32>
      %squeeze3A_530 = vector.extract %slice3A_529[0] : i32 from vector<1xi32>
      %broadcast_in_dim3A_531 = vector.broadcast %squeeze3A_530 : i32 to vector<16xi32>
      %mul3A_532 = arith.constant 16 : i32
      %mul3A_533 = arith.muli %scan3A_301, %mul3A_532 : i32
      %add3A_534 = arith.constant 13 : i32
      %add3A_535 = arith.addi %mul3A_533, %add3A_534 : i32
      %broadcast_in_dim3A_536 = vector.broadcast %add3A_535 : i32 to vector<16xi32>
      %gather3A_537 = tpu.vector_load_idx %arg23[%iota3A, %broadcast_in_dim3A_531] : memref<32x128xf32, #tpu.memory_space<vmem>>[vector<16xi32>, vector<16xi32>], vector<16xf32>,
      tpu.vector_store_idx %arg7[%iota3A, %broadcast_in_dim3A_536], %gather3A_537 : memref<32x512xf32, #tpu.memory_space<vmem>>[vector<16xi32>, vector<16xi32>], vector<16xf32>,
      %gather3A_538 = tpu.vector_load_idx %arg23[%add3A_5, %broadcast_in_dim3A_531] : memref<32x128xf32, #tpu.memory_space<vmem>>[vector<16xi32>, vector<16xi32>], vector<16xf32>,
      tpu.vector_store_idx %arg7[%add3A_5, %broadcast_in_dim3A_536], %gather3A_538 : memref<32x512xf32, #tpu.memory_space<vmem>>[vector<16xi32>, vector<16xi32>], vector<16xf32>,
      %dma_wait3A_539 = arith.constant 0 : i32
      %dma_wait3A_540 = arith.constant 0 : i32
      %dma_wait3A_541 = tpu.memref_slice %arg3[%dma_wait3A_539, %dma_wait3A_540] : memref<32x1000000xf32, #tpu.memory_space<hbm>> -> memref<32x128xf32, #tpu.memory_space<hbm>>
      %dma_wait3A_542 = arith.constant 0 : i32
      %dma_wait3A_543 = arith.constant 0 : i32
      %dma_wait3A_544 = tpu.memref_slice %arg3[%dma_wait3A_542, %dma_wait3A_543] : memref<32x1000000xf32, #tpu.memory_space<hbm>> -> memref<32x128xf32, #tpu.memory_space<hbm>>
      tpu.wait_dma2 semaphore(%arg40 : memref<!tpu.dma_semaphore, #tpu.memory_space<semaphore_mem>>) src(%dma_wait3A_544 : memref<32x128xf32, #tpu.memory_space<hbm>>) dst(%arg24 : memref<32x128xf32, #tpu.memory_space<vmem>>)
      %slice3A_545 = vector.extract_strided_slice %sub3A {offsets = [14], sizes = [1], strides = [1]} : vector<16xi32> to vector<1xi32>
      %squeeze3A_546 = vector.extract %slice3A_545[0] : i32 from vector<1xi32>
      %broadcast_in_dim3A_547 = vector.broadcast %squeeze3A_546 : i32 to vector<16xi32>
      %mul3A_548 = arith.constant 16 : i32
      %mul3A_549 = arith.muli %scan3A_301, %mul3A_548 : i32
      %add3A_550 = arith.constant 14 : i32
      %add3A_551 = arith.addi %mul3A_549, %add3A_550 : i32
      %broadcast_in_dim3A_552 = vector.broadcast %add3A_551 : i32 to vector<16xi32>
      %gather3A_553 = tpu.vector_load_idx %arg24[%iota3A, %broadcast_in_dim3A_547] : memref<32x128xf32, #tpu.memory_space<vmem>>[vector<16xi32>, vector<16xi32>], vector<16xf32>,
      tpu.vector_store_idx %arg7[%iota3A, %broadcast_in_dim3A_552], %gather3A_553 : memref<32x512xf32, #tpu.memory_space<vmem>>[vector<16xi32>, vector<16xi32>], vector<16xf32>,
      %gather3A_554 = tpu.vector_load_idx %arg24[%add3A_5, %broadcast_in_dim3A_547] : memref<32x128xf32, #tpu.memory_space<vmem>>[vector<16xi32>, vector<16xi32>], vector<16xf32>,
      tpu.vector_store_idx %arg7[%add3A_5, %broadcast_in_dim3A_552], %gather3A_554 : memref<32x512xf32, #tpu.memory_space<vmem>>[vector<16xi32>, vector<16xi32>], vector<16xf32>,
      %dma_wait3A_555 = arith.constant 0 : i32
      %dma_wait3A_556 = arith.constant 0 : i32
      %dma_wait3A_557 = tpu.memref_slice %arg3[%dma_wait3A_555, %dma_wait3A_556] : memref<32x1000000xf32, #tpu.memory_space<hbm>> -> memref<32x128xf32, #tpu.memory_space<hbm>>
      %dma_wait3A_558 = arith.constant 0 : i32
      %dma_wait3A_559 = arith.constant 0 : i32
      %dma_wait3A_560 = tpu.memref_slice %arg3[%dma_wait3A_558, %dma_wait3A_559] : memref<32x1000000xf32, #tpu.memory_space<hbm>> -> memref<32x128xf32, #tpu.memory_space<hbm>>
      tpu.wait_dma2 semaphore(%arg41 : memref<!tpu.dma_semaphore, #tpu.memory_space<semaphore_mem>>) src(%dma_wait3A_560 : memref<32x128xf32, #tpu.memory_space<hbm>>) dst(%arg25 : memref<32x128xf32, #tpu.memory_space<vmem>>)
      %slice3A_561 = vector.extract_strided_slice %sub3A {offsets = [15], sizes = [1], strides = [1]} : vector<16xi32> to vector<1xi32>
      %squeeze3A_562 = vector.extract %slice3A_561[0] : i32 from vector<1xi32>
      %broadcast_in_dim3A_563 = vector.broadcast %squeeze3A_562 : i32 to vector<16xi32>
      %mul3A_564 = arith.constant 16 : i32
      %mul3A_565 = arith.muli %scan3A_301, %mul3A_564 : i32
      %add3A_566 = arith.constant 15 : i32
      %add3A_567 = arith.addi %mul3A_565, %add3A_566 : i32
      %broadcast_in_dim3A_568 = vector.broadcast %add3A_567 : i32 to vector<16xi32>
      %gather3A_569 = tpu.vector_load_idx %arg25[%iota3A, %broadcast_in_dim3A_563] : memref<32x128xf32, #tpu.memory_space<vmem>>[vector<16xi32>, vector<16xi32>], vector<16xf32>,
      tpu.vector_store_idx %arg7[%iota3A, %broadcast_in_dim3A_568], %gather3A_569 : memref<32x512xf32, #tpu.memory_space<vmem>>[vector<16xi32>, vector<16xi32>], vector<16xf32>,
      %gather3A_570 = tpu.vector_load_idx %arg25[%add3A_5, %broadcast_in_dim3A_563] : memref<32x128xf32, #tpu.memory_space<vmem>>[vector<16xi32>, vector<16xi32>], vector<16xf32>,
      tpu.vector_store_idx %arg7[%add3A_5, %broadcast_in_dim3A_568], %gather3A_570 : memref<32x512xf32, #tpu.memory_space<vmem>>[vector<16xi32>, vector<16xi32>], vector<16xf32>,
      %add3A_571 = arith.constant 1 : i32
      %add3A_572 = arith.addi %scan3A_301, %add3A_571 : i32
      %lt3A = arith.constant 32 : i32
      %lt3A_573 = arith.cmpi slt, %add3A_572, %lt3A : i32
      %convert_element_type3A = arith.extui %lt3A_573 : i1 to i32
      %cond3A = arith.constant 0 : i32
      %cond3A_574 = arith.cmpi ne, %convert_element_type3A, %cond3A : i32
      scf.if %cond3A_574 {
        %add3A_575 = arith.constant 1 : i32
        %add3A_576 = arith.addi %scan3A_301, %add3A_575 : i32
        %mul3A_577 = arith.constant 16 : i32
        %mul3A_578 = arith.muli %add3A_576, %mul3A_577 : i32
        %get3A_579 = arith.constant 0 : i32
        %get3A_580 = arith.index_cast %get3A_579 : i32 to index
        %get3A_581 = arith.index_cast %mul3A_578 : i32 to index
        %get3A_582 = tpu.vector_load %arg6[%get3A_580, %get3A_581] {strides = array<i32>} : memref<2x512xi32, #tpu.memory_space<vmem>>, vector<16xi32>,
        %and3A_583 = arith.constant -128 : i32
        %and3A_584 = vector.broadcast %and3A_583 : i32 to vector<16xi32>
        %and3A_585 = arith.andi %get3A_582, %and3A_584 : vector<16xi32>
        %slice3A_586 = vector.extract_strided_slice %and3A_585 {offsets = [0], sizes = [1], strides = [1]} : vector<16xi32> to vector<1xi32>
        %squeeze3A_587 = vector.extract %slice3A_586[0] : i32 from vector<1xi32>
        %multiple_of3A_588 = tpu.assume_multiple %squeeze3A_587, 128 : i32
        %dma_start3A_589 = arith.constant 0 : i32
        %dma_start3A_590 = tpu.memref_slice %arg3[%dma_start3A_589, %multiple_of3A_588] : memref<32x1000000xf32, #tpu.memory_space<hbm>> -> memref<32x128xf32, #tpu.memory_space<hbm>>
        %dma_start3A_591 = arith.constant 0 : i32
        %dma_start3A_592 = tpu.memref_slice %arg3[%dma_start3A_591, %multiple_of3A_588] : memref<32x1000000xf32, #tpu.memory_space<hbm>> -> memref<32x128xf32, #tpu.memory_space<hbm>>
        tpu.enqueue_dma source(%dma_start3A_592 : memref<32x128xf32, #tpu.memory_space<hbm>>) target(%arg10 : memref<32x128xf32, #tpu.memory_space<vmem>>) target_semaphore(%arg26 : memref<!tpu.dma_semaphore, #tpu.memory_space<semaphore_mem>>)
        %slice3A_593 = vector.extract_strided_slice %and3A_585 {offsets = [1], sizes = [1], strides = [1]} : vector<16xi32> to vector<1xi32>
        %squeeze3A_594 = vector.extract %slice3A_593[0] : i32 from vector<1xi32>
        %multiple_of3A_595 = tpu.assume_multiple %squeeze3A_594, 128 : i32
        %dma_start3A_596 = arith.constant 0 : i32
        %dma_start3A_597 = tpu.memref_slice %arg3[%dma_start3A_596, %multiple_of3A_595] : memref<32x1000000xf32, #tpu.memory_space<hbm>> -> memref<32x128xf32, #tpu.memory_space<hbm>>
        %dma_start3A_598 = arith.constant 0 : i32
        %dma_start3A_599 = tpu.memref_slice %arg3[%dma_start3A_598, %multiple_of3A_595] : memref<32x1000000xf32, #tpu.memory_space<hbm>> -> memref<32x128xf32, #tpu.memory_space<hbm>>
        tpu.enqueue_dma source(%dma_start3A_599 : memref<32x128xf32, #tpu.memory_space<hbm>>) target(%arg11 : memref<32x128xf32, #tpu.memory_space<vmem>>) target_semaphore(%arg27 : memref<!tpu.dma_semaphore, #tpu.memory_space<semaphore_mem>>)
        %slice3A_600 = vector.extract_strided_slice %and3A_585 {offsets = [2], sizes = [1], strides = [1]} : vector<16xi32> to vector<1xi32>
        %squeeze3A_601 = vector.extract %slice3A_600[0] : i32 from vector<1xi32>
        %multiple_of3A_602 = tpu.assume_multiple %squeeze3A_601, 128 : i32
        %dma_start3A_603 = arith.constant 0 : i32
        %dma_start3A_604 = tpu.memref_slice %arg3[%dma_start3A_603, %multiple_of3A_602] : memref<32x1000000xf32, #tpu.memory_space<hbm>> -> memref<32x128xf32, #tpu.memory_space<hbm>>
        %dma_start3A_605 = arith.constant 0 : i32
        %dma_start3A_606 = tpu.memref_slice %arg3[%dma_start3A_605, %multiple_of3A_602] : memref<32x1000000xf32, #tpu.memory_space<hbm>> -> memref<32x128xf32, #tpu.memory_space<hbm>>
        tpu.enqueue_dma source(%dma_start3A_606 : memref<32x128xf32, #tpu.memory_space<hbm>>) target(%arg12 : memref<32x128xf32, #tpu.memory_space<vmem>>) target_semaphore(%arg28 : memref<!tpu.dma_semaphore, #tpu.memory_space<semaphore_mem>>)
        %slice3A_607 = vector.extract_strided_slice %and3A_585 {offsets = [3], sizes = [1], strides = [1]} : vector<16xi32> to vector<1xi32>
        %squeeze3A_608 = vector.extract %slice3A_607[0] : i32 from vector<1xi32>
        %multiple_of3A_609 = tpu.assume_multiple %squeeze3A_608, 128 : i32
        %dma_start3A_610 = arith.constant 0 : i32
        %dma_start3A_611 = tpu.memref_slice %arg3[%dma_start3A_610, %multiple_of3A_609] : memref<32x1000000xf32, #tpu.memory_space<hbm>> -> memref<32x128xf32, #tpu.memory_space<hbm>>
        %dma_start3A_612 = arith.constant 0 : i32
        %dma_start3A_613 = tpu.memref_slice %arg3[%dma_start3A_612, %multiple_of3A_609] : memref<32x1000000xf32, #tpu.memory_space<hbm>> -> memref<32x128xf32, #tpu.memory_space<hbm>>
        tpu.enqueue_dma source(%dma_start3A_613 : memref<32x128xf32, #tpu.memory_space<hbm>>) target(%arg13 : memref<32x128xf32, #tpu.memory_space<vmem>>) target_semaphore(%arg29 : memref<!tpu.dma_semaphore, #tpu.memory_space<semaphore_mem>>)
        %slice3A_614 = vector.extract_strided_slice %and3A_585 {offsets = [4], sizes = [1], strides = [1]} : vector<16xi32> to vector<1xi32>
        %squeeze3A_615 = vector.extract %slice3A_614[0] : i32 from vector<1xi32>
        %multiple_of3A_616 = tpu.assume_multiple %squeeze3A_615, 128 : i32
        %dma_start3A_617 = arith.constant 0 : i32
        %dma_start3A_618 = tpu.memref_slice %arg3[%dma_start3A_617, %multiple_of3A_616] : memref<32x1000000xf32, #tpu.memory_space<hbm>> -> memref<32x128xf32, #tpu.memory_space<hbm>>
        %dma_start3A_619 = arith.constant 0 : i32
        %dma_start3A_620 = tpu.memref_slice %arg3[%dma_start3A_619, %multiple_of3A_616] : memref<32x1000000xf32, #tpu.memory_space<hbm>> -> memref<32x128xf32, #tpu.memory_space<hbm>>
        tpu.enqueue_dma source(%dma_start3A_620 : memref<32x128xf32, #tpu.memory_space<hbm>>) target(%arg14 : memref<32x128xf32, #tpu.memory_space<vmem>>) target_semaphore(%arg30 : memref<!tpu.dma_semaphore, #tpu.memory_space<semaphore_mem>>)
        %slice3A_621 = vector.extract_strided_slice %and3A_585 {offsets = [5], sizes = [1], strides = [1]} : vector<16xi32> to vector<1xi32>
        %squeeze3A_622 = vector.extract %slice3A_621[0] : i32 from vector<1xi32>
        %multiple_of3A_623 = tpu.assume_multiple %squeeze3A_622, 128 : i32
        %dma_start3A_624 = arith.constant 0 : i32
        %dma_start3A_625 = tpu.memref_slice %arg3[%dma_start3A_624, %multiple_of3A_623] : memref<32x1000000xf32, #tpu.memory_space<hbm>> -> memref<32x128xf32, #tpu.memory_space<hbm>>
        %dma_start3A_626 = arith.constant 0 : i32
        %dma_start3A_627 = tpu.memref_slice %arg3[%dma_start3A_626, %multiple_of3A_623] : memref<32x1000000xf32, #tpu.memory_space<hbm>> -> memref<32x128xf32, #tpu.memory_space<hbm>>
        tpu.enqueue_dma source(%dma_start3A_627 : memref<32x128xf32, #tpu.memory_space<hbm>>) target(%arg15 : memref<32x128xf32, #tpu.memory_space<vmem>>) target_semaphore(%arg31 : memref<!tpu.dma_semaphore, #tpu.memory_space<semaphore_mem>>)
        %slice3A_628 = vector.extract_strided_slice %and3A_585 {offsets = [6], sizes = [1], strides = [1]} : vector<16xi32> to vector<1xi32>
        %squeeze3A_629 = vector.extract %slice3A_628[0] : i32 from vector<1xi32>
        %multiple_of3A_630 = tpu.assume_multiple %squeeze3A_629, 128 : i32
        %dma_start3A_631 = arith.constant 0 : i32
        %dma_start3A_632 = tpu.memref_slice %arg3[%dma_start3A_631, %multiple_of3A_630] : memref<32x1000000xf32, #tpu.memory_space<hbm>> -> memref<32x128xf32, #tpu.memory_space<hbm>>
        %dma_start3A_633 = arith.constant 0 : i32
        %dma_start3A_634 = tpu.memref_slice %arg3[%dma_start3A_633, %multiple_of3A_630] : memref<32x1000000xf32, #tpu.memory_space<hbm>> -> memref<32x128xf32, #tpu.memory_space<hbm>>
        tpu.enqueue_dma source(%dma_start3A_634 : memref<32x128xf32, #tpu.memory_space<hbm>>) target(%arg16 : memref<32x128xf32, #tpu.memory_space<vmem>>) target_semaphore(%arg32 : memref<!tpu.dma_semaphore, #tpu.memory_space<semaphore_mem>>)
        %slice3A_635 = vector.extract_strided_slice %and3A_585 {offsets = [7], sizes = [1], strides = [1]} : vector<16xi32> to vector<1xi32>
        %squeeze3A_636 = vector.extract %slice3A_635[0] : i32 from vector<1xi32>
        %multiple_of3A_637 = tpu.assume_multiple %squeeze3A_636, 128 : i32
        %dma_start3A_638 = arith.constant 0 : i32
        %dma_start3A_639 = tpu.memref_slice %arg3[%dma_start3A_638, %multiple_of3A_637] : memref<32x1000000xf32, #tpu.memory_space<hbm>> -> memref<32x128xf32, #tpu.memory_space<hbm>>
        %dma_start3A_640 = arith.constant 0 : i32
        %dma_start3A_641 = tpu.memref_slice %arg3[%dma_start3A_640, %multiple_of3A_637] : memref<32x1000000xf32, #tpu.memory_space<hbm>> -> memref<32x128xf32, #tpu.memory_space<hbm>>
        tpu.enqueue_dma source(%dma_start3A_641 : memref<32x128xf32, #tpu.memory_space<hbm>>) target(%arg17 : memref<32x128xf32, #tpu.memory_space<vmem>>) target_semaphore(%arg33 : memref<!tpu.dma_semaphore, #tpu.memory_space<semaphore_mem>>)
        %slice3A_642 = vector.extract_strided_slice %and3A_585 {offsets = [8], sizes = [1], strides = [1]} : vector<16xi32> to vector<1xi32>
        %squeeze3A_643 = vector.extract %slice3A_642[0] : i32 from vector<1xi32>
        %multiple_of3A_644 = tpu.assume_multiple %squeeze3A_643, 128 : i32
        %dma_start3A_645 = arith.constant 0 : i32
        %dma_start3A_646 = tpu.memref_slice %arg3[%dma_start3A_645, %multiple_of3A_644] : memref<32x1000000xf32, #tpu.memory_space<hbm>> -> memref<32x128xf32, #tpu.memory_space<hbm>>
        %dma_start3A_647 = arith.constant 0 : i32
        %dma_start3A_648 = tpu.memref_slice %arg3[%dma_start3A_647, %multiple_of3A_644] : memref<32x1000000xf32, #tpu.memory_space<hbm>> -> memref<32x128xf32, #tpu.memory_space<hbm>>
        tpu.enqueue_dma source(%dma_start3A_648 : memref<32x128xf32, #tpu.memory_space<hbm>>) target(%arg18 : memref<32x128xf32, #tpu.memory_space<vmem>>) target_semaphore(%arg34 : memref<!tpu.dma_semaphore, #tpu.memory_space<semaphore_mem>>)
        %slice3A_649 = vector.extract_strided_slice %and3A_585 {offsets = [9], sizes = [1], strides = [1]} : vector<16xi32> to vector<1xi32>
        %squeeze3A_650 = vector.extract %slice3A_649[0] : i32 from vector<1xi32>
        %multiple_of3A_651 = tpu.assume_multiple %squeeze3A_650, 128 : i32
        %dma_start3A_652 = arith.constant 0 : i32
        %dma_start3A_653 = tpu.memref_slice %arg3[%dma_start3A_652, %multiple_of3A_651] : memref<32x1000000xf32, #tpu.memory_space<hbm>> -> memref<32x128xf32, #tpu.memory_space<hbm>>
        %dma_start3A_654 = arith.constant 0 : i32
        %dma_start3A_655 = tpu.memref_slice %arg3[%dma_start3A_654, %multiple_of3A_651] : memref<32x1000000xf32, #tpu.memory_space<hbm>> -> memref<32x128xf32, #tpu.memory_space<hbm>>
        tpu.enqueue_dma source(%dma_start3A_655 : memref<32x128xf32, #tpu.memory_space<hbm>>) target(%arg19 : memref<32x128xf32, #tpu.memory_space<vmem>>) target_semaphore(%arg35 : memref<!tpu.dma_semaphore, #tpu.memory_space<semaphore_mem>>)
        %slice3A_656 = vector.extract_strided_slice %and3A_585 {offsets = [10], sizes = [1], strides = [1]} : vector<16xi32> to vector<1xi32>
        %squeeze3A_657 = vector.extract %slice3A_656[0] : i32 from vector<1xi32>
        %multiple_of3A_658 = tpu.assume_multiple %squeeze3A_657, 128 : i32
        %dma_start3A_659 = arith.constant 0 : i32
        %dma_start3A_660 = tpu.memref_slice %arg3[%dma_start3A_659, %multiple_of3A_658] : memref<32x1000000xf32, #tpu.memory_space<hbm>> -> memref<32x128xf32, #tpu.memory_space<hbm>>
        %dma_start3A_661 = arith.constant 0 : i32
        %dma_start3A_662 = tpu.memref_slice %arg3[%dma_start3A_661, %multiple_of3A_658] : memref<32x1000000xf32, #tpu.memory_space<hbm>> -> memref<32x128xf32, #tpu.memory_space<hbm>>
        tpu.enqueue_dma source(%dma_start3A_662 : memref<32x128xf32, #tpu.memory_space<hbm>>) target(%arg20 : memref<32x128xf32, #tpu.memory_space<vmem>>) target_semaphore(%arg36 : memref<!tpu.dma_semaphore, #tpu.memory_space<semaphore_mem>>)
        %slice3A_663 = vector.extract_strided_slice %and3A_585 {offsets = [11], sizes = [1], strides = [1]} : vector<16xi32> to vector<1xi32>
        %squeeze3A_664 = vector.extract %slice3A_663[0] : i32 from vector<1xi32>
        %multiple_of3A_665 = tpu.assume_multiple %squeeze3A_664, 128 : i32
        %dma_start3A_666 = arith.constant 0 : i32
        %dma_start3A_667 = tpu.memref_slice %arg3[%dma_start3A_666, %multiple_of3A_665] : memref<32x1000000xf32, #tpu.memory_space<hbm>> -> memref<32x128xf32, #tpu.memory_space<hbm>>
        %dma_start3A_668 = arith.constant 0 : i32
        %dma_start3A_669 = tpu.memref_slice %arg3[%dma_start3A_668, %multiple_of3A_665] : memref<32x1000000xf32, #tpu.memory_space<hbm>> -> memref<32x128xf32, #tpu.memory_space<hbm>>
        tpu.enqueue_dma source(%dma_start3A_669 : memref<32x128xf32, #tpu.memory_space<hbm>>) target(%arg21 : memref<32x128xf32, #tpu.memory_space<vmem>>) target_semaphore(%arg37 : memref<!tpu.dma_semaphore, #tpu.memory_space<semaphore_mem>>)
        %slice3A_670 = vector.extract_strided_slice %and3A_585 {offsets = [12], sizes = [1], strides = [1]} : vector<16xi32> to vector<1xi32>
        %squeeze3A_671 = vector.extract %slice3A_670[0] : i32 from vector<1xi32>
        %multiple_of3A_672 = tpu.assume_multiple %squeeze3A_671, 128 : i32
        %dma_start3A_673 = arith.constant 0 : i32
        %dma_start3A_674 = tpu.memref_slice %arg3[%dma_start3A_673, %multiple_of3A_672] : memref<32x1000000xf32, #tpu.memory_space<hbm>> -> memref<32x128xf32, #tpu.memory_space<hbm>>
        %dma_start3A_675 = arith.constant 0 : i32
        %dma_start3A_676 = tpu.memref_slice %arg3[%dma_start3A_675, %multiple_of3A_672] : memref<32x1000000xf32, #tpu.memory_space<hbm>> -> memref<32x128xf32, #tpu.memory_space<hbm>>
        tpu.enqueue_dma source(%dma_start3A_676 : memref<32x128xf32, #tpu.memory_space<hbm>>) target(%arg22 : memref<32x128xf32, #tpu.memory_space<vmem>>) target_semaphore(%arg38 : memref<!tpu.dma_semaphore, #tpu.memory_space<semaphore_mem>>)
        %slice3A_677 = vector.extract_strided_slice %and3A_585 {offsets = [13], sizes = [1], strides = [1]} : vector<16xi32> to vector<1xi32>
        %squeeze3A_678 = vector.extract %slice3A_677[0] : i32 from vector<1xi32>
        %multiple_of3A_679 = tpu.assume_multiple %squeeze3A_678, 128 : i32
        %dma_start3A_680 = arith.constant 0 : i32
        %dma_start3A_681 = tpu.memref_slice %arg3[%dma_start3A_680, %multiple_of3A_679] : memref<32x1000000xf32, #tpu.memory_space<hbm>> -> memref<32x128xf32, #tpu.memory_space<hbm>>
        %dma_start3A_682 = arith.constant 0 : i32
        %dma_start3A_683 = tpu.memref_slice %arg3[%dma_start3A_682, %multiple_of3A_679] : memref<32x1000000xf32, #tpu.memory_space<hbm>> -> memref<32x128xf32, #tpu.memory_space<hbm>>
        tpu.enqueue_dma source(%dma_start3A_683 : memref<32x128xf32, #tpu.memory_space<hbm>>) target(%arg23 : memref<32x128xf32, #tpu.memory_space<vmem>>) target_semaphore(%arg39 : memref<!tpu.dma_semaphore, #tpu.memory_space<semaphore_mem>>)
        %slice3A_684 = vector.extract_strided_slice %and3A_585 {offsets = [14], sizes = [1], strides = [1]} : vector<16xi32> to vector<1xi32>
        %squeeze3A_685 = vector.extract %slice3A_684[0] : i32 from vector<1xi32>
        %multiple_of3A_686 = tpu.assume_multiple %squeeze3A_685, 128 : i32
        %dma_start3A_687 = arith.constant 0 : i32
        %dma_start3A_688 = tpu.memref_slice %arg3[%dma_start3A_687, %multiple_of3A_686] : memref<32x1000000xf32, #tpu.memory_space<hbm>> -> memref<32x128xf32, #tpu.memory_space<hbm>>
        %dma_start3A_689 = arith.constant 0 : i32
        %dma_start3A_690 = tpu.memref_slice %arg3[%dma_start3A_689, %multiple_of3A_686] : memref<32x1000000xf32, #tpu.memory_space<hbm>> -> memref<32x128xf32, #tpu.memory_space<hbm>>
        tpu.enqueue_dma source(%dma_start3A_690 : memref<32x128xf32, #tpu.memory_space<hbm>>) target(%arg24 : memref<32x128xf32, #tpu.memory_space<vmem>>) target_semaphore(%arg40 : memref<!tpu.dma_semaphore, #tpu.memory_space<semaphore_mem>>)
        %slice3A_691 = vector.extract_strided_slice %and3A_585 {offsets = [15], sizes = [1], strides = [1]} : vector<16xi32> to vector<1xi32>
        %squeeze3A_692 = vector.extract %slice3A_691[0] : i32 from vector<1xi32>
        %multiple_of3A_693 = tpu.assume_multiple %squeeze3A_692, 128 : i32
        %dma_start3A_694 = arith.constant 0 : i32
        %dma_start3A_695 = tpu.memref_slice %arg3[%dma_start3A_694, %multiple_of3A_693] : memref<32x1000000xf32, #tpu.memory_space<hbm>> -> memref<32x128xf32, #tpu.memory_space<hbm>>
        %dma_start3A_696 = arith.constant 0 : i32
        %dma_start3A_697 = tpu.memref_slice %arg3[%dma_start3A_696, %multiple_of3A_693] : memref<32x1000000xf32, #tpu.memory_space<hbm>> -> memref<32x128xf32, #tpu.memory_space<hbm>>
        tpu.enqueue_dma source(%dma_start3A_697 : memref<32x128xf32, #tpu.memory_space<hbm>>) target(%arg25 : memref<32x128xf32, #tpu.memory_space<vmem>>) target_semaphore(%arg41 : memref<!tpu.dma_semaphore, #tpu.memory_space<semaphore_mem>>)
      } else {
      }
    }
    %scan3A_123 = arith.constant 32 : i32
    %barrier3A = arith.constant 0 : index
    tpu.barrier barrier_id(%barrier3A)
    %dma_start3A_124 = arith.constant 0 : i32
    %dma_start3A_125 = arith.constant 0 : i32
    %dma_start3A_126 = arith.constant 0 : i32
    %dma_start3A_127 = tpu.memref_slice %arg5[%dma_start3A_124, %dma_start3A_125, %dma_start3A_126] : memref<2x32x16384xf32, #tpu.memory_space<hbm>> -> memref<1x32x16384xf32, #tpu.memory_space<hbm>>
    %dma_start3A_128 = tpu.memref_squeeze %dma_start3A_127 : memref<1x32x16384xf32, #tpu.memory_space<hbm>> -> memref<32x16384xf32, #tpu.memory_space<hbm>>
    %dma_start3A_129 = arith.constant 0 : i32
    %dma_start3A_130 = tpu.memref_slice %dma_start3A_128[%dma_start3A_129, %mul3A_2] : memref<32x16384xf32, #tpu.memory_space<hbm>> -> memref<32x512xf32, #tpu.memory_space<hbm>>
    %dma_start3A_131 = arith.constant 0 : i32
    %dma_start3A_132 = arith.constant 0 : i32
    %dma_start3A_133 = tpu.memref_slice %arg5[%dma_start3A_124, %dma_start3A_131, %dma_start3A_132] : memref<2x32x16384xf32, #tpu.memory_space<hbm>> -> memref<1x32x16384xf32, #tpu.memory_space<hbm>>
    %dma_start3A_134 = tpu.memref_squeeze %dma_start3A_133 : memref<1x32x16384xf32, #tpu.memory_space<hbm>> -> memref<32x16384xf32, #tpu.memory_space<hbm>>
    %dma_start3A_135 = arith.constant 0 : i32
    %dma_start3A_136 = tpu.memref_slice %dma_start3A_134[%dma_start3A_135, %mul3A_2] : memref<32x16384xf32, #tpu.memory_space<hbm>> -> memref<32x512xf32, #tpu.memory_space<hbm>>
    tpu.enqueue_dma source(%arg7 : memref<32x512xf32, #tpu.memory_space<vmem>>) target(%dma_start3A_136 : memref<32x512xf32, #tpu.memory_space<hbm>>) target_semaphore(%arg9 : memref<!tpu.dma_semaphore, #tpu.memory_space<semaphore_mem>>)
    %get3A_137 = arith.constant 1 : i32
    %get3A_138 = arith.index_cast %get3A_137 : i32 to index
    %get3A_139 = arith.constant 0 : index
    %get3A_140 = tpu.vector_load %arg6[%get3A_138, %get3A_139] {strides = array<i32>} : memref<2x512xi32, #tpu.memory_space<vmem>>, vector<16xi32>,
    %and3A_141 = arith.constant -128 : i32
    %and3A_142 = vector.broadcast %and3A_141 : i32 to vector<16xi32>
    %and3A_143 = arith.andi %get3A_140, %and3A_142 : vector<16xi32>
    %slice3A_144 = vector.extract_strided_slice %and3A_143 {offsets = [0], sizes = [1], strides = [1]} : vector<16xi32> to vector<1xi32>
    %squeeze3A_145 = vector.extract %slice3A_144[0] : i32 from vector<1xi32>
    %multiple_of3A_146 = tpu.assume_multiple %squeeze3A_145, 128 : i32
    %dma_start3A_147 = arith.constant 0 : i32
    %dma_start3A_148 = tpu.memref_slice %arg4[%dma_start3A_147, %multiple_of3A_146] : memref<32x1000000xf32, #tpu.memory_space<hbm>> -> memref<32x128xf32, #tpu.memory_space<hbm>>
    %dma_start3A_149 = arith.constant 0 : i32
    %dma_start3A_150 = tpu.memref_slice %arg4[%dma_start3A_149, %multiple_of3A_146] : memref<32x1000000xf32, #tpu.memory_space<hbm>> -> memref<32x128xf32, #tpu.memory_space<hbm>>
    tpu.enqueue_dma source(%dma_start3A_150 : memref<32x128xf32, #tpu.memory_space<hbm>>) target(%arg10 : memref<32x128xf32, #tpu.memory_space<vmem>>) target_semaphore(%arg26 : memref<!tpu.dma_semaphore, #tpu.memory_space<semaphore_mem>>)
    %slice3A_151 = vector.extract_strided_slice %and3A_143 {offsets = [1], sizes = [1], strides = [1]} : vector<16xi32> to vector<1xi32>
    %squeeze3A_152 = vector.extract %slice3A_151[0] : i32 from vector<1xi32>
    %multiple_of3A_153 = tpu.assume_multiple %squeeze3A_152, 128 : i32
    %dma_start3A_154 = arith.constant 0 : i32
    %dma_start3A_155 = tpu.memref_slice %arg4[%dma_start3A_154, %multiple_of3A_153] : memref<32x1000000xf32, #tpu.memory_space<hbm>> -> memref<32x128xf32, #tpu.memory_space<hbm>>
    %dma_start3A_156 = arith.constant 0 : i32
    %dma_start3A_157 = tpu.memref_slice %arg4[%dma_start3A_156, %multiple_of3A_153] : memref<32x1000000xf32, #tpu.memory_space<hbm>> -> memref<32x128xf32, #tpu.memory_space<hbm>>
    tpu.enqueue_dma source(%dma_start3A_157 : memref<32x128xf32, #tpu.memory_space<hbm>>) target(%arg11 : memref<32x128xf32, #tpu.memory_space<vmem>>) target_semaphore(%arg27 : memref<!tpu.dma_semaphore, #tpu.memory_space<semaphore_mem>>)
    %slice3A_158 = vector.extract_strided_slice %and3A_143 {offsets = [2], sizes = [1], strides = [1]} : vector<16xi32> to vector<1xi32>
    %squeeze3A_159 = vector.extract %slice3A_158[0] : i32 from vector<1xi32>
    %multiple_of3A_160 = tpu.assume_multiple %squeeze3A_159, 128 : i32
    %dma_start3A_161 = arith.constant 0 : i32
    %dma_start3A_162 = tpu.memref_slice %arg4[%dma_start3A_161, %multiple_of3A_160] : memref<32x1000000xf32, #tpu.memory_space<hbm>> -> memref<32x128xf32, #tpu.memory_space<hbm>>
    %dma_start3A_163 = arith.constant 0 : i32
    %dma_start3A_164 = tpu.memref_slice %arg4[%dma_start3A_163, %multiple_of3A_160] : memref<32x1000000xf32, #tpu.memory_space<hbm>> -> memref<32x128xf32, #tpu.memory_space<hbm>>
    tpu.enqueue_dma source(%dma_start3A_164 : memref<32x128xf32, #tpu.memory_space<hbm>>) target(%arg12 : memref<32x128xf32, #tpu.memory_space<vmem>>) target_semaphore(%arg28 : memref<!tpu.dma_semaphore, #tpu.memory_space<semaphore_mem>>)
    %slice3A_165 = vector.extract_strided_slice %and3A_143 {offsets = [3], sizes = [1], strides = [1]} : vector<16xi32> to vector<1xi32>
    %squeeze3A_166 = vector.extract %slice3A_165[0] : i32 from vector<1xi32>
    %multiple_of3A_167 = tpu.assume_multiple %squeeze3A_166, 128 : i32
    %dma_start3A_168 = arith.constant 0 : i32
    %dma_start3A_169 = tpu.memref_slice %arg4[%dma_start3A_168, %multiple_of3A_167] : memref<32x1000000xf32, #tpu.memory_space<hbm>> -> memref<32x128xf32, #tpu.memory_space<hbm>>
    %dma_start3A_170 = arith.constant 0 : i32
    %dma_start3A_171 = tpu.memref_slice %arg4[%dma_start3A_170, %multiple_of3A_167] : memref<32x1000000xf32, #tpu.memory_space<hbm>> -> memref<32x128xf32, #tpu.memory_space<hbm>>
    tpu.enqueue_dma source(%dma_start3A_171 : memref<32x128xf32, #tpu.memory_space<hbm>>) target(%arg13 : memref<32x128xf32, #tpu.memory_space<vmem>>) target_semaphore(%arg29 : memref<!tpu.dma_semaphore, #tpu.memory_space<semaphore_mem>>)
    %slice3A_172 = vector.extract_strided_slice %and3A_143 {offsets = [4], sizes = [1], strides = [1]} : vector<16xi32> to vector<1xi32>
    %squeeze3A_173 = vector.extract %slice3A_172[0] : i32 from vector<1xi32>
    %multiple_of3A_174 = tpu.assume_multiple %squeeze3A_173, 128 : i32
    %dma_start3A_175 = arith.constant 0 : i32
    %dma_start3A_176 = tpu.memref_slice %arg4[%dma_start3A_175, %multiple_of3A_174] : memref<32x1000000xf32, #tpu.memory_space<hbm>> -> memref<32x128xf32, #tpu.memory_space<hbm>>
    %dma_start3A_177 = arith.constant 0 : i32
    %dma_start3A_178 = tpu.memref_slice %arg4[%dma_start3A_177, %multiple_of3A_174] : memref<32x1000000xf32, #tpu.memory_space<hbm>> -> memref<32x128xf32, #tpu.memory_space<hbm>>
    tpu.enqueue_dma source(%dma_start3A_178 : memref<32x128xf32, #tpu.memory_space<hbm>>) target(%arg14 : memref<32x128xf32, #tpu.memory_space<vmem>>) target_semaphore(%arg30 : memref<!tpu.dma_semaphore, #tpu.memory_space<semaphore_mem>>)
    %slice3A_179 = vector.extract_strided_slice %and3A_143 {offsets = [5], sizes = [1], strides = [1]} : vector<16xi32> to vector<1xi32>
    %squeeze3A_180 = vector.extract %slice3A_179[0] : i32 from vector<1xi32>
    %multiple_of3A_181 = tpu.assume_multiple %squeeze3A_180, 128 : i32
    %dma_start3A_182 = arith.constant 0 : i32
    %dma_start3A_183 = tpu.memref_slice %arg4[%dma_start3A_182, %multiple_of3A_181] : memref<32x1000000xf32, #tpu.memory_space<hbm>> -> memref<32x128xf32, #tpu.memory_space<hbm>>
    %dma_start3A_184 = arith.constant 0 : i32
    %dma_start3A_185 = tpu.memref_slice %arg4[%dma_start3A_184, %multiple_of3A_181] : memref<32x1000000xf32, #tpu.memory_space<hbm>> -> memref<32x128xf32, #tpu.memory_space<hbm>>
    tpu.enqueue_dma source(%dma_start3A_185 : memref<32x128xf32, #tpu.memory_space<hbm>>) target(%arg15 : memref<32x128xf32, #tpu.memory_space<vmem>>) target_semaphore(%arg31 : memref<!tpu.dma_semaphore, #tpu.memory_space<semaphore_mem>>)
    %slice3A_186 = vector.extract_strided_slice %and3A_143 {offsets = [6], sizes = [1], strides = [1]} : vector<16xi32> to vector<1xi32>
    %squeeze3A_187 = vector.extract %slice3A_186[0] : i32 from vector<1xi32>
    %multiple_of3A_188 = tpu.assume_multiple %squeeze3A_187, 128 : i32
    %dma_start3A_189 = arith.constant 0 : i32
    %dma_start3A_190 = tpu.memref_slice %arg4[%dma_start3A_189, %multiple_of3A_188] : memref<32x1000000xf32, #tpu.memory_space<hbm>> -> memref<32x128xf32, #tpu.memory_space<hbm>>
    %dma_start3A_191 = arith.constant 0 : i32
    %dma_start3A_192 = tpu.memref_slice %arg4[%dma_start3A_191, %multiple_of3A_188] : memref<32x1000000xf32, #tpu.memory_space<hbm>> -> memref<32x128xf32, #tpu.memory_space<hbm>>
    tpu.enqueue_dma source(%dma_start3A_192 : memref<32x128xf32, #tpu.memory_space<hbm>>) target(%arg16 : memref<32x128xf32, #tpu.memory_space<vmem>>) target_semaphore(%arg32 : memref<!tpu.dma_semaphore, #tpu.memory_space<semaphore_mem>>)
    %slice3A_193 = vector.extract_strided_slice %and3A_143 {offsets = [7], sizes = [1], strides = [1]} : vector<16xi32> to vector<1xi32>
    %squeeze3A_194 = vector.extract %slice3A_193[0] : i32 from vector<1xi32>
    %multiple_of3A_195 = tpu.assume_multiple %squeeze3A_194, 128 : i32
    %dma_start3A_196 = arith.constant 0 : i32
    %dma_start3A_197 = tpu.memref_slice %arg4[%dma_start3A_196, %multiple_of3A_195] : memref<32x1000000xf32, #tpu.memory_space<hbm>> -> memref<32x128xf32, #tpu.memory_space<hbm>>
    %dma_start3A_198 = arith.constant 0 : i32
    %dma_start3A_199 = tpu.memref_slice %arg4[%dma_start3A_198, %multiple_of3A_195] : memref<32x1000000xf32, #tpu.memory_space<hbm>> -> memref<32x128xf32, #tpu.memory_space<hbm>>
    tpu.enqueue_dma source(%dma_start3A_199 : memref<32x128xf32, #tpu.memory_space<hbm>>) target(%arg17 : memref<32x128xf32, #tpu.memory_space<vmem>>) target_semaphore(%arg33 : memref<!tpu.dma_semaphore, #tpu.memory_space<semaphore_mem>>)
    %slice3A_200 = vector.extract_strided_slice %and3A_143 {offsets = [8], sizes = [1], strides = [1]} : vector<16xi32> to vector<1xi32>
    %squeeze3A_201 = vector.extract %slice3A_200[0] : i32 from vector<1xi32>
    %multiple_of3A_202 = tpu.assume_multiple %squeeze3A_201, 128 : i32
    %dma_start3A_203 = arith.constant 0 : i32
    %dma_start3A_204 = tpu.memref_slice %arg4[%dma_start3A_203, %multiple_of3A_202] : memref<32x1000000xf32, #tpu.memory_space<hbm>> -> memref<32x128xf32, #tpu.memory_space<hbm>>
    %dma_start3A_205 = arith.constant 0 : i32
    %dma_start3A_206 = tpu.memref_slice %arg4[%dma_start3A_205, %multiple_of3A_202] : memref<32x1000000xf32, #tpu.memory_space<hbm>> -> memref<32x128xf32, #tpu.memory_space<hbm>>
    tpu.enqueue_dma source(%dma_start3A_206 : memref<32x128xf32, #tpu.memory_space<hbm>>) target(%arg18 : memref<32x128xf32, #tpu.memory_space<vmem>>) target_semaphore(%arg34 : memref<!tpu.dma_semaphore, #tpu.memory_space<semaphore_mem>>)
    %slice3A_207 = vector.extract_strided_slice %and3A_143 {offsets = [9], sizes = [1], strides = [1]} : vector<16xi32> to vector<1xi32>
    %squeeze3A_208 = vector.extract %slice3A_207[0] : i32 from vector<1xi32>
    %multiple_of3A_209 = tpu.assume_multiple %squeeze3A_208, 128 : i32
    %dma_start3A_210 = arith.constant 0 : i32
    %dma_start3A_211 = tpu.memref_slice %arg4[%dma_start3A_210, %multiple_of3A_209] : memref<32x1000000xf32, #tpu.memory_space<hbm>> -> memref<32x128xf32, #tpu.memory_space<hbm>>
    %dma_start3A_212 = arith.constant 0 : i32
    %dma_start3A_213 = tpu.memref_slice %arg4[%dma_start3A_212, %multiple_of3A_209] : memref<32x1000000xf32, #tpu.memory_space<hbm>> -> memref<32x128xf32, #tpu.memory_space<hbm>>
    tpu.enqueue_dma source(%dma_start3A_213 : memref<32x128xf32, #tpu.memory_space<hbm>>) target(%arg19 : memref<32x128xf32, #tpu.memory_space<vmem>>) target_semaphore(%arg35 : memref<!tpu.dma_semaphore, #tpu.memory_space<semaphore_mem>>)
    %slice3A_214 = vector.extract_strided_slice %and3A_143 {offsets = [10], sizes = [1], strides = [1]} : vector<16xi32> to vector<1xi32>
    %squeeze3A_215 = vector.extract %slice3A_214[0] : i32 from vector<1xi32>
    %multiple_of3A_216 = tpu.assume_multiple %squeeze3A_215, 128 : i32
    %dma_start3A_217 = arith.constant 0 : i32
    %dma_start3A_218 = tpu.memref_slice %arg4[%dma_start3A_217, %multiple_of3A_216] : memref<32x1000000xf32, #tpu.memory_space<hbm>> -> memref<32x128xf32, #tpu.memory_space<hbm>>
    %dma_start3A_219 = arith.constant 0 : i32
    %dma_start3A_220 = tpu.memref_slice %arg4[%dma_start3A_219, %multiple_of3A_216] : memref<32x1000000xf32, #tpu.memory_space<hbm>> -> memref<32x128xf32, #tpu.memory_space<hbm>>
    tpu.enqueue_dma source(%dma_start3A_220 : memref<32x128xf32, #tpu.memory_space<hbm>>) target(%arg20 : memref<32x128xf32, #tpu.memory_space<vmem>>) target_semaphore(%arg36 : memref<!tpu.dma_semaphore, #tpu.memory_space<semaphore_mem>>)
    %slice3A_221 = vector.extract_strided_slice %and3A_143 {offsets = [11], sizes = [1], strides = [1]} : vector<16xi32> to vector<1xi32>
    %squeeze3A_222 = vector.extract %slice3A_221[0] : i32 from vector<1xi32>
    %multiple_of3A_223 = tpu.assume_multiple %squeeze3A_222, 128 : i32
    %dma_start3A_224 = arith.constant 0 : i32
    %dma_start3A_225 = tpu.memref_slice %arg4[%dma_start3A_224, %multiple_of3A_223] : memref<32x1000000xf32, #tpu.memory_space<hbm>> -> memref<32x128xf32, #tpu.memory_space<hbm>>
    %dma_start3A_226 = arith.constant 0 : i32
    %dma_start3A_227 = tpu.memref_slice %arg4[%dma_start3A_226, %multiple_of3A_223] : memref<32x1000000xf32, #tpu.memory_space<hbm>> -> memref<32x128xf32, #tpu.memory_space<hbm>>
    tpu.enqueue_dma source(%dma_start3A_227 : memref<32x128xf32, #tpu.memory_space<hbm>>) target(%arg21 : memref<32x128xf32, #tpu.memory_space<vmem>>) target_semaphore(%arg37 : memref<!tpu.dma_semaphore, #tpu.memory_space<semaphore_mem>>)
    %slice3A_228 = vector.extract_strided_slice %and3A_143 {offsets = [12], sizes = [1], strides = [1]} : vector<16xi32> to vector<1xi32>
    %squeeze3A_229 = vector.extract %slice3A_228[0] : i32 from vector<1xi32>
    %multiple_of3A_230 = tpu.assume_multiple %squeeze3A_229, 128 : i32
    %dma_start3A_231 = arith.constant 0 : i32
    %dma_start3A_232 = tpu.memref_slice %arg4[%dma_start3A_231, %multiple_of3A_230] : memref<32x1000000xf32, #tpu.memory_space<hbm>> -> memref<32x128xf32, #tpu.memory_space<hbm>>
    %dma_start3A_233 = arith.constant 0 : i32
    %dma_start3A_234 = tpu.memref_slice %arg4[%dma_start3A_233, %multiple_of3A_230] : memref<32x1000000xf32, #tpu.memory_space<hbm>> -> memref<32x128xf32, #tpu.memory_space<hbm>>
    tpu.enqueue_dma source(%dma_start3A_234 : memref<32x128xf32, #tpu.memory_space<hbm>>) target(%arg22 : memref<32x128xf32, #tpu.memory_space<vmem>>) target_semaphore(%arg38 : memref<!tpu.dma_semaphore, #tpu.memory_space<semaphore_mem>>)
    %slice3A_235 = vector.extract_strided_slice %and3A_143 {offsets = [13], sizes = [1], strides = [1]} : vector<16xi32> to vector<1xi32>
    %squeeze3A_236 = vector.extract %slice3A_235[0] : i32 from vector<1xi32>
    %multiple_of3A_237 = tpu.assume_multiple %squeeze3A_236, 128 : i32
    %dma_start3A_238 = arith.constant 0 : i32
    %dma_start3A_239 = tpu.memref_slice %arg4[%dma_start3A_238, %multiple_of3A_237] : memref<32x1000000xf32, #tpu.memory_space<hbm>> -> memref<32x128xf32, #tpu.memory_space<hbm>>
    %dma_start3A_240 = arith.constant 0 : i32
    %dma_start3A_241 = tpu.memref_slice %arg4[%dma_start3A_240, %multiple_of3A_237] : memref<32x1000000xf32, #tpu.memory_space<hbm>> -> memref<32x128xf32, #tpu.memory_space<hbm>>
    tpu.enqueue_dma source(%dma_start3A_241 : memref<32x128xf32, #tpu.memory_space<hbm>>) target(%arg23 : memref<32x128xf32, #tpu.memory_space<vmem>>) target_semaphore(%arg39 : memref<!tpu.dma_semaphore, #tpu.memory_space<semaphore_mem>>)
    %slice3A_242 = vector.extract_strided_slice %and3A_143 {offsets = [14], sizes = [1], strides = [1]} : vector<16xi32> to vector<1xi32>
    %squeeze3A_243 = vector.extract %slice3A_242[0] : i32 from vector<1xi32>
    %multiple_of3A_244 = tpu.assume_multiple %squeeze3A_243, 128 : i32
    %dma_start3A_245 = arith.constant 0 : i32
    %dma_start3A_246 = tpu.memref_slice %arg4[%dma_start3A_245, %multiple_of3A_244] : memref<32x1000000xf32, #tpu.memory_space<hbm>> -> memref<32x128xf32, #tpu.memory_space<hbm>>
    %dma_start3A_247 = arith.constant 0 : i32
    %dma_start3A_248 = tpu.memref_slice %arg4[%dma_start3A_247, %multiple_of3A_244] : memref<32x1000000xf32, #tpu.memory_space<hbm>> -> memref<32x128xf32, #tpu.memory_space<hbm>>
    tpu.enqueue_dma source(%dma_start3A_248 : memref<32x128xf32, #tpu.memory_space<hbm>>) target(%arg24 : memref<32x128xf32, #tpu.memory_space<vmem>>) target_semaphore(%arg40 : memref<!tpu.dma_semaphore, #tpu.memory_space<semaphore_mem>>)
    %slice3A_249 = vector.extract_strided_slice %and3A_143 {offsets = [15], sizes = [1], strides = [1]} : vector<16xi32> to vector<1xi32>
    %squeeze3A_250 = vector.extract %slice3A_249[0] : i32 from vector<1xi32>
    %multiple_of3A_251 = tpu.assume_multiple %squeeze3A_250, 128 : i32
    %dma_start3A_252 = arith.constant 0 : i32
    %dma_start3A_253 = tpu.memref_slice %arg4[%dma_start3A_252, %multiple_of3A_251] : memref<32x1000000xf32, #tpu.memory_space<hbm>> -> memref<32x128xf32, #tpu.memory_space<hbm>>
    %dma_start3A_254 = arith.constant 0 : i32
    %dma_start3A_255 = tpu.memref_slice %arg4[%dma_start3A_254, %multiple_of3A_251] : memref<32x1000000xf32, #tpu.memory_space<hbm>> -> memref<32x128xf32, #tpu.memory_space<hbm>>
    tpu.enqueue_dma source(%dma_start3A_255 : memref<32x128xf32, #tpu.memory_space<hbm>>) target(%arg25 : memref<32x128xf32, #tpu.memory_space<vmem>>) target_semaphore(%arg41 : memref<!tpu.dma_semaphore, #tpu.memory_space<semaphore_mem>>)
    %scan3A_256 = arith.constant 0 : i32
    %scan3A_257 = arith.constant 0 : i32
    %scan3A_258 = arith.constant 32 : i32
    %scan3A_259 = arith.addi %scan3A_257, %scan3A_258 : i32
    %scan3A_260 = arith.constant 1 : i32
    scf.for %scan3A_301 = %scan3A_257 to %scan3A_259 step %scan3A_260  : i32 {
      %mul3A_302 = arith.constant 16 : i32
      %mul3A_303 = arith.muli %scan3A_301, %mul3A_302 : i32
      %get3A_304 = arith.constant 1 : i32
      %get3A_305 = arith.index_cast %get3A_304 : i32 to index
      %get3A_306 = arith.index_cast %mul3A_303 : i32 to index
      %get3A_307 = tpu.vector_load %arg6[%get3A_305, %get3A_306] {strides = array<i32>} : memref<2x512xi32, #tpu.memory_space<vmem>>, vector<16xi32>,
      %mul3A_308 = arith.constant 16 : i32
      %mul3A_309 = arith.muli %scan3A_301, %mul3A_308 : i32
      %get3A_310 = arith.constant 1 : i32
      %get3A_311 = arith.index_cast %get3A_310 : i32 to index
      %get3A_312 = arith.index_cast %mul3A_309 : i32 to index
      %get3A_313 = tpu.vector_load %arg6[%get3A_311, %get3A_312] {strides = array<i32>} : memref<2x512xi32, #tpu.memory_space<vmem>>, vector<16xi32>,
      %and3A_314 = arith.constant -128 : i32
      %and3A_315 = vector.broadcast %and3A_314 : i32 to vector<16xi32>
      %and3A_316 = arith.andi %get3A_313, %and3A_315 : vector<16xi32>
      %sub3A = arith.subi %get3A_307, %and3A_316 : vector<16xi32>
      %dma_wait3A_317 = arith.constant 0 : i32
      %dma_wait3A_318 = arith.constant 0 : i32
      %dma_wait3A_319 = tpu.memref_slice %arg4[%dma_wait3A_317, %dma_wait3A_318] : memref<32x1000000xf32, #tpu.memory_space<hbm>> -> memref<32x128xf32, #tpu.memory_space<hbm>>
      %dma_wait3A_320 = arith.constant 0 : i32
      %dma_wait3A_321 = arith.constant 0 : i32
      %dma_wait3A_322 = tpu.memref_slice %arg4[%dma_wait3A_320, %dma_wait3A_321] : memref<32x1000000xf32, #tpu.memory_space<hbm>> -> memref<32x128xf32, #tpu.memory_space<hbm>>
      tpu.wait_dma2 semaphore(%arg26 : memref<!tpu.dma_semaphore, #tpu.memory_space<semaphore_mem>>) src(%dma_wait3A_322 : memref<32x128xf32, #tpu.memory_space<hbm>>) dst(%arg10 : memref<32x128xf32, #tpu.memory_space<vmem>>)
      %slice3A_323 = vector.extract_strided_slice %sub3A {offsets = [0], sizes = [1], strides = [1]} : vector<16xi32> to vector<1xi32>
      %squeeze3A_324 = vector.extract %slice3A_323[0] : i32 from vector<1xi32>
      %broadcast_in_dim3A = vector.broadcast %squeeze3A_324 : i32 to vector<16xi32>
      %mul3A_325 = arith.constant 16 : i32
      %mul3A_326 = arith.muli %scan3A_301, %mul3A_325 : i32
      %add3A_327 = arith.constant 0 : i32
      %add3A_328 = arith.addi %mul3A_326, %add3A_327 : i32
      %broadcast_in_dim3A_329 = vector.broadcast %add3A_328 : i32 to vector<16xi32>
      %gather3A = tpu.vector_load_idx %arg10[%iota3A, %broadcast_in_dim3A] : memref<32x128xf32, #tpu.memory_space<vmem>>[vector<16xi32>, vector<16xi32>], vector<16xf32>,
      tpu.vector_store_idx %arg8[%iota3A, %broadcast_in_dim3A_329], %gather3A : memref<32x512xf32, #tpu.memory_space<vmem>>[vector<16xi32>, vector<16xi32>], vector<16xf32>,
      %gather3A_330 = tpu.vector_load_idx %arg10[%add3A_5, %broadcast_in_dim3A] : memref<32x128xf32, #tpu.memory_space<vmem>>[vector<16xi32>, vector<16xi32>], vector<16xf32>,
      tpu.vector_store_idx %arg8[%add3A_5, %broadcast_in_dim3A_329], %gather3A_330 : memref<32x512xf32, #tpu.memory_space<vmem>>[vector<16xi32>, vector<16xi32>], vector<16xf32>,
      %dma_wait3A_331 = arith.constant 0 : i32
      %dma_wait3A_332 = arith.constant 0 : i32
      %dma_wait3A_333 = tpu.memref_slice %arg4[%dma_wait3A_331, %dma_wait3A_332] : memref<32x1000000xf32, #tpu.memory_space<hbm>> -> memref<32x128xf32, #tpu.memory_space<hbm>>
      %dma_wait3A_334 = arith.constant 0 : i32
      %dma_wait3A_335 = arith.constant 0 : i32
      %dma_wait3A_336 = tpu.memref_slice %arg4[%dma_wait3A_334, %dma_wait3A_335] : memref<32x1000000xf32, #tpu.memory_space<hbm>> -> memref<32x128xf32, #tpu.memory_space<hbm>>
      tpu.wait_dma2 semaphore(%arg27 : memref<!tpu.dma_semaphore, #tpu.memory_space<semaphore_mem>>) src(%dma_wait3A_336 : memref<32x128xf32, #tpu.memory_space<hbm>>) dst(%arg11 : memref<32x128xf32, #tpu.memory_space<vmem>>)
      %slice3A_337 = vector.extract_strided_slice %sub3A {offsets = [1], sizes = [1], strides = [1]} : vector<16xi32> to vector<1xi32>
      %squeeze3A_338 = vector.extract %slice3A_337[0] : i32 from vector<1xi32>
      %broadcast_in_dim3A_339 = vector.broadcast %squeeze3A_338 : i32 to vector<16xi32>
      %mul3A_340 = arith.constant 16 : i32
      %mul3A_341 = arith.muli %scan3A_301, %mul3A_340 : i32
      %add3A_342 = arith.constant 1 : i32
      %add3A_343 = arith.addi %mul3A_341, %add3A_342 : i32
      %broadcast_in_dim3A_344 = vector.broadcast %add3A_343 : i32 to vector<16xi32>
      %gather3A_345 = tpu.vector_load_idx %arg11[%iota3A, %broadcast_in_dim3A_339] : memref<32x128xf32, #tpu.memory_space<vmem>>[vector<16xi32>, vector<16xi32>], vector<16xf32>,
      tpu.vector_store_idx %arg8[%iota3A, %broadcast_in_dim3A_344], %gather3A_345 : memref<32x512xf32, #tpu.memory_space<vmem>>[vector<16xi32>, vector<16xi32>], vector<16xf32>,
      %gather3A_346 = tpu.vector_load_idx %arg11[%add3A_5, %broadcast_in_dim3A_339] : memref<32x128xf32, #tpu.memory_space<vmem>>[vector<16xi32>, vector<16xi32>], vector<16xf32>,
      tpu.vector_store_idx %arg8[%add3A_5, %broadcast_in_dim3A_344], %gather3A_346 : memref<32x512xf32, #tpu.memory_space<vmem>>[vector<16xi32>, vector<16xi32>], vector<16xf32>,
      %dma_wait3A_347 = arith.constant 0 : i32
      %dma_wait3A_348 = arith.constant 0 : i32
      %dma_wait3A_349 = tpu.memref_slice %arg4[%dma_wait3A_347, %dma_wait3A_348] : memref<32x1000000xf32, #tpu.memory_space<hbm>> -> memref<32x128xf32, #tpu.memory_space<hbm>>
      %dma_wait3A_350 = arith.constant 0 : i32
      %dma_wait3A_351 = arith.constant 0 : i32
      %dma_wait3A_352 = tpu.memref_slice %arg4[%dma_wait3A_350, %dma_wait3A_351] : memref<32x1000000xf32, #tpu.memory_space<hbm>> -> memref<32x128xf32, #tpu.memory_space<hbm>>
      tpu.wait_dma2 semaphore(%arg28 : memref<!tpu.dma_semaphore, #tpu.memory_space<semaphore_mem>>) src(%dma_wait3A_352 : memref<32x128xf32, #tpu.memory_space<hbm>>) dst(%arg12 : memref<32x128xf32, #tpu.memory_space<vmem>>)
      %slice3A_353 = vector.extract_strided_slice %sub3A {offsets = [2], sizes = [1], strides = [1]} : vector<16xi32> to vector<1xi32>
      %squeeze3A_354 = vector.extract %slice3A_353[0] : i32 from vector<1xi32>
      %broadcast_in_dim3A_355 = vector.broadcast %squeeze3A_354 : i32 to vector<16xi32>
      %mul3A_356 = arith.constant 16 : i32
      %mul3A_357 = arith.muli %scan3A_301, %mul3A_356 : i32
      %add3A_358 = arith.constant 2 : i32
      %add3A_359 = arith.addi %mul3A_357, %add3A_358 : i32
      %broadcast_in_dim3A_360 = vector.broadcast %add3A_359 : i32 to vector<16xi32>
      %gather3A_361 = tpu.vector_load_idx %arg12[%iota3A, %broadcast_in_dim3A_355] : memref<32x128xf32, #tpu.memory_space<vmem>>[vector<16xi32>, vector<16xi32>], vector<16xf32>,
      tpu.vector_store_idx %arg8[%iota3A, %broadcast_in_dim3A_360], %gather3A_361 : memref<32x512xf32, #tpu.memory_space<vmem>>[vector<16xi32>, vector<16xi32>], vector<16xf32>,
      %gather3A_362 = tpu.vector_load_idx %arg12[%add3A_5, %broadcast_in_dim3A_355] : memref<32x128xf32, #tpu.memory_space<vmem>>[vector<16xi32>, vector<16xi32>], vector<16xf32>,
      tpu.vector_store_idx %arg8[%add3A_5, %broadcast_in_dim3A_360], %gather3A_362 : memref<32x512xf32, #tpu.memory_space<vmem>>[vector<16xi32>, vector<16xi32>], vector<16xf32>,
      %dma_wait3A_363 = arith.constant 0 : i32
      %dma_wait3A_364 = arith.constant 0 : i32
      %dma_wait3A_365 = tpu.memref_slice %arg4[%dma_wait3A_363, %dma_wait3A_364] : memref<32x1000000xf32, #tpu.memory_space<hbm>> -> memref<32x128xf32, #tpu.memory_space<hbm>>
      %dma_wait3A_366 = arith.constant 0 : i32
      %dma_wait3A_367 = arith.constant 0 : i32
      %dma_wait3A_368 = tpu.memref_slice %arg4[%dma_wait3A_366, %dma_wait3A_367] : memref<32x1000000xf32, #tpu.memory_space<hbm>> -> memref<32x128xf32, #tpu.memory_space<hbm>>
      tpu.wait_dma2 semaphore(%arg29 : memref<!tpu.dma_semaphore, #tpu.memory_space<semaphore_mem>>) src(%dma_wait3A_368 : memref<32x128xf32, #tpu.memory_space<hbm>>) dst(%arg13 : memref<32x128xf32, #tpu.memory_space<vmem>>)
      %slice3A_369 = vector.extract_strided_slice %sub3A {offsets = [3], sizes = [1], strides = [1]} : vector<16xi32> to vector<1xi32>
      %squeeze3A_370 = vector.extract %slice3A_369[0] : i32 from vector<1xi32>
      %broadcast_in_dim3A_371 = vector.broadcast %squeeze3A_370 : i32 to vector<16xi32>
      %mul3A_372 = arith.constant 16 : i32
      %mul3A_373 = arith.muli %scan3A_301, %mul3A_372 : i32
      %add3A_374 = arith.constant 3 : i32
      %add3A_375 = arith.addi %mul3A_373, %add3A_374 : i32
      %broadcast_in_dim3A_376 = vector.broadcast %add3A_375 : i32 to vector<16xi32>
      %gather3A_377 = tpu.vector_load_idx %arg13[%iota3A, %broadcast_in_dim3A_371] : memref<32x128xf32, #tpu.memory_space<vmem>>[vector<16xi32>, vector<16xi32>], vector<16xf32>,
      tpu.vector_store_idx %arg8[%iota3A, %broadcast_in_dim3A_376], %gather3A_377 : memref<32x512xf32, #tpu.memory_space<vmem>>[vector<16xi32>, vector<16xi32>], vector<16xf32>,
      %gather3A_378 = tpu.vector_load_idx %arg13[%add3A_5, %broadcast_in_dim3A_371] : memref<32x128xf32, #tpu.memory_space<vmem>>[vector<16xi32>, vector<16xi32>], vector<16xf32>,
      tpu.vector_store_idx %arg8[%add3A_5, %broadcast_in_dim3A_376], %gather3A_378 : memref<32x512xf32, #tpu.memory_space<vmem>>[vector<16xi32>, vector<16xi32>], vector<16xf32>,
      %dma_wait3A_379 = arith.constant 0 : i32
      %dma_wait3A_380 = arith.constant 0 : i32
      %dma_wait3A_381 = tpu.memref_slice %arg4[%dma_wait3A_379, %dma_wait3A_380] : memref<32x1000000xf32, #tpu.memory_space<hbm>> -> memref<32x128xf32, #tpu.memory_space<hbm>>
      %dma_wait3A_382 = arith.constant 0 : i32
      %dma_wait3A_383 = arith.constant 0 : i32
      %dma_wait3A_384 = tpu.memref_slice %arg4[%dma_wait3A_382, %dma_wait3A_383] : memref<32x1000000xf32, #tpu.memory_space<hbm>> -> memref<32x128xf32, #tpu.memory_space<hbm>>
      tpu.wait_dma2 semaphore(%arg30 : memref<!tpu.dma_semaphore, #tpu.memory_space<semaphore_mem>>) src(%dma_wait3A_384 : memref<32x128xf32, #tpu.memory_space<hbm>>) dst(%arg14 : memref<32x128xf32, #tpu.memory_space<vmem>>)
      %slice3A_385 = vector.extract_strided_slice %sub3A {offsets = [4], sizes = [1], strides = [1]} : vector<16xi32> to vector<1xi32>
      %squeeze3A_386 = vector.extract %slice3A_385[0] : i32 from vector<1xi32>
      %broadcast_in_dim3A_387 = vector.broadcast %squeeze3A_386 : i32 to vector<16xi32>
      %mul3A_388 = arith.constant 16 : i32
      %mul3A_389 = arith.muli %scan3A_301, %mul3A_388 : i32
      %add3A_390 = arith.constant 4 : i32
      %add3A_391 = arith.addi %mul3A_389, %add3A_390 : i32
      %broadcast_in_dim3A_392 = vector.broadcast %add3A_391 : i32 to vector<16xi32>
      %gather3A_393 = tpu.vector_load_idx %arg14[%iota3A, %broadcast_in_dim3A_387] : memref<32x128xf32, #tpu.memory_space<vmem>>[vector<16xi32>, vector<16xi32>], vector<16xf32>,
      tpu.vector_store_idx %arg8[%iota3A, %broadcast_in_dim3A_392], %gather3A_393 : memref<32x512xf32, #tpu.memory_space<vmem>>[vector<16xi32>, vector<16xi32>], vector<16xf32>,
      %gather3A_394 = tpu.vector_load_idx %arg14[%add3A_5, %broadcast_in_dim3A_387] : memref<32x128xf32, #tpu.memory_space<vmem>>[vector<16xi32>, vector<16xi32>], vector<16xf32>,
      tpu.vector_store_idx %arg8[%add3A_5, %broadcast_in_dim3A_392], %gather3A_394 : memref<32x512xf32, #tpu.memory_space<vmem>>[vector<16xi32>, vector<16xi32>], vector<16xf32>,
      %dma_wait3A_395 = arith.constant 0 : i32
      %dma_wait3A_396 = arith.constant 0 : i32
      %dma_wait3A_397 = tpu.memref_slice %arg4[%dma_wait3A_395, %dma_wait3A_396] : memref<32x1000000xf32, #tpu.memory_space<hbm>> -> memref<32x128xf32, #tpu.memory_space<hbm>>
      %dma_wait3A_398 = arith.constant 0 : i32
      %dma_wait3A_399 = arith.constant 0 : i32
      %dma_wait3A_400 = tpu.memref_slice %arg4[%dma_wait3A_398, %dma_wait3A_399] : memref<32x1000000xf32, #tpu.memory_space<hbm>> -> memref<32x128xf32, #tpu.memory_space<hbm>>
      tpu.wait_dma2 semaphore(%arg31 : memref<!tpu.dma_semaphore, #tpu.memory_space<semaphore_mem>>) src(%dma_wait3A_400 : memref<32x128xf32, #tpu.memory_space<hbm>>) dst(%arg15 : memref<32x128xf32, #tpu.memory_space<vmem>>)
      %slice3A_401 = vector.extract_strided_slice %sub3A {offsets = [5], sizes = [1], strides = [1]} : vector<16xi32> to vector<1xi32>
      %squeeze3A_402 = vector.extract %slice3A_401[0] : i32 from vector<1xi32>
      %broadcast_in_dim3A_403 = vector.broadcast %squeeze3A_402 : i32 to vector<16xi32>
      %mul3A_404 = arith.constant 16 : i32
      %mul3A_405 = arith.muli %scan3A_301, %mul3A_404 : i32
      %add3A_406 = arith.constant 5 : i32
      %add3A_407 = arith.addi %mul3A_405, %add3A_406 : i32
      %broadcast_in_dim3A_408 = vector.broadcast %add3A_407 : i32 to vector<16xi32>
      %gather3A_409 = tpu.vector_load_idx %arg15[%iota3A, %broadcast_in_dim3A_403] : memref<32x128xf32, #tpu.memory_space<vmem>>[vector<16xi32>, vector<16xi32>], vector<16xf32>,
      tpu.vector_store_idx %arg8[%iota3A, %broadcast_in_dim3A_408], %gather3A_409 : memref<32x512xf32, #tpu.memory_space<vmem>>[vector<16xi32>, vector<16xi32>], vector<16xf32>,
      %gather3A_410 = tpu.vector_load_idx %arg15[%add3A_5, %broadcast_in_dim3A_403] : memref<32x128xf32, #tpu.memory_space<vmem>>[vector<16xi32>, vector<16xi32>], vector<16xf32>,
      tpu.vector_store_idx %arg8[%add3A_5, %broadcast_in_dim3A_408], %gather3A_410 : memref<32x512xf32, #tpu.memory_space<vmem>>[vector<16xi32>, vector<16xi32>], vector<16xf32>,
      %dma_wait3A_411 = arith.constant 0 : i32
      %dma_wait3A_412 = arith.constant 0 : i32
      %dma_wait3A_413 = tpu.memref_slice %arg4[%dma_wait3A_411, %dma_wait3A_412] : memref<32x1000000xf32, #tpu.memory_space<hbm>> -> memref<32x128xf32, #tpu.memory_space<hbm>>
      %dma_wait3A_414 = arith.constant 0 : i32
      %dma_wait3A_415 = arith.constant 0 : i32
      %dma_wait3A_416 = tpu.memref_slice %arg4[%dma_wait3A_414, %dma_wait3A_415] : memref<32x1000000xf32, #tpu.memory_space<hbm>> -> memref<32x128xf32, #tpu.memory_space<hbm>>
      tpu.wait_dma2 semaphore(%arg32 : memref<!tpu.dma_semaphore, #tpu.memory_space<semaphore_mem>>) src(%dma_wait3A_416 : memref<32x128xf32, #tpu.memory_space<hbm>>) dst(%arg16 : memref<32x128xf32, #tpu.memory_space<vmem>>)
      %slice3A_417 = vector.extract_strided_slice %sub3A {offsets = [6], sizes = [1], strides = [1]} : vector<16xi32> to vector<1xi32>
      %squeeze3A_418 = vector.extract %slice3A_417[0] : i32 from vector<1xi32>
      %broadcast_in_dim3A_419 = vector.broadcast %squeeze3A_418 : i32 to vector<16xi32>
      %mul3A_420 = arith.constant 16 : i32
      %mul3A_421 = arith.muli %scan3A_301, %mul3A_420 : i32
      %add3A_422 = arith.constant 6 : i32
      %add3A_423 = arith.addi %mul3A_421, %add3A_422 : i32
      %broadcast_in_dim3A_424 = vector.broadcast %add3A_423 : i32 to vector<16xi32>
      %gather3A_425 = tpu.vector_load_idx %arg16[%iota3A, %broadcast_in_dim3A_419] : memref<32x128xf32, #tpu.memory_space<vmem>>[vector<16xi32>, vector<16xi32>], vector<16xf32>,
      tpu.vector_store_idx %arg8[%iota3A, %broadcast_in_dim3A_424], %gather3A_425 : memref<32x512xf32, #tpu.memory_space<vmem>>[vector<16xi32>, vector<16xi32>], vector<16xf32>,
      %gather3A_426 = tpu.vector_load_idx %arg16[%add3A_5, %broadcast_in_dim3A_419] : memref<32x128xf32, #tpu.memory_space<vmem>>[vector<16xi32>, vector<16xi32>], vector<16xf32>,
      tpu.vector_store_idx %arg8[%add3A_5, %broadcast_in_dim3A_424], %gather3A_426 : memref<32x512xf32, #tpu.memory_space<vmem>>[vector<16xi32>, vector<16xi32>], vector<16xf32>,
      %dma_wait3A_427 = arith.constant 0 : i32
      %dma_wait3A_428 = arith.constant 0 : i32
      %dma_wait3A_429 = tpu.memref_slice %arg4[%dma_wait3A_427, %dma_wait3A_428] : memref<32x1000000xf32, #tpu.memory_space<hbm>> -> memref<32x128xf32, #tpu.memory_space<hbm>>
      %dma_wait3A_430 = arith.constant 0 : i32
      %dma_wait3A_431 = arith.constant 0 : i32
      %dma_wait3A_432 = tpu.memref_slice %arg4[%dma_wait3A_430, %dma_wait3A_431] : memref<32x1000000xf32, #tpu.memory_space<hbm>> -> memref<32x128xf32, #tpu.memory_space<hbm>>
      tpu.wait_dma2 semaphore(%arg33 : memref<!tpu.dma_semaphore, #tpu.memory_space<semaphore_mem>>) src(%dma_wait3A_432 : memref<32x128xf32, #tpu.memory_space<hbm>>) dst(%arg17 : memref<32x128xf32, #tpu.memory_space<vmem>>)
      %slice3A_433 = vector.extract_strided_slice %sub3A {offsets = [7], sizes = [1], strides = [1]} : vector<16xi32> to vector<1xi32>
      %squeeze3A_434 = vector.extract %slice3A_433[0] : i32 from vector<1xi32>
      %broadcast_in_dim3A_435 = vector.broadcast %squeeze3A_434 : i32 to vector<16xi32>
      %mul3A_436 = arith.constant 16 : i32
      %mul3A_437 = arith.muli %scan3A_301, %mul3A_436 : i32
      %add3A_438 = arith.constant 7 : i32
      %add3A_439 = arith.addi %mul3A_437, %add3A_438 : i32
      %broadcast_in_dim3A_440 = vector.broadcast %add3A_439 : i32 to vector<16xi32>
      %gather3A_441 = tpu.vector_load_idx %arg17[%iota3A, %broadcast_in_dim3A_435] : memref<32x128xf32, #tpu.memory_space<vmem>>[vector<16xi32>, vector<16xi32>], vector<16xf32>,
      tpu.vector_store_idx %arg8[%iota3A, %broadcast_in_dim3A_440], %gather3A_441 : memref<32x512xf32, #tpu.memory_space<vmem>>[vector<16xi32>, vector<16xi32>], vector<16xf32>,
      %gather3A_442 = tpu.vector_load_idx %arg17[%add3A_5, %broadcast_in_dim3A_435] : memref<32x128xf32, #tpu.memory_space<vmem>>[vector<16xi32>, vector<16xi32>], vector<16xf32>,
      tpu.vector_store_idx %arg8[%add3A_5, %broadcast_in_dim3A_440], %gather3A_442 : memref<32x512xf32, #tpu.memory_space<vmem>>[vector<16xi32>, vector<16xi32>], vector<16xf32>,
      %dma_wait3A_443 = arith.constant 0 : i32
      %dma_wait3A_444 = arith.constant 0 : i32
      %dma_wait3A_445 = tpu.memref_slice %arg4[%dma_wait3A_443, %dma_wait3A_444] : memref<32x1000000xf32, #tpu.memory_space<hbm>> -> memref<32x128xf32, #tpu.memory_space<hbm>>
      %dma_wait3A_446 = arith.constant 0 : i32
      %dma_wait3A_447 = arith.constant 0 : i32
      %dma_wait3A_448 = tpu.memref_slice %arg4[%dma_wait3A_446, %dma_wait3A_447] : memref<32x1000000xf32, #tpu.memory_space<hbm>> -> memref<32x128xf32, #tpu.memory_space<hbm>>
      tpu.wait_dma2 semaphore(%arg34 : memref<!tpu.dma_semaphore, #tpu.memory_space<semaphore_mem>>) src(%dma_wait3A_448 : memref<32x128xf32, #tpu.memory_space<hbm>>) dst(%arg18 : memref<32x128xf32, #tpu.memory_space<vmem>>)
      %slice3A_449 = vector.extract_strided_slice %sub3A {offsets = [8], sizes = [1], strides = [1]} : vector<16xi32> to vector<1xi32>
      %squeeze3A_450 = vector.extract %slice3A_449[0] : i32 from vector<1xi32>
      %broadcast_in_dim3A_451 = vector.broadcast %squeeze3A_450 : i32 to vector<16xi32>
      %mul3A_452 = arith.constant 16 : i32
      %mul3A_453 = arith.muli %scan3A_301, %mul3A_452 : i32
      %add3A_454 = arith.constant 8 : i32
      %add3A_455 = arith.addi %mul3A_453, %add3A_454 : i32
      %broadcast_in_dim3A_456 = vector.broadcast %add3A_455 : i32 to vector<16xi32>
      %gather3A_457 = tpu.vector_load_idx %arg18[%iota3A, %broadcast_in_dim3A_451] : memref<32x128xf32, #tpu.memory_space<vmem>>[vector<16xi32>, vector<16xi32>], vector<16xf32>,
      tpu.vector_store_idx %arg8[%iota3A, %broadcast_in_dim3A_456], %gather3A_457 : memref<32x512xf32, #tpu.memory_space<vmem>>[vector<16xi32>, vector<16xi32>], vector<16xf32>,
      %gather3A_458 = tpu.vector_load_idx %arg18[%add3A_5, %broadcast_in_dim3A_451] : memref<32x128xf32, #tpu.memory_space<vmem>>[vector<16xi32>, vector<16xi32>], vector<16xf32>,
      tpu.vector_store_idx %arg8[%add3A_5, %broadcast_in_dim3A_456], %gather3A_458 : memref<32x512xf32, #tpu.memory_space<vmem>>[vector<16xi32>, vector<16xi32>], vector<16xf32>,
      %dma_wait3A_459 = arith.constant 0 : i32
      %dma_wait3A_460 = arith.constant 0 : i32
      %dma_wait3A_461 = tpu.memref_slice %arg4[%dma_wait3A_459, %dma_wait3A_460] : memref<32x1000000xf32, #tpu.memory_space<hbm>> -> memref<32x128xf32, #tpu.memory_space<hbm>>
      %dma_wait3A_462 = arith.constant 0 : i32
      %dma_wait3A_463 = arith.constant 0 : i32
      %dma_wait3A_464 = tpu.memref_slice %arg4[%dma_wait3A_462, %dma_wait3A_463] : memref<32x1000000xf32, #tpu.memory_space<hbm>> -> memref<32x128xf32, #tpu.memory_space<hbm>>
      tpu.wait_dma2 semaphore(%arg35 : memref<!tpu.dma_semaphore, #tpu.memory_space<semaphore_mem>>) src(%dma_wait3A_464 : memref<32x128xf32, #tpu.memory_space<hbm>>) dst(%arg19 : memref<32x128xf32, #tpu.memory_space<vmem>>)
      %slice3A_465 = vector.extract_strided_slice %sub3A {offsets = [9], sizes = [1], strides = [1]} : vector<16xi32> to vector<1xi32>
      %squeeze3A_466 = vector.extract %slice3A_465[0] : i32 from vector<1xi32>
      %broadcast_in_dim3A_467 = vector.broadcast %squeeze3A_466 : i32 to vector<16xi32>
      %mul3A_468 = arith.constant 16 : i32
      %mul3A_469 = arith.muli %scan3A_301, %mul3A_468 : i32
      %add3A_470 = arith.constant 9 : i32
      %add3A_471 = arith.addi %mul3A_469, %add3A_470 : i32
      %broadcast_in_dim3A_472 = vector.broadcast %add3A_471 : i32 to vector<16xi32>
      %gather3A_473 = tpu.vector_load_idx %arg19[%iota3A, %broadcast_in_dim3A_467] : memref<32x128xf32, #tpu.memory_space<vmem>>[vector<16xi32>, vector<16xi32>], vector<16xf32>,
      tpu.vector_store_idx %arg8[%iota3A, %broadcast_in_dim3A_472], %gather3A_473 : memref<32x512xf32, #tpu.memory_space<vmem>>[vector<16xi32>, vector<16xi32>], vector<16xf32>,
      %gather3A_474 = tpu.vector_load_idx %arg19[%add3A_5, %broadcast_in_dim3A_467] : memref<32x128xf32, #tpu.memory_space<vmem>>[vector<16xi32>, vector<16xi32>], vector<16xf32>,
      tpu.vector_store_idx %arg8[%add3A_5, %broadcast_in_dim3A_472], %gather3A_474 : memref<32x512xf32, #tpu.memory_space<vmem>>[vector<16xi32>, vector<16xi32>], vector<16xf32>,
      %dma_wait3A_475 = arith.constant 0 : i32
      %dma_wait3A_476 = arith.constant 0 : i32
      %dma_wait3A_477 = tpu.memref_slice %arg4[%dma_wait3A_475, %dma_wait3A_476] : memref<32x1000000xf32, #tpu.memory_space<hbm>> -> memref<32x128xf32, #tpu.memory_space<hbm>>
      %dma_wait3A_478 = arith.constant 0 : i32
      %dma_wait3A_479 = arith.constant 0 : i32
      %dma_wait3A_480 = tpu.memref_slice %arg4[%dma_wait3A_478, %dma_wait3A_479] : memref<32x1000000xf32, #tpu.memory_space<hbm>> -> memref<32x128xf32, #tpu.memory_space<hbm>>
      tpu.wait_dma2 semaphore(%arg36 : memref<!tpu.dma_semaphore, #tpu.memory_space<semaphore_mem>>) src(%dma_wait3A_480 : memref<32x128xf32, #tpu.memory_space<hbm>>) dst(%arg20 : memref<32x128xf32, #tpu.memory_space<vmem>>)
      %slice3A_481 = vector.extract_strided_slice %sub3A {offsets = [10], sizes = [1], strides = [1]} : vector<16xi32> to vector<1xi32>
      %squeeze3A_482 = vector.extract %slice3A_481[0] : i32 from vector<1xi32>
      %broadcast_in_dim3A_483 = vector.broadcast %squeeze3A_482 : i32 to vector<16xi32>
      %mul3A_484 = arith.constant 16 : i32
      %mul3A_485 = arith.muli %scan3A_301, %mul3A_484 : i32
      %add3A_486 = arith.constant 10 : i32
      %add3A_487 = arith.addi %mul3A_485, %add3A_486 : i32
      %broadcast_in_dim3A_488 = vector.broadcast %add3A_487 : i32 to vector<16xi32>
      %gather3A_489 = tpu.vector_load_idx %arg20[%iota3A, %broadcast_in_dim3A_483] : memref<32x128xf32, #tpu.memory_space<vmem>>[vector<16xi32>, vector<16xi32>], vector<16xf32>,
      tpu.vector_store_idx %arg8[%iota3A, %broadcast_in_dim3A_488], %gather3A_489 : memref<32x512xf32, #tpu.memory_space<vmem>>[vector<16xi32>, vector<16xi32>], vector<16xf32>,
      %gather3A_490 = tpu.vector_load_idx %arg20[%add3A_5, %broadcast_in_dim3A_483] : memref<32x128xf32, #tpu.memory_space<vmem>>[vector<16xi32>, vector<16xi32>], vector<16xf32>,
      tpu.vector_store_idx %arg8[%add3A_5, %broadcast_in_dim3A_488], %gather3A_490 : memref<32x512xf32, #tpu.memory_space<vmem>>[vector<16xi32>, vector<16xi32>], vector<16xf32>,
      %dma_wait3A_491 = arith.constant 0 : i32
      %dma_wait3A_492 = arith.constant 0 : i32
      %dma_wait3A_493 = tpu.memref_slice %arg4[%dma_wait3A_491, %dma_wait3A_492] : memref<32x1000000xf32, #tpu.memory_space<hbm>> -> memref<32x128xf32, #tpu.memory_space<hbm>>
      %dma_wait3A_494 = arith.constant 0 : i32
      %dma_wait3A_495 = arith.constant 0 : i32
      %dma_wait3A_496 = tpu.memref_slice %arg4[%dma_wait3A_494, %dma_wait3A_495] : memref<32x1000000xf32, #tpu.memory_space<hbm>> -> memref<32x128xf32, #tpu.memory_space<hbm>>
      tpu.wait_dma2 semaphore(%arg37 : memref<!tpu.dma_semaphore, #tpu.memory_space<semaphore_mem>>) src(%dma_wait3A_496 : memref<32x128xf32, #tpu.memory_space<hbm>>) dst(%arg21 : memref<32x128xf32, #tpu.memory_space<vmem>>)
      %slice3A_497 = vector.extract_strided_slice %sub3A {offsets = [11], sizes = [1], strides = [1]} : vector<16xi32> to vector<1xi32>
      %squeeze3A_498 = vector.extract %slice3A_497[0] : i32 from vector<1xi32>
      %broadcast_in_dim3A_499 = vector.broadcast %squeeze3A_498 : i32 to vector<16xi32>
      %mul3A_500 = arith.constant 16 : i32
      %mul3A_501 = arith.muli %scan3A_301, %mul3A_500 : i32
      %add3A_502 = arith.constant 11 : i32
      %add3A_503 = arith.addi %mul3A_501, %add3A_502 : i32
      %broadcast_in_dim3A_504 = vector.broadcast %add3A_503 : i32 to vector<16xi32>
      %gather3A_505 = tpu.vector_load_idx %arg21[%iota3A, %broadcast_in_dim3A_499] : memref<32x128xf32, #tpu.memory_space<vmem>>[vector<16xi32>, vector<16xi32>], vector<16xf32>,
      tpu.vector_store_idx %arg8[%iota3A, %broadcast_in_dim3A_504], %gather3A_505 : memref<32x512xf32, #tpu.memory_space<vmem>>[vector<16xi32>, vector<16xi32>], vector<16xf32>,
      %gather3A_506 = tpu.vector_load_idx %arg21[%add3A_5, %broadcast_in_dim3A_499] : memref<32x128xf32, #tpu.memory_space<vmem>>[vector<16xi32>, vector<16xi32>], vector<16xf32>,
      tpu.vector_store_idx %arg8[%add3A_5, %broadcast_in_dim3A_504], %gather3A_506 : memref<32x512xf32, #tpu.memory_space<vmem>>[vector<16xi32>, vector<16xi32>], vector<16xf32>,
      %dma_wait3A_507 = arith.constant 0 : i32
      %dma_wait3A_508 = arith.constant 0 : i32
      %dma_wait3A_509 = tpu.memref_slice %arg4[%dma_wait3A_507, %dma_wait3A_508] : memref<32x1000000xf32, #tpu.memory_space<hbm>> -> memref<32x128xf32, #tpu.memory_space<hbm>>
      %dma_wait3A_510 = arith.constant 0 : i32
      %dma_wait3A_511 = arith.constant 0 : i32
      %dma_wait3A_512 = tpu.memref_slice %arg4[%dma_wait3A_510, %dma_wait3A_511] : memref<32x1000000xf32, #tpu.memory_space<hbm>> -> memref<32x128xf32, #tpu.memory_space<hbm>>
      tpu.wait_dma2 semaphore(%arg38 : memref<!tpu.dma_semaphore, #tpu.memory_space<semaphore_mem>>) src(%dma_wait3A_512 : memref<32x128xf32, #tpu.memory_space<hbm>>) dst(%arg22 : memref<32x128xf32, #tpu.memory_space<vmem>>)
      %slice3A_513 = vector.extract_strided_slice %sub3A {offsets = [12], sizes = [1], strides = [1]} : vector<16xi32> to vector<1xi32>
      %squeeze3A_514 = vector.extract %slice3A_513[0] : i32 from vector<1xi32>
      %broadcast_in_dim3A_515 = vector.broadcast %squeeze3A_514 : i32 to vector<16xi32>
      %mul3A_516 = arith.constant 16 : i32
      %mul3A_517 = arith.muli %scan3A_301, %mul3A_516 : i32
      %add3A_518 = arith.constant 12 : i32
      %add3A_519 = arith.addi %mul3A_517, %add3A_518 : i32
      %broadcast_in_dim3A_520 = vector.broadcast %add3A_519 : i32 to vector<16xi32>
      %gather3A_521 = tpu.vector_load_idx %arg22[%iota3A, %broadcast_in_dim3A_515] : memref<32x128xf32, #tpu.memory_space<vmem>>[vector<16xi32>, vector<16xi32>], vector<16xf32>,
      tpu.vector_store_idx %arg8[%iota3A, %broadcast_in_dim3A_520], %gather3A_521 : memref<32x512xf32, #tpu.memory_space<vmem>>[vector<16xi32>, vector<16xi32>], vector<16xf32>,
      %gather3A_522 = tpu.vector_load_idx %arg22[%add3A_5, %broadcast_in_dim3A_515] : memref<32x128xf32, #tpu.memory_space<vmem>>[vector<16xi32>, vector<16xi32>], vector<16xf32>,
      tpu.vector_store_idx %arg8[%add3A_5, %broadcast_in_dim3A_520], %gather3A_522 : memref<32x512xf32, #tpu.memory_space<vmem>>[vector<16xi32>, vector<16xi32>], vector<16xf32>,
      %dma_wait3A_523 = arith.constant 0 : i32
      %dma_wait3A_524 = arith.constant 0 : i32
      %dma_wait3A_525 = tpu.memref_slice %arg4[%dma_wait3A_523, %dma_wait3A_524] : memref<32x1000000xf32, #tpu.memory_space<hbm>> -> memref<32x128xf32, #tpu.memory_space<hbm>>
      %dma_wait3A_526 = arith.constant 0 : i32
      %dma_wait3A_527 = arith.constant 0 : i32
      %dma_wait3A_528 = tpu.memref_slice %arg4[%dma_wait3A_526, %dma_wait3A_527] : memref<32x1000000xf32, #tpu.memory_space<hbm>> -> memref<32x128xf32, #tpu.memory_space<hbm>>
      tpu.wait_dma2 semaphore(%arg39 : memref<!tpu.dma_semaphore, #tpu.memory_space<semaphore_mem>>) src(%dma_wait3A_528 : memref<32x128xf32, #tpu.memory_space<hbm>>) dst(%arg23 : memref<32x128xf32, #tpu.memory_space<vmem>>)
      %slice3A_529 = vector.extract_strided_slice %sub3A {offsets = [13], sizes = [1], strides = [1]} : vector<16xi32> to vector<1xi32>
      %squeeze3A_530 = vector.extract %slice3A_529[0] : i32 from vector<1xi32>
      %broadcast_in_dim3A_531 = vector.broadcast %squeeze3A_530 : i32 to vector<16xi32>
      %mul3A_532 = arith.constant 16 : i32
      %mul3A_533 = arith.muli %scan3A_301, %mul3A_532 : i32
      %add3A_534 = arith.constant 13 : i32
      %add3A_535 = arith.addi %mul3A_533, %add3A_534 : i32
      %broadcast_in_dim3A_536 = vector.broadcast %add3A_535 : i32 to vector<16xi32>
      %gather3A_537 = tpu.vector_load_idx %arg23[%iota3A, %broadcast_in_dim3A_531] : memref<32x128xf32, #tpu.memory_space<vmem>>[vector<16xi32>, vector<16xi32>], vector<16xf32>,
      tpu.vector_store_idx %arg8[%iota3A, %broadcast_in_dim3A_536], %gather3A_537 : memref<32x512xf32, #tpu.memory_space<vmem>>[vector<16xi32>, vector<16xi32>], vector<16xf32>,
      %gather3A_538 = tpu.vector_load_idx %arg23[%add3A_5, %broadcast_in_dim3A_531] : memref<32x128xf32, #tpu.memory_space<vmem>>[vector<16xi32>, vector<16xi32>], vector<16xf32>,
      tpu.vector_store_idx %arg8[%add3A_5, %broadcast_in_dim3A_536], %gather3A_538 : memref<32x512xf32, #tpu.memory_space<vmem>>[vector<16xi32>, vector<16xi32>], vector<16xf32>,
      %dma_wait3A_539 = arith.constant 0 : i32
      %dma_wait3A_540 = arith.constant 0 : i32
      %dma_wait3A_541 = tpu.memref_slice %arg4[%dma_wait3A_539, %dma_wait3A_540] : memref<32x1000000xf32, #tpu.memory_space<hbm>> -> memref<32x128xf32, #tpu.memory_space<hbm>>
      %dma_wait3A_542 = arith.constant 0 : i32
      %dma_wait3A_543 = arith.constant 0 : i32
      %dma_wait3A_544 = tpu.memref_slice %arg4[%dma_wait3A_542, %dma_wait3A_543] : memref<32x1000000xf32, #tpu.memory_space<hbm>> -> memref<32x128xf32, #tpu.memory_space<hbm>>
      tpu.wait_dma2 semaphore(%arg40 : memref<!tpu.dma_semaphore, #tpu.memory_space<semaphore_mem>>) src(%dma_wait3A_544 : memref<32x128xf32, #tpu.memory_space<hbm>>) dst(%arg24 : memref<32x128xf32, #tpu.memory_space<vmem>>)
      %slice3A_545 = vector.extract_strided_slice %sub3A {offsets = [14], sizes = [1], strides = [1]} : vector<16xi32> to vector<1xi32>
      %squeeze3A_546 = vector.extract %slice3A_545[0] : i32 from vector<1xi32>
      %broadcast_in_dim3A_547 = vector.broadcast %squeeze3A_546 : i32 to vector<16xi32>
      %mul3A_548 = arith.constant 16 : i32
      %mul3A_549 = arith.muli %scan3A_301, %mul3A_548 : i32
      %add3A_550 = arith.constant 14 : i32
      %add3A_551 = arith.addi %mul3A_549, %add3A_550 : i32
      %broadcast_in_dim3A_552 = vector.broadcast %add3A_551 : i32 to vector<16xi32>
      %gather3A_553 = tpu.vector_load_idx %arg24[%iota3A, %broadcast_in_dim3A_547] : memref<32x128xf32, #tpu.memory_space<vmem>>[vector<16xi32>, vector<16xi32>], vector<16xf32>,
      tpu.vector_store_idx %arg8[%iota3A, %broadcast_in_dim3A_552], %gather3A_553 : memref<32x512xf32, #tpu.memory_space<vmem>>[vector<16xi32>, vector<16xi32>], vector<16xf32>,
      %gather3A_554 = tpu.vector_load_idx %arg24[%add3A_5, %broadcast_in_dim3A_547] : memref<32x128xf32, #tpu.memory_space<vmem>>[vector<16xi32>, vector<16xi32>], vector<16xf32>,
      tpu.vector_store_idx %arg8[%add3A_5, %broadcast_in_dim3A_552], %gather3A_554 : memref<32x512xf32, #tpu.memory_space<vmem>>[vector<16xi32>, vector<16xi32>], vector<16xf32>,
      %dma_wait3A_555 = arith.constant 0 : i32
      %dma_wait3A_556 = arith.constant 0 : i32
      %dma_wait3A_557 = tpu.memref_slice %arg4[%dma_wait3A_555, %dma_wait3A_556] : memref<32x1000000xf32, #tpu.memory_space<hbm>> -> memref<32x128xf32, #tpu.memory_space<hbm>>
      %dma_wait3A_558 = arith.constant 0 : i32
      %dma_wait3A_559 = arith.constant 0 : i32
      %dma_wait3A_560 = tpu.memref_slice %arg4[%dma_wait3A_558, %dma_wait3A_559] : memref<32x1000000xf32, #tpu.memory_space<hbm>> -> memref<32x128xf32, #tpu.memory_space<hbm>>
      tpu.wait_dma2 semaphore(%arg41 : memref<!tpu.dma_semaphore, #tpu.memory_space<semaphore_mem>>) src(%dma_wait3A_560 : memref<32x128xf32, #tpu.memory_space<hbm>>) dst(%arg25 : memref<32x128xf32, #tpu.memory_space<vmem>>)
      %slice3A_561 = vector.extract_strided_slice %sub3A {offsets = [15], sizes = [1], strides = [1]} : vector<16xi32> to vector<1xi32>
      %squeeze3A_562 = vector.extract %slice3A_561[0] : i32 from vector<1xi32>
      %broadcast_in_dim3A_563 = vector.broadcast %squeeze3A_562 : i32 to vector<16xi32>
      %mul3A_564 = arith.constant 16 : i32
      %mul3A_565 = arith.muli %scan3A_301, %mul3A_564 : i32
      %add3A_566 = arith.constant 15 : i32
      %add3A_567 = arith.addi %mul3A_565, %add3A_566 : i32
      %broadcast_in_dim3A_568 = vector.broadcast %add3A_567 : i32 to vector<16xi32>
      %gather3A_569 = tpu.vector_load_idx %arg25[%iota3A, %broadcast_in_dim3A_563] : memref<32x128xf32, #tpu.memory_space<vmem>>[vector<16xi32>, vector<16xi32>], vector<16xf32>,
      tpu.vector_store_idx %arg8[%iota3A, %broadcast_in_dim3A_568], %gather3A_569 : memref<32x512xf32, #tpu.memory_space<vmem>>[vector<16xi32>, vector<16xi32>], vector<16xf32>,
      %gather3A_570 = tpu.vector_load_idx %arg25[%add3A_5, %broadcast_in_dim3A_563] : memref<32x128xf32, #tpu.memory_space<vmem>>[vector<16xi32>, vector<16xi32>], vector<16xf32>,
      tpu.vector_store_idx %arg8[%add3A_5, %broadcast_in_dim3A_568], %gather3A_570 : memref<32x512xf32, #tpu.memory_space<vmem>>[vector<16xi32>, vector<16xi32>], vector<16xf32>,
      %add3A_571 = arith.constant 1 : i32
      %add3A_572 = arith.addi %scan3A_301, %add3A_571 : i32
      %lt3A = arith.constant 32 : i32
      %lt3A_573 = arith.cmpi slt, %add3A_572, %lt3A : i32
      %convert_element_type3A = arith.extui %lt3A_573 : i1 to i32
      %cond3A = arith.constant 0 : i32
      %cond3A_574 = arith.cmpi ne, %convert_element_type3A, %cond3A : i32
      scf.if %cond3A_574 {
        %add3A_575 = arith.constant 1 : i32
        %add3A_576 = arith.addi %scan3A_301, %add3A_575 : i32
        %mul3A_577 = arith.constant 16 : i32
        %mul3A_578 = arith.muli %add3A_576, %mul3A_577 : i32
        %get3A_579 = arith.constant 1 : i32
        %get3A_580 = arith.index_cast %get3A_579 : i32 to index
        %get3A_581 = arith.index_cast %mul3A_578 : i32 to index
        %get3A_582 = tpu.vector_load %arg6[%get3A_580, %get3A_581] {strides = array<i32>} : memref<2x512xi32, #tpu.memory_space<vmem>>, vector<16xi32>,
        %and3A_583 = arith.constant -128 : i32
        %and3A_584 = vector.broadcast %and3A_583 : i32 to vector<16xi32>
        %and3A_585 = arith.andi %get3A_582, %and3A_584 : vector<16xi32>
        %slice3A_586 = vector.extract_strided_slice %and3A_585 {offsets = [0], sizes = [1], strides = [1]} : vector<16xi32> to vector<1xi32>
        %squeeze3A_587 = vector.extract %slice3A_586[0] : i32 from vector<1xi32>
        %multiple_of3A_588 = tpu.assume_multiple %squeeze3A_587, 128 : i32
        %dma_start3A_589 = arith.constant 0 : i32
        %dma_start3A_590 = tpu.memref_slice %arg4[%dma_start3A_589, %multiple_of3A_588] : memref<32x1000000xf32, #tpu.memory_space<hbm>> -> memref<32x128xf32, #tpu.memory_space<hbm>>
        %dma_start3A_591 = arith.constant 0 : i32
        %dma_start3A_592 = tpu.memref_slice %arg4[%dma_start3A_591, %multiple_of3A_588] : memref<32x1000000xf32, #tpu.memory_space<hbm>> -> memref<32x128xf32, #tpu.memory_space<hbm>>
        tpu.enqueue_dma source(%dma_start3A_592 : memref<32x128xf32, #tpu.memory_space<hbm>>) target(%arg10 : memref<32x128xf32, #tpu.memory_space<vmem>>) target_semaphore(%arg26 : memref<!tpu.dma_semaphore, #tpu.memory_space<semaphore_mem>>)
        %slice3A_593 = vector.extract_strided_slice %and3A_585 {offsets = [1], sizes = [1], strides = [1]} : vector<16xi32> to vector<1xi32>
        %squeeze3A_594 = vector.extract %slice3A_593[0] : i32 from vector<1xi32>
        %multiple_of3A_595 = tpu.assume_multiple %squeeze3A_594, 128 : i32
        %dma_start3A_596 = arith.constant 0 : i32
        %dma_start3A_597 = tpu.memref_slice %arg4[%dma_start3A_596, %multiple_of3A_595] : memref<32x1000000xf32, #tpu.memory_space<hbm>> -> memref<32x128xf32, #tpu.memory_space<hbm>>
        %dma_start3A_598 = arith.constant 0 : i32
        %dma_start3A_599 = tpu.memref_slice %arg4[%dma_start3A_598, %multiple_of3A_595] : memref<32x1000000xf32, #tpu.memory_space<hbm>> -> memref<32x128xf32, #tpu.memory_space<hbm>>
        tpu.enqueue_dma source(%dma_start3A_599 : memref<32x128xf32, #tpu.memory_space<hbm>>) target(%arg11 : memref<32x128xf32, #tpu.memory_space<vmem>>) target_semaphore(%arg27 : memref<!tpu.dma_semaphore, #tpu.memory_space<semaphore_mem>>)
        %slice3A_600 = vector.extract_strided_slice %and3A_585 {offsets = [2], sizes = [1], strides = [1]} : vector<16xi32> to vector<1xi32>
        %squeeze3A_601 = vector.extract %slice3A_600[0] : i32 from vector<1xi32>
        %multiple_of3A_602 = tpu.assume_multiple %squeeze3A_601, 128 : i32
        %dma_start3A_603 = arith.constant 0 : i32
        %dma_start3A_604 = tpu.memref_slice %arg4[%dma_start3A_603, %multiple_of3A_602] : memref<32x1000000xf32, #tpu.memory_space<hbm>> -> memref<32x128xf32, #tpu.memory_space<hbm>>
        %dma_start3A_605 = arith.constant 0 : i32
        %dma_start3A_606 = tpu.memref_slice %arg4[%dma_start3A_605, %multiple_of3A_602] : memref<32x1000000xf32, #tpu.memory_space<hbm>> -> memref<32x128xf32, #tpu.memory_space<hbm>>
        tpu.enqueue_dma source(%dma_start3A_606 : memref<32x128xf32, #tpu.memory_space<hbm>>) target(%arg12 : memref<32x128xf32, #tpu.memory_space<vmem>>) target_semaphore(%arg28 : memref<!tpu.dma_semaphore, #tpu.memory_space<semaphore_mem>>)
        %slice3A_607 = vector.extract_strided_slice %and3A_585 {offsets = [3], sizes = [1], strides = [1]} : vector<16xi32> to vector<1xi32>
        %squeeze3A_608 = vector.extract %slice3A_607[0] : i32 from vector<1xi32>
        %multiple_of3A_609 = tpu.assume_multiple %squeeze3A_608, 128 : i32
        %dma_start3A_610 = arith.constant 0 : i32
        %dma_start3A_611 = tpu.memref_slice %arg4[%dma_start3A_610, %multiple_of3A_609] : memref<32x1000000xf32, #tpu.memory_space<hbm>> -> memref<32x128xf32, #tpu.memory_space<hbm>>
        %dma_start3A_612 = arith.constant 0 : i32
        %dma_start3A_613 = tpu.memref_slice %arg4[%dma_start3A_612, %multiple_of3A_609] : memref<32x1000000xf32, #tpu.memory_space<hbm>> -> memref<32x128xf32, #tpu.memory_space<hbm>>
        tpu.enqueue_dma source(%dma_start3A_613 : memref<32x128xf32, #tpu.memory_space<hbm>>) target(%arg13 : memref<32x128xf32, #tpu.memory_space<vmem>>) target_semaphore(%arg29 : memref<!tpu.dma_semaphore, #tpu.memory_space<semaphore_mem>>)
        %slice3A_614 = vector.extract_strided_slice %and3A_585 {offsets = [4], sizes = [1], strides = [1]} : vector<16xi32> to vector<1xi32>
        %squeeze3A_615 = vector.extract %slice3A_614[0] : i32 from vector<1xi32>
        %multiple_of3A_616 = tpu.assume_multiple %squeeze3A_615, 128 : i32
        %dma_start3A_617 = arith.constant 0 : i32
        %dma_start3A_618 = tpu.memref_slice %arg4[%dma_start3A_617, %multiple_of3A_616] : memref<32x1000000xf32, #tpu.memory_space<hbm>> -> memref<32x128xf32, #tpu.memory_space<hbm>>
        %dma_start3A_619 = arith.constant 0 : i32
        %dma_start3A_620 = tpu.memref_slice %arg4[%dma_start3A_619, %multiple_of3A_616] : memref<32x1000000xf32, #tpu.memory_space<hbm>> -> memref<32x128xf32, #tpu.memory_space<hbm>>
        tpu.enqueue_dma source(%dma_start3A_620 : memref<32x128xf32, #tpu.memory_space<hbm>>) target(%arg14 : memref<32x128xf32, #tpu.memory_space<vmem>>) target_semaphore(%arg30 : memref<!tpu.dma_semaphore, #tpu.memory_space<semaphore_mem>>)
        %slice3A_621 = vector.extract_strided_slice %and3A_585 {offsets = [5], sizes = [1], strides = [1]} : vector<16xi32> to vector<1xi32>
        %squeeze3A_622 = vector.extract %slice3A_621[0] : i32 from vector<1xi32>
        %multiple_of3A_623 = tpu.assume_multiple %squeeze3A_622, 128 : i32
        %dma_start3A_624 = arith.constant 0 : i32
        %dma_start3A_625 = tpu.memref_slice %arg4[%dma_start3A_624, %multiple_of3A_623] : memref<32x1000000xf32, #tpu.memory_space<hbm>> -> memref<32x128xf32, #tpu.memory_space<hbm>>
        %dma_start3A_626 = arith.constant 0 : i32
        %dma_start3A_627 = tpu.memref_slice %arg4[%dma_start3A_626, %multiple_of3A_623] : memref<32x1000000xf32, #tpu.memory_space<hbm>> -> memref<32x128xf32, #tpu.memory_space<hbm>>
        tpu.enqueue_dma source(%dma_start3A_627 : memref<32x128xf32, #tpu.memory_space<hbm>>) target(%arg15 : memref<32x128xf32, #tpu.memory_space<vmem>>) target_semaphore(%arg31 : memref<!tpu.dma_semaphore, #tpu.memory_space<semaphore_mem>>)
        %slice3A_628 = vector.extract_strided_slice %and3A_585 {offsets = [6], sizes = [1], strides = [1]} : vector<16xi32> to vector<1xi32>
        %squeeze3A_629 = vector.extract %slice3A_628[0] : i32 from vector<1xi32>
        %multiple_of3A_630 = tpu.assume_multiple %squeeze3A_629, 128 : i32
        %dma_start3A_631 = arith.constant 0 : i32
        %dma_start3A_632 = tpu.memref_slice %arg4[%dma_start3A_631, %multiple_of3A_630] : memref<32x1000000xf32, #tpu.memory_space<hbm>> -> memref<32x128xf32, #tpu.memory_space<hbm>>
        %dma_start3A_633 = arith.constant 0 : i32
        %dma_start3A_634 = tpu.memref_slice %arg4[%dma_start3A_633, %multiple_of3A_630] : memref<32x1000000xf32, #tpu.memory_space<hbm>> -> memref<32x128xf32, #tpu.memory_space<hbm>>
        tpu.enqueue_dma source(%dma_start3A_634 : memref<32x128xf32, #tpu.memory_space<hbm>>) target(%arg16 : memref<32x128xf32, #tpu.memory_space<vmem>>) target_semaphore(%arg32 : memref<!tpu.dma_semaphore, #tpu.memory_space<semaphore_mem>>)
        %slice3A_635 = vector.extract_strided_slice %and3A_585 {offsets = [7], sizes = [1], strides = [1]} : vector<16xi32> to vector<1xi32>
        %squeeze3A_636 = vector.extract %slice3A_635[0] : i32 from vector<1xi32>
        %multiple_of3A_637 = tpu.assume_multiple %squeeze3A_636, 128 : i32
        %dma_start3A_638 = arith.constant 0 : i32
        %dma_start3A_639 = tpu.memref_slice %arg4[%dma_start3A_638, %multiple_of3A_637] : memref<32x1000000xf32, #tpu.memory_space<hbm>> -> memref<32x128xf32, #tpu.memory_space<hbm>>
        %dma_start3A_640 = arith.constant 0 : i32
        %dma_start3A_641 = tpu.memref_slice %arg4[%dma_start3A_640, %multiple_of3A_637] : memref<32x1000000xf32, #tpu.memory_space<hbm>> -> memref<32x128xf32, #tpu.memory_space<hbm>>
        tpu.enqueue_dma source(%dma_start3A_641 : memref<32x128xf32, #tpu.memory_space<hbm>>) target(%arg17 : memref<32x128xf32, #tpu.memory_space<vmem>>) target_semaphore(%arg33 : memref<!tpu.dma_semaphore, #tpu.memory_space<semaphore_mem>>)
        %slice3A_642 = vector.extract_strided_slice %and3A_585 {offsets = [8], sizes = [1], strides = [1]} : vector<16xi32> to vector<1xi32>
        %squeeze3A_643 = vector.extract %slice3A_642[0] : i32 from vector<1xi32>
        %multiple_of3A_644 = tpu.assume_multiple %squeeze3A_643, 128 : i32
        %dma_start3A_645 = arith.constant 0 : i32
        %dma_start3A_646 = tpu.memref_slice %arg4[%dma_start3A_645, %multiple_of3A_644] : memref<32x1000000xf32, #tpu.memory_space<hbm>> -> memref<32x128xf32, #tpu.memory_space<hbm>>
        %dma_start3A_647 = arith.constant 0 : i32
        %dma_start3A_648 = tpu.memref_slice %arg4[%dma_start3A_647, %multiple_of3A_644] : memref<32x1000000xf32, #tpu.memory_space<hbm>> -> memref<32x128xf32, #tpu.memory_space<hbm>>
        tpu.enqueue_dma source(%dma_start3A_648 : memref<32x128xf32, #tpu.memory_space<hbm>>) target(%arg18 : memref<32x128xf32, #tpu.memory_space<vmem>>) target_semaphore(%arg34 : memref<!tpu.dma_semaphore, #tpu.memory_space<semaphore_mem>>)
        %slice3A_649 = vector.extract_strided_slice %and3A_585 {offsets = [9], sizes = [1], strides = [1]} : vector<16xi32> to vector<1xi32>
        %squeeze3A_650 = vector.extract %slice3A_649[0] : i32 from vector<1xi32>
        %multiple_of3A_651 = tpu.assume_multiple %squeeze3A_650, 128 : i32
        %dma_start3A_652 = arith.constant 0 : i32
        %dma_start3A_653 = tpu.memref_slice %arg4[%dma_start3A_652, %multiple_of3A_651] : memref<32x1000000xf32, #tpu.memory_space<hbm>> -> memref<32x128xf32, #tpu.memory_space<hbm>>
        %dma_start3A_654 = arith.constant 0 : i32
        %dma_start3A_655 = tpu.memref_slice %arg4[%dma_start3A_654, %multiple_of3A_651] : memref<32x1000000xf32, #tpu.memory_space<hbm>> -> memref<32x128xf32, #tpu.memory_space<hbm>>
        tpu.enqueue_dma source(%dma_start3A_655 : memref<32x128xf32, #tpu.memory_space<hbm>>) target(%arg19 : memref<32x128xf32, #tpu.memory_space<vmem>>) target_semaphore(%arg35 : memref<!tpu.dma_semaphore, #tpu.memory_space<semaphore_mem>>)
        %slice3A_656 = vector.extract_strided_slice %and3A_585 {offsets = [10], sizes = [1], strides = [1]} : vector<16xi32> to vector<1xi32>
        %squeeze3A_657 = vector.extract %slice3A_656[0] : i32 from vector<1xi32>
        %multiple_of3A_658 = tpu.assume_multiple %squeeze3A_657, 128 : i32
        %dma_start3A_659 = arith.constant 0 : i32
        %dma_start3A_660 = tpu.memref_slice %arg4[%dma_start3A_659, %multiple_of3A_658] : memref<32x1000000xf32, #tpu.memory_space<hbm>> -> memref<32x128xf32, #tpu.memory_space<hbm>>
        %dma_start3A_661 = arith.constant 0 : i32
        %dma_start3A_662 = tpu.memref_slice %arg4[%dma_start3A_661, %multiple_of3A_658] : memref<32x1000000xf32, #tpu.memory_space<hbm>> -> memref<32x128xf32, #tpu.memory_space<hbm>>
        tpu.enqueue_dma source(%dma_start3A_662 : memref<32x128xf32, #tpu.memory_space<hbm>>) target(%arg20 : memref<32x128xf32, #tpu.memory_space<vmem>>) target_semaphore(%arg36 : memref<!tpu.dma_semaphore, #tpu.memory_space<semaphore_mem>>)
        %slice3A_663 = vector.extract_strided_slice %and3A_585 {offsets = [11], sizes = [1], strides = [1]} : vector<16xi32> to vector<1xi32>
        %squeeze3A_664 = vector.extract %slice3A_663[0] : i32 from vector<1xi32>
        %multiple_of3A_665 = tpu.assume_multiple %squeeze3A_664, 128 : i32
        %dma_start3A_666 = arith.constant 0 : i32
        %dma_start3A_667 = tpu.memref_slice %arg4[%dma_start3A_666, %multiple_of3A_665] : memref<32x1000000xf32, #tpu.memory_space<hbm>> -> memref<32x128xf32, #tpu.memory_space<hbm>>
        %dma_start3A_668 = arith.constant 0 : i32
        %dma_start3A_669 = tpu.memref_slice %arg4[%dma_start3A_668, %multiple_of3A_665] : memref<32x1000000xf32, #tpu.memory_space<hbm>> -> memref<32x128xf32, #tpu.memory_space<hbm>>
        tpu.enqueue_dma source(%dma_start3A_669 : memref<32x128xf32, #tpu.memory_space<hbm>>) target(%arg21 : memref<32x128xf32, #tpu.memory_space<vmem>>) target_semaphore(%arg37 : memref<!tpu.dma_semaphore, #tpu.memory_space<semaphore_mem>>)
        %slice3A_670 = vector.extract_strided_slice %and3A_585 {offsets = [12], sizes = [1], strides = [1]} : vector<16xi32> to vector<1xi32>
        %squeeze3A_671 = vector.extract %slice3A_670[0] : i32 from vector<1xi32>
        %multiple_of3A_672 = tpu.assume_multiple %squeeze3A_671, 128 : i32
        %dma_start3A_673 = arith.constant 0 : i32
        %dma_start3A_674 = tpu.memref_slice %arg4[%dma_start3A_673, %multiple_of3A_672] : memref<32x1000000xf32, #tpu.memory_space<hbm>> -> memref<32x128xf32, #tpu.memory_space<hbm>>
        %dma_start3A_675 = arith.constant 0 : i32
        %dma_start3A_676 = tpu.memref_slice %arg4[%dma_start3A_675, %multiple_of3A_672] : memref<32x1000000xf32, #tpu.memory_space<hbm>> -> memref<32x128xf32, #tpu.memory_space<hbm>>
        tpu.enqueue_dma source(%dma_start3A_676 : memref<32x128xf32, #tpu.memory_space<hbm>>) target(%arg22 : memref<32x128xf32, #tpu.memory_space<vmem>>) target_semaphore(%arg38 : memref<!tpu.dma_semaphore, #tpu.memory_space<semaphore_mem>>)
        %slice3A_677 = vector.extract_strided_slice %and3A_585 {offsets = [13], sizes = [1], strides = [1]} : vector<16xi32> to vector<1xi32>
        %squeeze3A_678 = vector.extract %slice3A_677[0] : i32 from vector<1xi32>
        %multiple_of3A_679 = tpu.assume_multiple %squeeze3A_678, 128 : i32
        %dma_start3A_680 = arith.constant 0 : i32
        %dma_start3A_681 = tpu.memref_slice %arg4[%dma_start3A_680, %multiple_of3A_679] : memref<32x1000000xf32, #tpu.memory_space<hbm>> -> memref<32x128xf32, #tpu.memory_space<hbm>>
        %dma_start3A_682 = arith.constant 0 : i32
        %dma_start3A_683 = tpu.memref_slice %arg4[%dma_start3A_682, %multiple_of3A_679] : memref<32x1000000xf32, #tpu.memory_space<hbm>> -> memref<32x128xf32, #tpu.memory_space<hbm>>
        tpu.enqueue_dma source(%dma_start3A_683 : memref<32x128xf32, #tpu.memory_space<hbm>>) target(%arg23 : memref<32x128xf32, #tpu.memory_space<vmem>>) target_semaphore(%arg39 : memref<!tpu.dma_semaphore, #tpu.memory_space<semaphore_mem>>)
        %slice3A_684 = vector.extract_strided_slice %and3A_585 {offsets = [14], sizes = [1], strides = [1]} : vector<16xi32> to vector<1xi32>
        %squeeze3A_685 = vector.extract %slice3A_684[0] : i32 from vector<1xi32>
        %multiple_of3A_686 = tpu.assume_multiple %squeeze3A_685, 128 : i32
        %dma_start3A_687 = arith.constant 0 : i32
        %dma_start3A_688 = tpu.memref_slice %arg4[%dma_start3A_687, %multiple_of3A_686] : memref<32x1000000xf32, #tpu.memory_space<hbm>> -> memref<32x128xf32, #tpu.memory_space<hbm>>
        %dma_start3A_689 = arith.constant 0 : i32
        %dma_start3A_690 = tpu.memref_slice %arg4[%dma_start3A_689, %multiple_of3A_686] : memref<32x1000000xf32, #tpu.memory_space<hbm>> -> memref<32x128xf32, #tpu.memory_space<hbm>>
        tpu.enqueue_dma source(%dma_start3A_690 : memref<32x128xf32, #tpu.memory_space<hbm>>) target(%arg24 : memref<32x128xf32, #tpu.memory_space<vmem>>) target_semaphore(%arg40 : memref<!tpu.dma_semaphore, #tpu.memory_space<semaphore_mem>>)
        %slice3A_691 = vector.extract_strided_slice %and3A_585 {offsets = [15], sizes = [1], strides = [1]} : vector<16xi32> to vector<1xi32>
        %squeeze3A_692 = vector.extract %slice3A_691[0] : i32 from vector<1xi32>
        %multiple_of3A_693 = tpu.assume_multiple %squeeze3A_692, 128 : i32
        %dma_start3A_694 = arith.constant 0 : i32
        %dma_start3A_695 = tpu.memref_slice %arg4[%dma_start3A_694, %multiple_of3A_693] : memref<32x1000000xf32, #tpu.memory_space<hbm>> -> memref<32x128xf32, #tpu.memory_space<hbm>>
        %dma_start3A_696 = arith.constant 0 : i32
        %dma_start3A_697 = tpu.memref_slice %arg4[%dma_start3A_696, %multiple_of3A_693] : memref<32x1000000xf32, #tpu.memory_space<hbm>> -> memref<32x128xf32, #tpu.memory_space<hbm>>
        tpu.enqueue_dma source(%dma_start3A_697 : memref<32x128xf32, #tpu.memory_space<hbm>>) target(%arg25 : memref<32x128xf32, #tpu.memory_space<vmem>>) target_semaphore(%arg41 : memref<!tpu.dma_semaphore, #tpu.memory_space<semaphore_mem>>)
      } else {
      }
    }
    %scan3A_261 = arith.constant 32 : i32
    %barrier3A_262 = arith.constant 0 : index
    tpu.barrier barrier_id(%barrier3A_262)
    %dma_start3A_263 = arith.constant 1 : i32
    %dma_start3A_264 = arith.constant 0 : i32
    %dma_start3A_265 = arith.constant 0 : i32
    %dma_start3A_266 = tpu.memref_slice %arg5[%dma_start3A_263, %dma_start3A_264, %dma_start3A_265] : memref<2x32x16384xf32, #tpu.memory_space<hbm>> -> memref<1x32x16384xf32, #tpu.memory_space<hbm>>
    %dma_start3A_267 = tpu.memref_squeeze %dma_start3A_266 : memref<1x32x16384xf32, #tpu.memory_space<hbm>> -> memref<32x16384xf32, #tpu.memory_space<hbm>>
    %dma_start3A_268 = arith.constant 0 : i32
    %dma_start3A_269 = tpu.memref_slice %dma_start3A_267[%dma_start3A_268, %mul3A_2] : memref<32x16384xf32, #tpu.memory_space<hbm>> -> memref<32x512xf32, #tpu.memory_space<hbm>>
    %dma_start3A_270 = arith.constant 0 : i32
    %dma_start3A_271 = arith.constant 0 : i32
    %dma_start3A_272 = tpu.memref_slice %arg5[%dma_start3A_263, %dma_start3A_270, %dma_start3A_271] : memref<2x32x16384xf32, #tpu.memory_space<hbm>> -> memref<1x32x16384xf32, #tpu.memory_space<hbm>>
    %dma_start3A_273 = tpu.memref_squeeze %dma_start3A_272 : memref<1x32x16384xf32, #tpu.memory_space<hbm>> -> memref<32x16384xf32, #tpu.memory_space<hbm>>
    %dma_start3A_274 = arith.constant 0 : i32
    %dma_start3A_275 = tpu.memref_slice %dma_start3A_273[%dma_start3A_274, %mul3A_2] : memref<32x16384xf32, #tpu.memory_space<hbm>> -> memref<32x512xf32, #tpu.memory_space<hbm>>
    tpu.enqueue_dma source(%arg8 : memref<32x512xf32, #tpu.memory_space<vmem>>) target(%dma_start3A_275 : memref<32x512xf32, #tpu.memory_space<hbm>>) target_semaphore(%arg9 : memref<!tpu.dma_semaphore, #tpu.memory_space<semaphore_mem>>)
    %dma_wait3A = arith.constant 0 : i32
    %dma_wait3A_276 = arith.constant 0 : i32
    %dma_wait3A_277 = arith.constant 0 : i32
    %dma_wait3A_278 = tpu.memref_slice %arg5[%dma_wait3A, %dma_wait3A_276, %dma_wait3A_277] : memref<2x32x16384xf32, #tpu.memory_space<hbm>> -> memref<1x32x16384xf32, #tpu.memory_space<hbm>>
    %dma_wait3A_279 = tpu.memref_squeeze %dma_wait3A_278 : memref<1x32x16384xf32, #tpu.memory_space<hbm>> -> memref<32x16384xf32, #tpu.memory_space<hbm>>
    %dma_wait3A_280 = arith.constant 0 : i32
    %dma_wait3A_281 = tpu.memref_slice %dma_wait3A_279[%dma_wait3A_280, %mul3A_2] : memref<32x16384xf32, #tpu.memory_space<hbm>> -> memref<32x512xf32, #tpu.memory_space<hbm>>
    %dma_wait3A_282 = arith.constant 0 : i32
    %dma_wait3A_283 = arith.constant 0 : i32
    %dma_wait3A_284 = tpu.memref_slice %arg5[%dma_wait3A, %dma_wait3A_282, %dma_wait3A_283] : memref<2x32x16384xf32, #tpu.memory_space<hbm>> -> memref<1x32x16384xf32, #tpu.memory_space<hbm>>
    %dma_wait3A_285 = tpu.memref_squeeze %dma_wait3A_284 : memref<1x32x16384xf32, #tpu.memory_space<hbm>> -> memref<32x16384xf32, #tpu.memory_space<hbm>>
    %dma_wait3A_286 = arith.constant 0 : i32
    %dma_wait3A_287 = tpu.memref_slice %dma_wait3A_285[%dma_wait3A_286, %mul3A_2] : memref<32x16384xf32, #tpu.memory_space<hbm>> -> memref<32x512xf32, #tpu.memory_space<hbm>>
    tpu.wait_dma2 semaphore(%arg9 : memref<!tpu.dma_semaphore, #tpu.memory_space<semaphore_mem>>) src(%arg7 : memref<32x512xf32, #tpu.memory_space<vmem>>) dst(%dma_wait3A_287 : memref<32x512xf32, #tpu.memory_space<hbm>>)
    %dma_wait3A_288 = arith.constant 1 : i32
    %dma_wait3A_289 = arith.constant 0 : i32
    %dma_wait3A_290 = arith.constant 0 : i32
    %dma_wait3A_291 = tpu.memref_slice %arg5[%dma_wait3A_288, %dma_wait3A_289, %dma_wait3A_290] : memref<2x32x16384xf32, #tpu.memory_space<hbm>> -> memref<1x32x16384xf32, #tpu.memory_space<hbm>>
    %dma_wait3A_292 = tpu.memref_squeeze %dma_wait3A_291 : memref<1x32x16384xf32, #tpu.memory_space<hbm>> -> memref<32x16384xf32, #tpu.memory_space<hbm>>
    %dma_wait3A_293 = arith.constant 0 : i32
    %dma_wait3A_294 = tpu.memref_slice %dma_wait3A_292[%dma_wait3A_293, %mul3A_2] : memref<32x16384xf32, #tpu.memory_space<hbm>> -> memref<32x512xf32, #tpu.memory_space<hbm>>
    %dma_wait3A_295 = arith.constant 0 : i32
    %dma_wait3A_296 = arith.constant 0 : i32
    %dma_wait3A_297 = tpu.memref_slice %arg5[%dma_wait3A_288, %dma_wait3A_295, %dma_wait3A_296] : memref<2x32x16384xf32, #tpu.memory_space<hbm>> -> memref<1x32x16384xf32, #tpu.memory_space<hbm>>
    %dma_wait3A_298 = tpu.memref_squeeze %dma_wait3A_297 : memref<1x32x16384xf32, #tpu.memory_space<hbm>> -> memref<32x16384xf32, #tpu.memory_space<hbm>>
    %dma_wait3A_299 = arith.constant 0 : i32
    %dma_wait3A_300 = tpu.memref_slice %dma_wait3A_298[%dma_wait3A_299, %mul3A_2] : memref<32x16384xf32, #tpu.memory_space<hbm>> -> memref<32x512xf32, #tpu.memory_space<hbm>>
    tpu.wait_dma2 semaphore(%arg9 : memref<!tpu.dma_semaphore, #tpu.memory_space<semaphore_mem>>) src(%arg8 : memref<32x512xf32, #tpu.memory_space<vmem>>) dst(%dma_wait3A_300 : memref<32x512xf32, #tpu.memory_space<hbm>>)
    return
  }
}

</mosaic_0001>

<sc_bundles>
// kernel: kernel.3.cloned.1.call-start
scs
__scs_entry_jumppad:
0x0: {  	(pc) =	sbr.rel $0x88, $3  }
0x1: {  	(tag) =	ssettag $0x0;
	lr =	simm.s32 $0x1  }
0x2: {  	[smem:$0x3F9E] =	sst lr;
	_ =	strace $0xD0000000  }
0x3: {  	_ = 	snop  }
0x4: {  	_ = 	snop  }
0x5: {  	_ = 	snop  }
0x6: {  	_ = 	snop  }
0x7: {  	_ = 	snop  }
__scs_overlays_trampoline_lowered:
0x8: {  	[smem:$0x3FAD] =	sst s0  }
0x9: {  	[smem:$0x3FAE] =	sst s1  }
0xa: {  	[smem:$0x3FAF] =	sst s2  }
0xb: {  	[smem:$0x3FB0] =	sst s3  }
0xc: {  	[smem:$0x3FB1] =	sst s4  }
0xd: {  	[smem:$0x3FB2] =	sst s5  }
0xe: {  	[smem:$0x3FB3] =	sst s6  }
0xf: {  	[smem:$0x3FB4] =	sst s7  }
0x10: {  	[smem:$0x3FB5] =	sst s8  }
0x11: {  	[smem:$0x3FB6] =	sst s9;
	s0 =	simm.s32 @!p0 $0x0  }
0x12: {  	s1 =	sld [smem:$0x3F9C];
	s0 =	simm.s32 @p0 $0x1  }
0x13: {  	[smem:$0x3FB7] =	sst s0;
	s0 =	simm.s32 @!p1 $0x0  }
0x14: {  	s2 =	sld [smem:$0x3F9B];
	s0 =	simm.s32 @p1 $0x1  }
0x15: {  	[smem:$0x3FB8] =	sst s0;
	s0 =	simm.s32 @!p2 $0x0  }
0x16: {  	s3 =	sld [smem:$0x3FDB];
	s0 =	simm.s32 @p2 $0x1  }
0x17: {  	s4 =	simm.s32 $0x1BF5;
	[smem:$0x3FBA] =	sst s0  }
0x18: {  	s0 =	sld [smem:$0x3F9D];
	_ =	swait.ge [sflag:s4], $0x0  }
0x19: {  	s7 =	sld [smem:$0x3F9E]  }
0x1a: {  	s8 =	sadd.s32 $0xFFFFE003, lr  }
0x1b: {  	s9 =	sadd.s32 $0xFFFFFEF7, lr;
	s5 =	simm.s32 $0xFFFFFFFF;
	p2 =	slt.u32 s8, $0xFFFFF086  }
0x1c: {  	p1 =	slt.u32 s9, $0xF7A;
	s5 =	simm.s32 @!p2 $0x0  }
0x1d: {  	s5 =	simm.s32 @p1 $0x1;
	p0 =	seq.s32 s7, s2  }
0x1e: {  	s7 =	smul.u32 @!p0 $0xF7A, s2;
	p2 =	seq.s32 @!p0 s5, $0x0  }
0x1f: {  	s9 =	smul.u32 $0xF7A, s1;
	s8 =	simm.s32 @!p0 $0x1BF5;
	p2 =	por !p2, p0  }
0x20: {  	[sflag:s8] =	ssyncset.s32 @!p0 $0xFFFFF086;
	s6 =	sadd.s32 @!p0 s3, s7;
	s7 =	simm.s32 @!p0 $0x108  }
0x21: {  	s3 =	sadd.s32 s3, s9;
	s6 =	sadd.s32 @!p0 $0x88, s6;
	s7 =	simm.s32 @p2 $0x1082  }
0x22: {  	[simem:s7], [sflag:s8] =	dma.local @!p0 [hbm:s6], $0xF7A  }
0x23: {  	s9 =	sor.u32 $0xD0000000, s2;
	s6 =	simm.s32 $0x108;
	_ =	swait.ge @!p0 [sflag:s8], $0x0  }
0x24: {  	s3 =	sadd.s32 $0x88, s3;
	s6 =	simm.s32 @!p1 $0x1082;
	[sflag:s4] =	ssyncset.s32 $0xFFFFF086  }
0x25: {  	[simem:s6], [sflag:s4] =	dma.local [hbm:s3], $0xF7A  }
0x26: {  	[smem:$0x3F9E] =	sst s1;
	(tag) =	ssettag s2;
	_ =	strace s9  }
0x27: {  	s1 =	sld [smem:$0x3FAE]  }
0x28: {  	s2 =	sld [smem:$0x3FAF]  }
0x29: {  	s4 =	sld [smem:$0x3FB1]  }
0x2a: {  	p0 =	seq.s32 s5, $0x0;
	s5 =	sld [smem:$0x3FB2]  }
0x2b: {  	s6 =	sld [smem:$0x3FB3]  }
0x2c: {  	s7 =	sld [smem:$0x3FB4]  }
0x2d: {  	s3 =	simm.s32 $0x108;
	s8 =	sld [smem:$0x3FB5]  }
0x2e: {  	s3 =	simm.s32 @!p0 $0x1082;
	s9 =	sld [smem:$0x3FB6]  }
0x2f: {  	lr =	sadd.s32 s0, s3;
	s0 =	sld [smem:$0x3FAD]  }
0x30: {  	s3 =	sld [smem:$0x3FB0]  }
0x31: {  	[smem:$0x3FB9] =	sst s10  }
0x32: {  	s10 =	sld [smem:$0x3FB7];
	_ =	sdelay $0x3  }
0x33: {  	p0 =	seq.s32 s10, $0x1;
	s10 =	sld [smem:$0x3FB9];
	_ =	sdelay $0x3  }
0x34: {  	[smem:$0x3FB9] =	sst s10  }
0x35: {  	s10 =	sld [smem:$0x3FB8];
	_ =	sdelay $0x3  }
0x36: {  	p1 =	seq.s32 s10, $0x1;
	s10 =	sld [smem:$0x3FB9];
	_ =	sdelay $0x3  }
0x37: {  	[smem:$0x3FB9] =	sst s10  }
0x38: {  	s10 =	sld [smem:$0x3FBA]  }
0x39: {  	_ = 	snop;
	(pc) =	sbr.ind lr, $3  }
0x3a: {  	_ = 	snop  }
0x3b: {  	_ = 	snop  }
0x3c: {  	p2 =	seq.s32 s10, $0x1;
	s10 =	sld [smem:$0x3FB9]  }
0x3d: {  	_ =	shalt  }
0x3e: {  	_ =	shalt  }
0x3f: {  	_ =	shalt  }
0x40: {  	_ =	shalt  }
0x41: {  	_ =	shalt  }
0x42: {  	_ =	shalt  }
0x43: {  	_ =	shalt  }
0x44: {  	_ =	shalt  }
0x45: {  	_ =	shalt  }
0x46: {  	_ =	shalt  }
0x47: {  	_ =	shalt  }
0x48: {  	_ =	shalt  }
0x49: {  	_ =	shalt  }
0x4a: {  	_ =	shalt  }
0x4b: {  	_ =	shalt  }
0x4c: {  	_ =	shalt  }
0x4d: {  	_ =	shalt  }
0x4e: {  	_ =	shalt  }
0x4f: {  	_ =	shalt  }
0x50: {  	_ =	shalt  }
0x51: {  	_ =	shalt  }
0x52: {  	_ =	shalt  }
0x53: {  	_ =	shalt  }
0x54: {  	_ =	shalt  }
0x55: {  	_ =	shalt  }
0x56: {  	_ =	shalt  }
0x57: {  	_ =	shalt  }
0x58: {  	_ =	shalt  }
0x59: {  	_ =	shalt  }
0x5a: {  	_ =	shalt  }
0x5b: {  	_ =	shalt  }
0x5c: {  	_ =	shalt  }
0x5d: {  	_ =	shalt  }
0x5e: {  	_ =	shalt  }
0x5f: {  	_ =	shalt  }
0x60: {  	_ =	shalt  }
0x61: {  	_ =	shalt  }
0x62: {  	_ =	shalt  }
0x63: {  	_ =	shalt  }
0x64: {  	_ =	shalt  }
0x65: {  	_ =	shalt  }
0x66: {  	_ =	shalt  }
0x67: {  	_ =	shalt  }
0x68: {  	_ =	shalt  }
0x69: {  	_ =	shalt  }
0x6a: {  	_ =	shalt  }
0x6b: {  	_ =	shalt  }
0x6c: {  	_ =	shalt  }
0x6d: {  	_ =	shalt  }
0x6e: {  	_ =	shalt  }
0x6f: {  	_ =	shalt  }
0x70: {  	_ =	shalt  }
0x71: {  	_ =	shalt  }
0x72: {  	_ =	shalt  }
0x73: {  	_ =	shalt  }
0x74: {  	_ =	shalt  }
0x75: {  	_ =	shalt  }
0x76: {  	_ =	shalt  }
0x77: {  	_ =	shalt  }
0x78: {  	_ =	shalt  }
0x79: {  	_ =	shalt  }
0x7a: {  	_ =	shalt  }
0x7b: {  	_ =	shalt  }
0x7c: {  	_ =	shalt  }
0x7d: {  	_ =	shalt  }
0x7e: {  	_ =	shalt  }
0x7f: {  	_ =	shalt  }
0x80: {  	_ =	shalt  }
0x81: {  	_ =	shalt  }
0x82: {  	_ =	shalt  }
0x83: {  	_ =	shalt  }
0x84: {  	_ =	shalt  }
0x85: {  	_ =	shalt  }
0x86: {  	_ =	shalt  }
0x87: {  	_ =	shalt  }
.Lfunc_end0:
.L_simem_size_0:
called_computation_lowered:
.L_overlay_start_0:
0x88: {  	s2 =	sld [smem:$0x3FD9]  }
0x89: {  	s3 =	sld [smem:$0x3FFE];
	_ =	sdelay $0x1  }
0x8a: {  	s1 =	srdreg.scid  }
0x8b: {  	s0 =	sand.u32 $0x1, s1  }
0x8c: {  	s18 =	sshll.u32 s0, $0xA;
	s2 =	sadd.s32 s3, s2  }
0x8d: {  	s2 =	sadd.s32 s2, s18  }
0x8e: {  	[smem:$0x3FC5] =	sst s2  }
0x8f: {  	_ = 	snop  }
0x90: {  	s2 =	sld [smem:$0x3FC9]  }
0x91: {  	s19 =	sld [smem:$0x3FC8]  }
0x92: {  	s4 =	sld [smem:$0x3FC7]  }
0x93: {  	s5 =	sld [smem:$0x3FD0];
	(tm) =	ssettm $0x1  }
0x94: {  	s6 =	sld [smem:$0x3FFB];
	_ =	sdelay $0x3  }
0x95: {  	_ =	strace s6  }
0x96: {  	s6 =	sld [smem:$0x3FFC];
	_ =	sdelay $0x3  }
0x97: {  	_ =	strace s6  }
0x98: {  	s6 =	sld [smem:$0x3FFD];
	_ =	sdelay $0x3  }
0x99: {  	_ =	strace s6  }
0x9a: {  	_ =	strace $0x8FFFFFFF  }
0x9b: {  	s20 =	sld [smem:$0x3FDB];
	_ =	sdelay $0x1  }
0x9c: {  	s7 =	simm.s32 $_scs_section_size  }
0x9d: {  	s8 =	simm.s32 $_size__tile_overlayer_lowered;
	s9 =	simm.s32 $_tile_overlayer_lowered  }
0x9e: {  	s23 =	simm.s32 $0x1BFF;
	s22 =	sshll.u32 s9, $0x1;
	s6 =	sadd.s32 s7, s20  }
0x9f: {  	s10 =	simm.s32 $0x0;
	s21 =	sshll.u32 s8, $0x1;
	s8 =	sadd.s32 s22, s6  }
0xa0: {  	[timem:s10], [sflag:s23] =	dma.local [hbm:s8], s21  }
0xa1: {  	_ =	swait.ge [sflag:s23], s21  }
0xa2: {  	s7 =	ssub.s32 $0x0, s21;
	[sflag:s23] =	ssyncset.done $0x0  }
0xa3: {  	[sflag:s23] =	ssyncadd.s32 s7;
	_ =	sdelay $0x1  }
0xa4: {  	s24 =	simm.s32 $0x1B8B  }
0xa5: {  	_ =	swait.ge [sflag:s24], $0x1  }
0xa6: {  	[sflag:s24] =	ssyncset.done $0x0  }
0xa7: {  	s25 =	simm.s32 $0x1B8E;
	[sflag:s24] =	ssyncadd.s32 $0xFFFFFFFF  }
0xa8: {  	s26 =	simm.s32 $execute0_lowered;
	[smem:$0x3FD2] =	sst s25  }
0xa9: {  	s7 =	sshll.u32 s26, $0x1;
	_ =	strace $0x80000046;
	[dreg:$0x1] =	wrdreg $0xFFFFFFFF  }
0xaa: {  	s28 =	simm.s32 $_size_execute0_lowered;
	s6 =	sadd.s32 s6, s7;
	[dreg:$0x0] =	wrdreg $0x0  }
0xab: {  	s7 =	sshll.u32 s28, $0x1;
	[dreg:$0x2] =	wrdreg s6  }
0xac: {  	[dreg:$0x3] =	wrdreg s7  }
0xad: {  	[dreg:$0x4] =	wrdreg $0xC0  }
0xae: {  	_ =	task [dreg:s10], $0x5FFFF  }
0xaf: {  	[dreg:$0x1] =	wrdreg $0xFFFFFFFF  }
0xb0: {  	[dreg:$0x0] =	wrdreg $0x60  }
0xb1: {  	[dreg:$0x2] =	wrdreg s2  }
0xb2: {  	[dreg:$0x3] =	wrdreg s19  }
0xb3: {  	[dreg:$0x4] =	wrdreg s4  }
0xb4: {  	[dreg:$0x5] =	wrdreg s5  }
0xb5: {  	[dreg:$0x6] =	wrdreg $0x9  }
0xb6: {  	_ =	task.clear_ibuf [dreg:s10], $0x7FFFF;
	_ =	strace $0x90000046  }
0xb7: {  	s29 =	simm.s32 $0x9;
	_ =	strace $0x80000048  }
0xb8: {  	_ =	swait.ge [sflag:s29], $0x1  }
0xb9: {  	[sflag:s29] =	ssyncadd.s32 $0xFFFFFFFF  }
0xba: {  	_ =	strace $0x90000048  }
0xbb: {  	_ =	sfence  }
0xbc: {  	s30 =	sld [smem:$0x0];
	_ =	sdelay $0x2  }
0xbd: {  	s31 =	sshll.u32 s1, $0xD;
	s1 =	sshrl.u32 s1, $0x2  }
0xbe: {  	s3 =	sand.u32 $0x4000, s31;
	s1 =	sadd.s32 s1, s30  }
0xbf: {  	s0 =	sor.u32 s3, s0;
	s1 =	sshll.u32 s1, $0x11  }
0xc0: {  	s0 =	sor.u32 s1, s0  }
0xc1: {  	s0 =	sadd.s32 $0x8F2B, s0  }
0xc2: {  	[sflag:s0] =	ssyncadd.remote.s32 $0x1  }
0xc3: {  	_ =	sfence.sel $0xFFFF  }
0xc4: {  	[dreg:$0x0] =	wrdreg $0xFFFFFFFF;
	(pc) =	sbr.abs _section_cstart, $3  }
0xc5: {  	[dreg:$0x1] =	wrdreg $0xFFFFFFFF  }
0xc6: {  	_ =	task.clear_ibuf [dreg:s10], $0x2FFFF;
	_ =	strace $0x9FFFFFFF  }
0xc7: {  	(tm) =	ssettm $0x7FFFFFFF  }
tec
execute0_lowered:
.L_overlay_start_1:
0x0: {  	(tag) =	ssettag $0x1  }
0x1: {  	v0 =	vlaneseq.u32;
	v1 =	vimm.s32 $0x1380  }
0x2: {  	s0 =	rddreg [dreg:$0x0];
	vm0 =	vcmask $0x300;
	v2 =	vimm.s32 $0x3380;
	vm1 =	vcmask $0x704  }
0x3: {  	s6 =	rddreg [dreg:$0x1];
	vm15 =	vcmask $0xB08;
	v1 =	vsel vm0, $0x0, v1;
	v2 =	vsel vm0, $0x2000, v2  }
0x4: {  	s1 =	rddreg [dreg:$0x3];
	vm4 =	vcmask $0xF0C;
	v1 =	vsel vm1, $0x80, v1;
	v2 =	vsel vm1, $0x2080, v2  }
0x5: {  	s2 =	srdreg.scid;
	s5 =	simm.s32 $0x0;
	s4 =	stileid.u32;
	vm5 =	vcmask $0x1310;
	v1 =	vsel vm15, $0x100, v1;
	v2 =	vsel vm15, $0x2100, v2  }
0x6: {  	s10 =	simm.s32 $0x400;
	s19 =	simm.s32 $0x8400;
	s16 =	simm.s32 $0x9400;
	vm6 =	vcmask $0x1714;
	v1 =	vsel vm4, $0x180, v1;
	v2 =	vsel vm4, $0x2180, v2  }
0x7: {  	s17 =	simm.s32 $0xA400;
	s18 =	simm.s32 $0xB400;
	s21 =	simm.s32 $0xC400;
	vm7 =	vcmask $0x1B18;
	v1 =	vsel vm5, $0x200, v1;
	v2 =	vsel vm5, $0x2200, v2  }
0x8: {  	s25 =	simm.s32 $0xF400;
	s28 =	simm.s32 $0x11400;
	vm8 =	vcmask $0x1F1C;
	s13 =	simm.s32 $0x4400;
	v1 =	vsel vm6, $0x280, v1;
	v2 =	vsel vm6, $0x2280, v2  }
0x9: {  	vm9 =	vcmask $0x2320;
	s14 =	simm.s32 $0x0;
	s31 =	simm.s32 $0x9400;
	s30 =	simm.s32 $0xC400;
	v1 =	vsel vm7, $0x300, v1;
	v2 =	vsel vm7, $0x2300, v2  }
0xa: {  	vm10 =	vcmask $0x2724;
	s29 =	simm.s32 $0x17400;
	s2 =	sand.u32 $0x1, s2;
	s4 =	sshll.u32 s4, $0xA;
	v1 =	vsel vm8, $0x380, v1;
	v2 =	vsel vm8, $0x2380, v2  }
0xb: {  	vm11 =	vcmask $0x2B28;
	[smem:$0x7FF] =	sst s5;
	s3 =	ssub.s32 $0x2, s2;
	s2 =	sshll.u32 s2, $0x9;
	v1 =	vsel vm9, $0x1000, v1;
	v2 =	vsel vm9, $0x3000, v2  }
0xc: {  	vm12 =	vcmask $0x2F2C;
	_ =	strace $0x80000047;
	[dreg:$0x9] =	wrdreg s14;
	s2 =	sor.u32 s2, s4;
	v1 =	vsel vm10, $0x1080, v1;
	v2 =	vsel vm10, $0x3080, v2  }
0xd: {  	vm13 =	vcmask $0x3330;
	s22 =	sshrl.u32 s3, $0x1;
	s4 =	sshrl.u32 s2, $0x2;
	s23 =	sadd.s32 s1, s2;
	v1 =	vsel vm11, $0x1100, v1;
	v2 =	vsel vm11, $0x3100, v2  }
0xe: {  	vm14 =	vcmask $0x3734;
	s3 =	ssub.s32 s3, s22;
	s0 =	sadd.s32 s0, s4;
	[dreg:$0x6] =	wrdreg s23;
	v1 =	vsel vm12, $0x1180, v1;
	v2 =	vsel vm12, $0x3180, v2  }
0xf: {  	v0 =	vmul.u32 $0x80, v0;
	s24 =	sadd.s32 $0x10000, s1;
	s26 =	smax.u32 s3, $0x1;
	[dreg:$0x5] =	wrdreg s0;
	v1 =	vsel vm13, $0x1200, v1;
	v2 =	vsel vm13, $0x3200, v2  }
0x10: {  	vm15 =	vcmask $0x3B38;
	s22 =	simm.s32 $0xD400;
	[dreg:$0x7] =	wrdreg s26;
	s0 =	sadd.s32 s2, s24;
	v1 =	vsel vm14, $0x1280, v1;
	v3 =	vsel vm14, $0x3280, v2  }
0x11: {  	s23 =	simm.s32 $0xE400;
	s26 =	simm.s32 $0x10400;
	[dreg:$0x8] =	wrdreg s0;
	v2 =	vor.u32 $0x800, v0;
	v1 =	vsel vm15, $0x1300, v1;
	v3 =	vsel vm15, $0x3300, v3  }
.LBB2_1:
0x12: {  	s14 =	simm.s32 $0x0;
	s15 =	rddreg [dreg:$0x5];
	s20 =	simm.s32 $0x12  }
0x13: {  	[tilespmem:s14], [sflag:$0x12] =	stream.linear.gather [hbm4b:s15+s14], $0x400, $0x38;
	[tilespmem:$0x18400] =	vst v63  }
0x14: {  	_ =	swait.ge [sflag:s20], $0x400  }
0x15: {  	[sflag:s20] =	ssyncset.done $0x0  }
0x16: {  	[sflag:s20] =	ssyncadd.s32 $0xFFFFFC00  }
0x17: {  	v4 =	vld [tilespmem:$0x0];
	_ =	sdelay $0x4  }
0x18: {  	v4 =	vand.u32 $0xFFFFFF80, v4  }
0x19: {  	v4 =	vadd.s32 s6, v4  }
0x1a: {  	(v2sf) =	vpush v4, $0x0;
	_ =	sdelay $0x1  }
0x1b: {  	(v2sf) =	vpush v4, $0x1;
	_ =	sdelay $0x1  }
0x1c: {  	(v2sf) =	vpush v4, $0x2;
	_ =	sdelay $0x1  }
0x1d: {  	(v2sf) =	vpush v4, $0x3;
	_ =	sdelay $0x1  }
0x1e: {  	(v2sf) =	vpush v4, $0x4;
	_ =	sdelay $0x1  }
0x1f: {  	(v2sf) =	vpush v4, $0x5;
	_ =	sdelay $0x1  }
0x20: {  	(v2sf) =	vpush v4, $0x6;
	_ =	sdelay $0x1  }
0x21: {  	(v2sf) =	vpush v4, $0x7  }
0x22: {  	s0 =	simm.s32 $0x7A1400;
	s24 =	spop (v2sf)  }
0x23: {  	(v2sf) =	vpush v4, $0x8;
	[tilespmem:s19], [sflag:$0x2] =	stream.strided.gather [hbm4b:s24+s10], $0x1000, s0, s10, $0x38;
	[tilespmem:$0x18400] =	vst v63  }
0x24: {  	s1 =	spop (v2sf)  }
0x25: {  	(v2sf) =	vpush v4, $0x9;
	[tilespmem:s16], [sflag:$0x3] =	stream.strided.gather [hbm4b:s1+s10], $0x1000, s0, s10, $0x38;
	[tilespmem:$0x18400] =	vst v63  }
0x26: {  	s2 =	spop (v2sf)  }
0x27: {  	(v2sf) =	vpush v4, $0xA;
	[tilespmem:s17], [sflag:$0x4] =	stream.strided.gather [hbm4b:s2+s10], $0x1000, s0, s10, $0x38;
	[tilespmem:$0x18400] =	vst v63  }
0x28: {  	s3 =	spop (v2sf)  }
0x29: {  	(v2sf) =	vpush v4, $0xB;
	[tilespmem:s18], [sflag:$0x5] =	stream.strided.gather [hbm4b:s3+s10], $0x1000, s0, s10, $0x38;
	[tilespmem:$0x18400] =	vst v63  }
0x2a: {  	s4 =	spop (v2sf)  }
0x2b: {  	(v2sf) =	vpush v4, $0xC;
	[tilespmem:s21], [sflag:$0x6] =	stream.strided.gather [hbm4b:s4+s10], $0x1000, s0, s10, $0x38;
	[tilespmem:$0x18400] =	vst v63  }
0x2c: {  	s5 =	spop (v2sf)  }
0x2d: {  	(v2sf) =	vpush v4, $0xD;
	[tilespmem:s22], [sflag:$0x7] =	stream.strided.gather [hbm4b:s5+s10], $0x1000, s0, s10, $0x38;
	[tilespmem:$0x18400] =	vst v63  }
0x2e: {  	s6 =	spop (v2sf)  }
0x2f: {  	(v2sf) =	vpush v4, $0xE;
	[tilespmem:s23], [sflag:$0x8] =	stream.strided.gather [hbm4b:s6+s10], $0x1000, s0, s10, $0x38;
	[tilespmem:$0x18400] =	vst v63  }
0x30: {  	s7 =	spop (v2sf)  }
0x31: {  	(v2sf) =	vpush v4, $0xF;
	[tilespmem:s25], [sflag:$0x9] =	stream.strided.gather [hbm4b:s7+s10], $0x1000, s0, s10, $0x38;
	[tilespmem:$0x18400] =	vst v63  }
0x32: {  	s12 =	simm.s32 $0x12400;
	s14 =	simm.s32 $0x20;
	s8 =	spop (v2sf)  }
0x33: {  	[tilespmem:s26], [sflag:$0xA] =	stream.strided.gather [hbm4b:s8+s10], $0x1000, s0, s10, $0x38;
	[tilespmem:$0x18400] =	vst v63  }
0x34: {  	s15 =	simm.s32 $0x10;
	s1 =	simm.s32 $0xD;
	s9 =	spop (v2sf)  }
0x35: {  	[tilespmem:s28], [sflag:$0xB] =	stream.strided.gather [hbm4b:s9+s10], $0x1000, s0, s10, $0x38;
	[tilespmem:$0x18400] =	vst v63  }
0x36: {  	s18 =	simm.s32 $0x13400;
	s3 =	simm.s32 $0x5;
	s11 =	spop (v2sf)  }
0x37: {  	[tilespmem:s12], [sflag:$0xC] =	stream.strided.gather [hbm4b:s11+s10], $0x1000, s0, s10, $0x38;
	[tilespmem:$0x18400] =	vst v63  }
0x38: {  	s21 =	simm.s32 $0x14400;
	s5 =	simm.s32 $0x7;
	s17 =	spop (v2sf)  }
0x39: {  	[tilespmem:s18], [sflag:$0xD] =	stream.strided.gather [hbm4b:s17+s10], $0x1000, s0, s10, $0x38;
	[tilespmem:$0x18400] =	vst v63  }
0x3a: {  	s23 =	simm.s32 $0x15400;
	s25 =	simm.s32 $0x16400;
	s20 =	spop (v2sf)  }
0x3b: {  	[tilespmem:s21], [sflag:$0xE] =	stream.strided.gather [hbm4b:s20+s10], $0x1000, s0, s10, $0x38;
	[tilespmem:$0x18400] =	vst v63  }
0x3c: {  	s7 =	simm.s32 $0x9;
	s8 =	simm.s32 $0xB;
	s22 =	spop (v2sf)  }
0x3d: {  	[tilespmem:s23], [sflag:$0xF] =	stream.strided.gather [hbm4b:s22+s10], $0x1000, s0, s10, $0x38;
	[tilespmem:$0x18400] =	vst v63  }
0x3e: {  	s28 =	simm.s32 $0x17400;
	s24 =	spop (v2sf);
	s11 =	simm.s32 $0xF  }
0x3f: {  	[tilespmem:s25], [sflag:$0x10] =	stream.strided.gather [hbm4b:s24+s10], $0x1000, s0, s10, $0x38;
	[tilespmem:$0x18400] =	vst v63  }
0x40: {  	s26 =	spop (v2sf);
	s20 =	simm.s32 $0x11;
	s24 =	simm.s32 $0xA  }
0x41: {  	[tilespmem:s28], [sflag:$0x11] =	stream.strided.gather [hbm4b:s26+s10], $0x1000, s0, s10, $0x38;
	[tilespmem:$0x18400] =	vst v63  }
.LBB2_2:
0x42: {  	s16 =	sadd.s32 $0xFFFFFFF0, s15;
	s17 =	sadd.s32 $0xFFFFFFE0, s14  }
0x43: {  	s18 =	sand.u32 $0x70, s16;
	s17 =	sand.u32 $0x300, s17  }
0x44: {  	s17 =	sor.u32 s18, s17  }
0x45: {  	v4 =	vld [tilespmem:s17+$0x0];
	_ =	sdelay $0x4  }
0x46: {  	v4 =	vand.u32 $0x7F, v4  }
0x47: {  	v5 =	vbroadcast v4, $0x0;
	_ =	sdelay $0x1  }
0x48: {  	v6 =	vor.u32 v0, v5  }
0x49: {  	s0 =	simm.s32 $0x2;
	v7 =	vmov s16  }
0x4a: {  	v8 =	vshll.u32 v7, $0x3;
	_ =	swait.ge [sflag:s0], $0x1000  }
0x4b: {  	v7 =	vand.u32 $0x70, v7;
	v8 =	vand.u32 $0xC00, v8;
	[sflag:s0] =	ssyncset.done $0x0  }
0x4c: {  	v7 =	vor.u32 v7, v8;
	[sflag:s0] =	ssyncadd.s32 $0xFFFFF000  }
0x4d: {  	v8 =	vor.u32 v1, v7;
	v6 =	vld.idx.msk [tilespmem:v6+s19+$0x0], $0xffff  }
0x4e: {  	v5 =	vor.u32 v2, v5;
	_ =	sdelay $0x3  }
0x4f: {  	[tilespmem:v8+s10+$0x0] =	vst.idx.msk $0xffff, v6  }
0x50: {  	v41 =	vor.u32 v3, v7;
	v5 =	vld.idx.msk [tilespmem:v5+s19+$0x0], $0xffff;
	_ =	sdelay $0x1  }
0x51: {  	v42 =	vbroadcast v4, $0x1;
	_ =	sdelay $0x1  }
0x52: {  	s25 =	sadd.s32 $0xFFFFFFF1, s15;
	v43 =	vor.u32 v0, v42  }
0x53: {  	s26 =	simm.s32 $0x3;
	[tilespmem:v41+s10+$0x0] =	vst.idx.msk $0xffff, v5;
	v5 =	vmov s25  }
0x54: {  	_ =	swait.ge [sflag:s26], $0x1000;
	v44 =	vshll.u32 v5, $0x3  }
0x55: {  	v5 =	vand.u32 $0x71, v5;
	[sflag:s26] =	ssyncset.done $0x0;
	v6 =	vand.u32 $0xC00, v44  }
0x56: {  	s2 =	simm.s32 $0x9400;
	[sflag:s26] =	ssyncadd.s32 $0xFFFFF000;
	v5 =	vor.u32 v5, v6  }
0x57: {  	v45 =	vld.idx.msk [tilespmem:v43+s2+$0x0], $0xffff;
	v46 =	vor.u32 v1, v5  }
0x58: {  	v7 =	vor.u32 v2, v42;
	_ =	sdelay $0x3  }
0x59: {  	[tilespmem:v46+s10+$0x0] =	vst.idx.msk $0xffff, v45  }
0x5a: {  	v5 =	vor.u32 v3, v5;
	v6 =	vld.idx.msk [tilespmem:v7+s2+$0x0], $0xffff;
	_ =	sdelay $0x1  }
0x5b: {  	v47 =	vbroadcast v4, $0x2;
	_ =	sdelay $0x1  }
0x5c: {  	s4 =	sadd.s32 $0xFFFFFFF2, s15;
	v48 =	vor.u32 v0, v47  }
0x5d: {  	s6 =	simm.s32 $0x4;
	[tilespmem:v5+s10+$0x0] =	vst.idx.msk $0xffff, v6;
	v5 =	vmov s4  }
0x5e: {  	_ =	swait.ge [sflag:s6], $0x1000;
	v49 =	vshll.u32 v5, $0x3  }
0x5f: {  	v5 =	vand.u32 $0x72, v5;
	[sflag:s6] =	ssyncset.done $0x0;
	v6 =	vand.u32 $0xC00, v49  }
0x60: {  	s9 =	simm.s32 $0xA400;
	[sflag:s6] =	ssyncadd.s32 $0xFFFFF000;
	v5 =	vor.u32 v5, v6  }
0x61: {  	v50 =	vld.idx.msk [tilespmem:v48+s9+$0x0], $0xffff;
	v51 =	vor.u32 v1, v5  }
0x62: {  	v7 =	vor.u32 v2, v47;
	_ =	sdelay $0x3  }
0x63: {  	[tilespmem:v51+s10+$0x0] =	vst.idx.msk $0xffff, v50  }
0x64: {  	v5 =	vor.u32 v3, v5;
	v6 =	vld.idx.msk [tilespmem:v7+s9+$0x0], $0xffff;
	_ =	sdelay $0x1  }
0x65: {  	v52 =	vbroadcast v4, $0x3;
	_ =	sdelay $0x1  }
0x66: {  	s12 =	sadd.s32 $0xFFFFFFF3, s15;
	v53 =	vor.u32 v0, v52  }
0x67: {  	[tilespmem:v5+s10+$0x0] =	vst.idx.msk $0xffff, v6;
	v5 =	vmov s12  }
0x68: {  	_ =	swait.ge [sflag:s3], $0x1000;
	v54 =	vshll.u32 v5, $0x3  }
0x69: {  	v5 =	vand.u32 $0x73, v5;
	[sflag:s3] =	ssyncset.done $0x0;
	v6 =	vand.u32 $0xC00, v54  }
0x6a: {  	s16 =	simm.s32 $0xB400;
	[sflag:s3] =	ssyncadd.s32 $0xFFFFF000;
	v5 =	vor.u32 v5, v6  }
0x6b: {  	v55 =	vld.idx.msk [tilespmem:v53+s16+$0x0], $0xffff;
	v56 =	vor.u32 v1, v5  }
0x6c: {  	v7 =	vor.u32 v2, v52;
	_ =	sdelay $0x3  }
0x6d: {  	[tilespmem:v56+s10+$0x0] =	vst.idx.msk $0xffff, v55  }
0x6e: {  	v5 =	vor.u32 v3, v5;
	v6 =	vld.idx.msk [tilespmem:v7+s16+$0x0], $0xffff;
	_ =	sdelay $0x1  }
0x6f: {  	v57 =	vbroadcast v4, $0x4;
	_ =	sdelay $0x1  }
0x70: {  	s17 =	sadd.s32 $0xFFFFFFF4, s15;
	v58 =	vor.u32 v0, v57  }
0x71: {  	s18 =	simm.s32 $0x6;
	[tilespmem:v5+s10+$0x0] =	vst.idx.msk $0xffff, v6;
	v5 =	vmov s17  }
0x72: {  	_ =	swait.ge [sflag:s18], $0x1000;
	v59 =	vshll.u32 v5, $0x3  }
0x73: {  	v5 =	vand.u32 $0x74, v5;
	[sflag:s18] =	ssyncset.done $0x0;
	v6 =	vand.u32 $0xC00, v59  }
0x74: {  	s19 =	simm.s32 $0xC400;
	[sflag:s18] =	ssyncadd.s32 $0xFFFFF000;
	v5 =	vor.u32 v5, v6  }
0x75: {  	v60 =	vld.idx.msk [tilespmem:v58+s19+$0x0], $0xffff;
	v61 =	vor.u32 v1, v5  }
0x76: {  	v7 =	vor.u32 v2, v57;
	_ =	sdelay $0x3  }
0x77: {  	[tilespmem:v61+s10+$0x0] =	vst.idx.msk $0xffff, v60  }
0x78: {  	v5 =	vor.u32 v3, v5;
	v6 =	vld.idx.msk [tilespmem:v7+s19+$0x0], $0xffff;
	_ =	sdelay $0x1  }
0x79: {  	v62 =	vbroadcast v4, $0x5;
	_ =	sdelay $0x1  }
0x7a: {  	s21 =	sadd.s32 $0xFFFFFFF5, s15;
	v63 =	vor.u32 v0, v62  }
0x7b: {  	[tilespmem:v5+s10+$0x0] =	vst.idx.msk $0xffff, v6;
	v5 =	vmov s21  }
0x7c: {  	_ =	swait.ge [sflag:s5], $0x1000;
	v12 =	vshll.u32 v5, $0x3  }
0x7d: {  	v5 =	vand.u32 $0x75, v5;
	[sflag:s5] =	ssyncset.done $0x0;
	v6 =	vand.u32 $0xC00, v12  }
0x7e: {  	s22 =	simm.s32 $0xD400;
	[sflag:s5] =	ssyncadd.s32 $0xFFFFF000;
	v5 =	vor.u32 v5, v6  }
0x7f: {  	v13 =	vld.idx.msk [tilespmem:v63+s22+$0x0], $0xffff;
	v14 =	vor.u32 v1, v5  }
0x80: {  	v7 =	vor.u32 v2, v62;
	_ =	sdelay $0x3  }
0x81: {  	[tilespmem:v14+s10+$0x0] =	vst.idx.msk $0xffff, v13  }
0x82: {  	v5 =	vor.u32 v3, v5;
	v6 =	vld.idx.msk [tilespmem:v7+s22+$0x0], $0xffff;
	_ =	sdelay $0x1  }
0x83: {  	v15 =	vbroadcast v4, $0x6;
	_ =	sdelay $0x1  }
0x84: {  	s23 =	sadd.s32 $0xFFFFFFF6, s15;
	v16 =	vor.u32 v0, v15  }
0x85: {  	s25 =	simm.s32 $0x8;
	[tilespmem:v5+s10+$0x0] =	vst.idx.msk $0xffff, v6;
	v5 =	vmov s23  }
0x86: {  	_ =	swait.ge [sflag:s25], $0x1000;
	v17 =	vshll.u32 v5, $0x3  }
0x87: {  	v5 =	vand.u32 $0x76, v5;
	[sflag:s25] =	ssyncset.done $0x0;
	v6 =	vand.u32 $0xC00, v17  }
0x88: {  	s26 =	simm.s32 $0xE400;
	[sflag:s25] =	ssyncadd.s32 $0xFFFFF000;
	v5 =	vor.u32 v5, v6  }
0x89: {  	v18 =	vld.idx.msk [tilespmem:v16+s26+$0x0], $0xffff;
	v19 =	vor.u32 v1, v5  }
0x8a: {  	v7 =	vor.u32 v2, v15;
	_ =	sdelay $0x3  }
0x8b: {  	[tilespmem:v19+s10+$0x0] =	vst.idx.msk $0xffff, v18  }
0x8c: {  	v5 =	vor.u32 v3, v5;
	v6 =	vld.idx.msk [tilespmem:v7+s26+$0x0], $0xffff;
	_ =	sdelay $0x1  }
0x8d: {  	v20 =	vbroadcast v4, $0x7;
	_ =	sdelay $0x1  }
0x8e: {  	s0 =	sadd.s32 $0xFFFFFFF7, s15;
	v21 =	vor.u32 v0, v20  }
0x8f: {  	[tilespmem:v5+s10+$0x0] =	vst.idx.msk $0xffff, v6;
	v5 =	vmov s0  }
0x90: {  	_ =	swait.ge [sflag:s7], $0x1000;
	v22 =	vshll.u32 v5, $0x3  }
0x91: {  	v5 =	vand.u32 $0x77, v5;
	[sflag:s7] =	ssyncset.done $0x0;
	v6 =	vand.u32 $0xC00, v22  }
0x92: {  	s6 =	simm.s32 $0xF400;
	[sflag:s7] =	ssyncadd.s32 $0xFFFFF000;
	v5 =	vor.u32 v5, v6  }
0x93: {  	v23 =	vld.idx.msk [tilespmem:v21+s6+$0x0], $0xffff;
	v24 =	vor.u32 v1, v5  }
0x94: {  	v7 =	vor.u32 v2, v20;
	_ =	sdelay $0x3  }
0x95: {  	[tilespmem:v24+s10+$0x0] =	vst.idx.msk $0xffff, v23  }
0x96: {  	v5 =	vor.u32 v3, v5;
	v6 =	vld.idx.msk [tilespmem:v7+s6+$0x0], $0xffff;
	_ =	sdelay $0x1  }
0x97: {  	v25 =	vbroadcast v4, $0x8;
	_ =	sdelay $0x1  }
0x98: {  	v26 =	vor.u32 v0, v25;
	s17 =	sadd.s32 $0xFFFFFFF8, s15  }
0x99: {  	[tilespmem:v5+s10+$0x0] =	vst.idx.msk $0xffff, v6;
	v5 =	vmov s17  }
0x9a: {  	_ =	swait.ge [sflag:s24], $0x1000;
	v27 =	vshll.u32 v5, $0x3  }
0x9b: {  	v5 =	vand.u32 $0x78, v5;
	[sflag:s24] =	ssyncset.done $0x0;
	v6 =	vand.u32 $0xC00, v27  }
0x9c: {  	s18 =	simm.s32 $0x10400;
	[sflag:s24] =	ssyncadd.s32 $0xFFFFF000;
	v5 =	vor.u32 v5, v6  }
0x9d: {  	v28 =	vld.idx.msk [tilespmem:v26+s18+$0x0], $0xffff;
	v29 =	vor.u32 v1, v5  }
0x9e: {  	v7 =	vor.u32 v2, v25;
	_ =	sdelay $0x3  }
0x9f: {  	[tilespmem:v29+s10+$0x0] =	vst.idx.msk $0xffff, v28  }
0xa0: {  	v5 =	vor.u32 v3, v5;
	v6 =	vld.idx.msk [tilespmem:v7+s18+$0x0], $0xffff;
	_ =	sdelay $0x1  }
0xa1: {  	v30 =	vbroadcast v4, $0x9;
	_ =	sdelay $0x1  }
0xa2: {  	v31 =	vor.u32 v0, v30;
	s19 =	sadd.s32 $0xFFFFFFF9, s15  }
0xa3: {  	[tilespmem:v5+s10+$0x0] =	vst.idx.msk $0xffff, v6;
	v5 =	vmov s19  }
0xa4: {  	_ =	swait.ge [sflag:s8], $0x1000;
	v32 =	vshll.u32 v5, $0x3  }
0xa5: {  	v5 =	vand.u32 $0x79, v5;
	[sflag:s8] =	ssyncset.done $0x0;
	v6 =	vand.u32 $0xC00, v32  }
0xa6: {  	s21 =	simm.s32 $0x11400;
	[sflag:s8] =	ssyncadd.s32 $0xFFFFF000;
	v5 =	vor.u32 v5, v6  }
0xa7: {  	v33 =	vld.idx.msk [tilespmem:v31+s21+$0x0], $0xffff;
	v34 =	vor.u32 v1, v5  }
0xa8: {  	v7 =	vor.u32 v2, v30;
	_ =	sdelay $0x3  }
0xa9: {  	[tilespmem:v34+s10+$0x0] =	vst.idx.msk $0xffff, v33  }
0xaa: {  	v5 =	vor.u32 v3, v5;
	v6 =	vld.idx.msk [tilespmem:v7+s21+$0x0], $0xffff;
	_ =	sdelay $0x1  }
0xab: {  	v35 =	vbroadcast v4, $0xA;
	_ =	sdelay $0x1  }
0xac: {  	v36 =	vor.u32 v0, v35;
	s22 =	sadd.s32 $0xFFFFFFFA, s15  }
0xad: {  	s23 =	simm.s32 $0xC;
	[tilespmem:v5+s10+$0x0] =	vst.idx.msk $0xffff, v6;
	v5 =	vmov s22  }
0xae: {  	_ =	swait.ge [sflag:s23], $0x1000;
	v37 =	vshll.u32 v5, $0x3  }
0xaf: {  	v5 =	vand.u32 $0x7A, v5;
	[sflag:s23] =	ssyncset.done $0x0;
	v6 =	vand.u32 $0xC00, v37  }
0xb0: {  	s25 =	simm.s32 $0x12400;
	[sflag:s23] =	ssyncadd.s32 $0xFFFFF000;
	v5 =	vor.u32 v5, v6  }
0xb1: {  	v38 =	vld.idx.msk [tilespmem:v36+s25+$0x0], $0xffff;
	v39 =	vor.u32 v1, v5  }
0xb2: {  	v7 =	vor.u32 v2, v35;
	_ =	sdelay $0x3  }
0xb3: {  	[tilespmem:v39+s10+$0x0] =	vst.idx.msk $0xffff, v38  }
0xb4: {  	v5 =	vor.u32 v3, v5;
	v6 =	vld.idx.msk [tilespmem:v7+s25+$0x0], $0xffff;
	_ =	sdelay $0x1  }
0xb5: {  	v40 =	vbroadcast v4, $0xB;
	_ =	sdelay $0x1  }
0xb6: {  	v41 =	vor.u32 v0, v40;
	s17 =	sadd.s32 $0xFFFFFFFB, s15  }
0xb7: {  	[tilespmem:v5+s10+$0x0] =	vst.idx.msk $0xffff, v6;
	v5 =	vmov s17  }
0xb8: {  	_ =	swait.ge [sflag:s1], $0x1000;
	v42 =	vshll.u32 v5, $0x3  }
0xb9: {  	v5 =	vand.u32 $0x7B, v5;
	[sflag:s1] =	ssyncset.done $0x0;
	v6 =	vand.u32 $0xC00, v42  }
0xba: {  	s18 =	simm.s32 $0x13400;
	[sflag:s1] =	ssyncadd.s32 $0xFFFFF000;
	v5 =	vor.u32 v5, v6  }
0xbb: {  	v43 =	vld.idx.msk [tilespmem:v41+s18+$0x0], $0xffff;
	v44 =	vor.u32 v1, v5  }
0xbc: {  	v7 =	vor.u32 v2, v40;
	_ =	sdelay $0x3  }
0xbd: {  	[tilespmem:v44+s10+$0x0] =	vst.idx.msk $0xffff, v43  }
0xbe: {  	v5 =	vor.u32 v3, v5;
	v6 =	vld.idx.msk [tilespmem:v7+s18+$0x0], $0xffff;
	_ =	sdelay $0x1  }
0xbf: {  	v45 =	vbroadcast v4, $0xC;
	_ =	sdelay $0x1  }
0xc0: {  	v46 =	vor.u32 v0, v45;
	s19 =	sadd.s32 $0xFFFFFFFC, s15  }
0xc1: {  	s22 =	simm.s32 $0xE;
	[tilespmem:v5+s10+$0x0] =	vst.idx.msk $0xffff, v6;
	v5 =	vmov s19  }
0xc2: {  	_ =	swait.ge [sflag:s22], $0x1000;
	v47 =	vshll.u32 v5, $0x3  }
0xc3: {  	v5 =	vand.u32 $0x7C, v5;
	[sflag:s22] =	ssyncset.done $0x0;
	v6 =	vand.u32 $0xC00, v47  }
0xc4: {  	s25 =	simm.s32 $0x14400;
	[sflag:s22] =	ssyncadd.s32 $0xFFFFF000;
	v5 =	vor.u32 v5, v6  }
0xc5: {  	v48 =	vld.idx.msk [tilespmem:v46+s25+$0x0], $0xffff;
	v49 =	vor.u32 v1, v5  }
0xc6: {  	v7 =	vor.u32 v2, v45;
	_ =	sdelay $0x3  }
0xc7: {  	[tilespmem:v49+s10+$0x0] =	vst.idx.msk $0xffff, v48  }
0xc8: {  	v5 =	vor.u32 v3, v5;
	v6 =	vld.idx.msk [tilespmem:v7+s25+$0x0], $0xffff;
	_ =	sdelay $0x1  }
0xc9: {  	v50 =	vbroadcast v4, $0xD;
	_ =	sdelay $0x1  }
0xca: {  	v51 =	vor.u32 v0, v50;
	s17 =	sadd.s32 $0xFFFFFFFD, s15  }
0xcb: {  	[tilespmem:v5+s10+$0x0] =	vst.idx.msk $0xffff, v6;
	v5 =	vmov s17  }
0xcc: {  	_ =	swait.ge [sflag:s11], $0x1000;
	v52 =	vshll.u32 v5, $0x3  }
0xcd: {  	v5 =	vand.u32 $0x7D, v5;
	[sflag:s11] =	ssyncset.done $0x0;
	v6 =	vand.u32 $0xC00, v52  }
0xce: {  	s18 =	simm.s32 $0x15400;
	[sflag:s11] =	ssyncadd.s32 $0xFFFFF000;
	v5 =	vor.u32 v5, v6  }
0xcf: {  	v53 =	vld.idx.msk [tilespmem:v51+s18+$0x0], $0xffff;
	v54 =	vor.u32 v1, v5  }
0xd0: {  	v7 =	vor.u32 v2, v50;
	_ =	sdelay $0x3  }
0xd1: {  	[tilespmem:v54+s10+$0x0] =	vst.idx.msk $0xffff, v53  }
0xd2: {  	v5 =	vor.u32 v3, v5;
	v6 =	vld.idx.msk [tilespmem:v7+s18+$0x0], $0xffff;
	_ =	sdelay $0x1  }
0xd3: {  	v55 =	vbroadcast v4, $0xE;
	_ =	sdelay $0x1  }
0xd4: {  	v56 =	vor.u32 v0, v55;
	s19 =	sadd.s32 $0xFFFFFFFE, s15  }
0xd5: {  	s25 =	simm.s32 $0x10;
	[tilespmem:v5+s10+$0x0] =	vst.idx.msk $0xffff, v6;
	v5 =	vmov s19  }
0xd6: {  	_ =	swait.ge [sflag:s25], $0x1000;
	v57 =	vshll.u32 v5, $0x3  }
0xd7: {  	v5 =	vand.u32 $0x7E, v5;
	[sflag:s25] =	ssyncset.done $0x0;
	v6 =	vand.u32 $0xC00, v57  }
0xd8: {  	s17 =	simm.s32 $0x16400;
	[sflag:s25] =	ssyncadd.s32 $0xFFFFF000;
	v5 =	vor.u32 v5, v6  }
0xd9: {  	v58 =	vld.idx.msk [tilespmem:v56+s17+$0x0], $0xffff;
	v59 =	vor.u32 v1, v5  }
0xda: {  	v7 =	vor.u32 v2, v55;
	_ =	sdelay $0x3  }
0xdb: {  	[tilespmem:v59+s10+$0x0] =	vst.idx.msk $0xffff, v58  }
0xdc: {  	v5 =	vor.u32 v3, v5;
	v6 =	vld.idx.msk [tilespmem:v7+s17+$0x0], $0xffff;
	_ =	sdelay $0x1  }
0xdd: {  	v4 =	vbroadcast v4, $0xF;
	_ =	sdelay $0x1  }
0xde: {  	v60 =	vor.u32 v0, v4;
	s18 =	sadd.s32 $0xFFFFFFFF, s15  }
0xdf: {  	[tilespmem:v5+s10+$0x0] =	vst.idx.msk $0xffff, v6;
	v5 =	vmov s18  }
0xe0: {  	_ =	swait.ge [sflag:s20], $0x1000;
	v61 =	vshll.u32 v5, $0x3  }
0xe1: {  	v5 =	vand.u32 $0x7F, v5;
	[sflag:s20] =	ssyncset.done $0x0;
	v6 =	vand.u32 $0xC00, v61  }
0xe2: {  	s19 =	simm.s32 $0x17400;
	[sflag:s20] =	ssyncadd.s32 $0xFFFFF000;
	v5 =	vor.u32 v5, v6  }
0xe3: {  	v62 =	vld.idx.msk [tilespmem:v60+s19+$0x0], $0xffff;
	v63 =	vor.u32 v1, v5  }
0xe4: {  	v4 =	vor.u32 v2, v4;
	_ =	sdelay $0x3  }
0xe5: {  	[tilespmem:v63+s10+$0x0] =	vst.idx.msk $0xffff, v62  }
0xe6: {  	v5 =	vor.u32 v3, v5;
	v4 =	vld.idx.msk [tilespmem:v4+s19+$0x0], $0xffff;
	_ =	sdelay $0x2  }
0xe7: {  	p0 =	seq.s32 s15, $0x200  }
0xe8: {  	s16 =	sand.u32 @!p0 $0x70, s15;
	s17 =	sand.u32 @!p0 $0x700, s14  }
0xe9: {  	s16 =	sor.u32 @!p0 s16, s17;
	[tilespmem:v5+s10+$0x0] =	vst.idx.msk $0xffff, v4  }
0xea: {  	v4 =	vld @!p0 [tilespmem:s16+$0x0];
	_ =	sdelay $0x4  }
0xeb: {  	s16 =	rddreg [dreg:$0x1];
	v4 =	vand.u32 @!p0 $0xFFFFFF80, v4  }
0xec: {  	v4 =	vadd.s32 @!p0 s16, v4  }
0xed: {  	(v2sf) =	vpush @!p0 v4, $0x0;
	_ =	sdelay $0x2  }
0xee: {  	(v2sf) =	vpush @!p0 v4, $0x1;
	_ =	sdelay $0x1  }
0xef: {  	(v2sf) =	vpush @!p0 v4, $0x2;
	_ =	sdelay $0x1  }
0xf0: {  	(v2sf) =	vpush @!p0 v4, $0x3;
	_ =	sdelay $0x1  }
0xf1: {  	(v2sf) =	vpush @!p0 v4, $0x4;
	_ =	sdelay $0x1  }
0xf2: {  	(v2sf) =	vpush @!p0 v4, $0x5;
	_ =	sdelay $0x1  }
0xf3: {  	(v2sf) =	vpush @!p0 v4, $0x6;
	_ =	sdelay $0x1  }
0xf4: {  	s16 =	spop @!p0 (v2sf);
	(v2sf) =	vpush @!p0 v4, $0x7  }
0xf5: {  	s17 =	simm.s32 @!p0 $0x400;
	s18 =	simm.s32 @!p0 $0x7A1400;
	s19 =	simm.s32 @!p0 $0x8400  }
0xf6: {  	[tilespmem:s19], [sflag:$0x2] =	stream.strided.gather @!p0 [hbm4b:s16+s17], $0x1000, s18, s17, $0x38;
	(v2sf) =	vpush @!p0 v4, $0x8;
	[tilespmem:$0x18400] =	vst v63  }
0xf7: {  	s28 =	simm.s32 $0x14400;
	s16 =	spop @!p0 (v2sf);
	s19 =	simm.s32 @!p0 $0x9400  }
0xf8: {  	(v2sf) =	vpush @!p0 v4, $0x9;
	[tilespmem:s19], [sflag:$0x3] =	stream.strided.gather @!p0 [hbm4b:s16+s17], $0x1000, s18, s17, $0x38;
	[tilespmem:$0x18400] =	vst v63  }
0xf9: {  	s2 =	simm.s32 $0xD400;
	s16 =	spop @!p0 (v2sf);
	s19 =	simm.s32 @!p0 $0xA400  }
0xfa: {  	(v2sf) =	vpush @!p0 v4, $0xA;
	[tilespmem:s19], [sflag:$0x4] =	stream.strided.gather @!p0 [hbm4b:s16+s17], $0x1000, s18, s17, $0x38;
	[tilespmem:$0x18400] =	vst v63  }
0xfb: {  	s4 =	simm.s32 $0xA400;
	s16 =	spop @!p0 (v2sf);
	s19 =	simm.s32 @!p0 $0xB400  }
0xfc: {  	(v2sf) =	vpush @!p0 v4, $0xB;
	[tilespmem:s19], [sflag:$0x5] =	stream.strided.gather @!p0 [hbm4b:s16+s17], $0x1000, s18, s17, $0x38;
	[tilespmem:$0x18400] =	vst v63  }
0xfd: {  	s9 =	simm.s32 $0xE400;
	s16 =	spop @!p0 (v2sf);
	s19 =	simm.s32 @!p0 $0xC400  }
0xfe: {  	(v2sf) =	vpush @!p0 v4, $0xC;
	[tilespmem:s19], [sflag:$0x6] =	stream.strided.gather @!p0 [hbm4b:s16+s17], $0x1000, s18, s17, $0x38;
	[tilespmem:$0x18400] =	vst v63  }
0xff: {  	s12 =	simm.s32 $0xB400;
	s16 =	spop @!p0 (v2sf);
	s19 =	simm.s32 @!p0 $0xD400  }
0x100: {  	(v2sf) =	vpush @!p0 v4, $0xD;
	[tilespmem:s19], [sflag:$0x7] =	stream.strided.gather @!p0 [hbm4b:s16+s17], $0x1000, s18, s17, $0x38;
	[tilespmem:$0x18400] =	vst v63  }
0x101: {  	s26 =	simm.s32 $0xF400;
	s16 =	spop @!p0 (v2sf);
	s19 =	simm.s32 @!p0 $0xE400  }
0x102: {  	(v2sf) =	vpush @!p0 v4, $0xE;
	[tilespmem:s19], [sflag:$0x8] =	stream.strided.gather @!p0 [hbm4b:s16+s17], $0x1000, s18, s17, $0x38;
	[tilespmem:$0x18400] =	vst v63  }
0x103: {  	s0 =	simm.s32 $0x10400;
	s19 =	simm.s32 @!p0 $0xF400;
	s16 =	spop @!p0 (v2sf)  }
0x104: {  	(v2sf) =	vpush @!p0 v4, $0xF;
	[tilespmem:s19], [sflag:$0x9] =	stream.strided.gather @!p0 [hbm4b:s16+s17], $0x1000, s18, s17, $0x38;
	[tilespmem:$0x18400] =	vst v63  }
0x105: {  	s6 =	simm.s32 $0x11400;
	s16 =	spop @!p0 (v2sf);
	s19 =	simm.s32 @!p0 $0x10400  }
0x106: {  	[tilespmem:s19], [sflag:$0xA] =	stream.strided.gather @!p0 [hbm4b:s16+s17], $0x1000, s18, s17, $0x38;
	[tilespmem:$0x18400] =	vst v63  }
0x107: {  	s21 =	simm.s32 $0x13400;
	s16 =	spop @!p0 (v2sf);
	s19 =	simm.s32 @!p0 $0x11400  }
0x108: {  	[tilespmem:s19], [sflag:$0xB] =	stream.strided.gather @!p0 [hbm4b:s16+s17], $0x1000, s18, s17, $0x38;
	[tilespmem:$0x18400] =	vst v63  }
0x109: {  	s23 =	simm.s32 $0x12400;
	s16 =	spop @!p0 (v2sf);
	s19 =	simm.s32 @!p0 $0x12400  }
0x10a: {  	[tilespmem:s19], [sflag:$0xC] =	stream.strided.gather @!p0 [hbm4b:s16+s17], $0x1000, s18, s17, $0x38;
	[tilespmem:$0x18400] =	vst v63  }
0x10b: {  	s15 =	sadd.s32 @!p0 $0x10, s15;
	s16 =	spop @!p0 (v2sf);
	s19 =	simm.s32 @!p0 $0x13400  }
0x10c: {  	[tilespmem:s19], [sflag:$0xD] =	stream.strided.gather @!p0 [hbm4b:s16+s17], $0x1000, s18, s17, $0x38;
	[tilespmem:$0x18400] =	vst v63  }
0x10d: {  	p1 =	sne.s32 @!p0 s15, $0x210;
	s16 =	spop @!p0 (v2sf);
	s19 =	simm.s32 @!p0 $0x14400  }
0x10e: {  	[tilespmem:s19], [sflag:$0xE] =	stream.strided.gather @!p0 [hbm4b:s16+s17], $0x1000, s18, s17, $0x38;
	[tilespmem:$0x18400] =	vst v63  }
0x10f: {  	p1 =	por p0, !p1;
	s16 =	spop @!p0 (v2sf);
	s19 =	simm.s32 @!p0 $0x15400  }
0x110: {  	[tilespmem:s19], [sflag:$0xF] =	stream.strided.gather @!p0 [hbm4b:s16+s17], $0x1000, s18, s17, $0x38;
	[tilespmem:$0x18400] =	vst v63  }
.Ltmp0:
0x111: {  	s16 =	spop @!p0 (v2sf);
	s19 =	simm.s32 @!p0 $0x16400;
	(pc) =	sbr.rel @!p1 .LBB2_2-.Ltmp0, $4  }
0x112: {  	[tilespmem:s19], [sflag:$0x10] =	stream.strided.gather @!p0 [hbm4b:s16+s17], $0x1000, s18, s17, $0x38;
	[tilespmem:$0x18400] =	vst v63  }
0x113: {  	s22 =	simm.s32 $0x15400;
	s16 =	spop @!p0 (v2sf);
	s19 =	simm.s32 @!p0 $0x17400  }
0x114: {  	[tilespmem:s19], [sflag:$0x11] =	stream.strided.gather @!p0 [hbm4b:s16+s17], $0x1000, s18, s17, $0x38;
	[tilespmem:$0x18400] =	vst v63  }
0x115: {  	s25 =	simm.s32 $0x16400;
	s14 =	sadd.s32 @!p0 $0x20, s14;
	s19 =	simm.s32 $0x8400  }
0x116: {  	[bflag:$0x0] =	sbarrier.arrive $0xFFFF  }
0x117: {  	s15 =	simm.s32 $0x1000;
	s16 =	simm.s32 $0x20000;
	s14 =	rddreg [dreg:$0x6]  }
0x118: {  	[hbm4b:s14+s15] =	stream.strided.scatter [tilespmem:s10], [sflag:$0x1], $0x4000, s16, s15, $0x38;
	[tilespmem:$0x18400] =	vst v63  }
0x119: {  	v4 =	vld [tilespmem:$0x80];
	_ =	sdelay $0x4  }
0x11a: {  	s20 =	rddreg [dreg:$0x2];
	v4 =	vand.u32 $0xFFFFFF80, v4  }
0x11b: {  	v4 =	vadd.s32 s20, v4  }
0x11c: {  	(v2sf) =	vpush v4, $0x0;
	_ =	sdelay $0x1  }
0x11d: {  	(v2sf) =	vpush v4, $0x1;
	_ =	sdelay $0x1  }
0x11e: {  	(v2sf) =	vpush v4, $0x2;
	_ =	sdelay $0x1  }
0x11f: {  	(v2sf) =	vpush v4, $0x3;
	_ =	sdelay $0x1  }
0x120: {  	(v2sf) =	vpush v4, $0x4;
	_ =	sdelay $0x1  }
0x121: {  	(v2sf) =	vpush v4, $0x5;
	_ =	sdelay $0x1  }
0x122: {  	(v2sf) =	vpush v4, $0x6;
	_ =	sdelay $0x1  }
0x123: {  	(v2sf) =	vpush v4, $0x7  }
0x124: {  	s15 =	simm.s32 $0x7A1400;
	s24 =	spop (v2sf)  }
0x125: {  	(v2sf) =	vpush v4, $0x8;
	[tilespmem:s19], [sflag:$0x2] =	stream.strided.gather [hbm4b:s24+s10], $0x1000, s15, s10, $0x38;
	[tilespmem:$0x18400] =	vst v63  }
0x126: {  	s1 =	spop (v2sf)  }
0x127: {  	(v2sf) =	vpush v4, $0x9;
	[tilespmem:s31], [sflag:$0x3] =	stream.strided.gather [hbm4b:s1+s10], $0x1000, s15, s10, $0x38;
	[tilespmem:$0x18400] =	vst v63  }
0x128: {  	s3 =	spop (v2sf)  }
0x129: {  	(v2sf) =	vpush v4, $0xA;
	[tilespmem:s4], [sflag:$0x4] =	stream.strided.gather [hbm4b:s3+s10], $0x1000, s15, s10, $0x38;
	[tilespmem:$0x18400] =	vst v63  }
0x12a: {  	s4 =	spop (v2sf)  }
0x12b: {  	(v2sf) =	vpush v4, $0xB;
	[tilespmem:s12], [sflag:$0x5] =	stream.strided.gather [hbm4b:s4+s10], $0x1000, s15, s10, $0x38;
	[tilespmem:$0x18400] =	vst v63  }
0x12c: {  	s5 =	spop (v2sf)  }
0x12d: {  	(v2sf) =	vpush v4, $0xC;
	[tilespmem:s30], [sflag:$0x6] =	stream.strided.gather [hbm4b:s5+s10], $0x1000, s15, s10, $0x38;
	[tilespmem:$0x18400] =	vst v63  }
0x12e: {  	s7 =	spop (v2sf)  }
0x12f: {  	(v2sf) =	vpush v4, $0xD;
	[tilespmem:s2], [sflag:$0x7] =	stream.strided.gather [hbm4b:s7+s10], $0x1000, s15, s10, $0x38;
	[tilespmem:$0x18400] =	vst v63  }
0x130: {  	s8 =	spop (v2sf)  }
0x131: {  	(v2sf) =	vpush v4, $0xE;
	[tilespmem:s9], [sflag:$0x8] =	stream.strided.gather [hbm4b:s8+s10], $0x1000, s15, s10, $0x38;
	[tilespmem:$0x18400] =	vst v63  }
0x132: {  	s11 =	spop (v2sf)  }
0x133: {  	(v2sf) =	vpush v4, $0xF;
	[tilespmem:s26], [sflag:$0x9] =	stream.strided.gather [hbm4b:s11+s10], $0x1000, s15, s10, $0x38;
	[tilespmem:$0x18400] =	vst v63  }
0x134: {  	s14 =	simm.s32 $0x10;
	s12 =	spop (v2sf)  }
0x135: {  	[tilespmem:s0], [sflag:$0xA] =	stream.strided.gather [hbm4b:s12+s10], $0x1000, s15, s10, $0x38;
	[tilespmem:$0x18400] =	vst v63  }
0x136: {  	s1 =	simm.s32 $0xE;
	s3 =	simm.s32 $0x6;
	s16 =	spop (v2sf)  }
0x137: {  	[tilespmem:s6], [sflag:$0xB] =	stream.strided.gather [hbm4b:s16+s10], $0x1000, s15, s10, $0x38;
	[tilespmem:$0x18400] =	vst v63  }
0x138: {  	s4 =	simm.s32 $0x7;
	s5 =	simm.s32 $0x8;
	s17 =	spop (v2sf)  }
0x139: {  	[tilespmem:s23], [sflag:$0xC] =	stream.strided.gather [hbm4b:s17+s10], $0x1000, s15, s10, $0x38;
	[tilespmem:$0x18400] =	vst v63  }
0x13a: {  	s7 =	simm.s32 $0xA;
	s2 =	simm.s32 $0xF;
	s18 =	spop (v2sf)  }
0x13b: {  	[tilespmem:s21], [sflag:$0xD] =	stream.strided.gather [hbm4b:s18+s10], $0x1000, s15, s10, $0x38;
	[tilespmem:$0x18400] =	vst v63  }
0x13c: {  	s8 =	simm.s32 $0xC;
	s9 =	simm.s32 $0xD;
	s23 =	spop (v2sf)  }
0x13d: {  	[tilespmem:s28], [sflag:$0xE] =	stream.strided.gather [hbm4b:s23+s10], $0x1000, s15, s10, $0x38;
	[tilespmem:$0x18400] =	vst v63  }
0x13e: {  	s11 =	simm.s32 $0x10;
	s0 =	simm.s32 $0x5;
	s24 =	spop (v2sf)  }
0x13f: {  	[tilespmem:s22], [sflag:$0xF] =	stream.strided.gather [hbm4b:s24+s10], $0x1000, s15, s10, $0x38;
	[tilespmem:$0x18400] =	vst v63  }
0x140: {  	s12 =	simm.s32 $0x11;
	s6 =	simm.s32 $0x9;
	s26 =	spop (v2sf)  }
0x141: {  	[tilespmem:s25], [sflag:$0x10] =	stream.strided.gather [hbm4b:s26+s10], $0x1000, s15, s10, $0x38;
	[tilespmem:$0x18400] =	vst v63  }
0x142: {  	s21 =	simm.s32 $0x2;
	s28 =	spop (v2sf);
	s23 =	simm.s32 $0x4  }
0x143: {  	[tilespmem:s29], [sflag:$0x11] =	stream.strided.gather [hbm4b:s28+s10], $0x1000, s15, s10, $0x38;
	[tilespmem:$0x18400] =	vst v63  }
0x144: {  	s22 =	simm.s32 $0x3;
	s24 =	simm.s32 $0xB;
	s15 =	simm.s32 $0x20  }
.LBB2_4:
0x145: {  	s16 =	sadd.s32 $0xFFFFFFF0, s14;
	s17 =	sadd.s32 $0xFFFFFFE0, s15  }
0x146: {  	s18 =	sand.u32 $0x70, s16;
	s17 =	sand.u32 $0x300, s17  }
0x147: {  	s17 =	sor.u32 s18, s17  }
0x148: {  	v4 =	vld [tilespmem:s17+$0x80];
	_ =	sdelay $0x4  }
0x149: {  	v4 =	vand.u32 $0x7F, v4  }
0x14a: {  	v5 =	vbroadcast v4, $0x0;
	_ =	sdelay $0x1  }
0x14b: {  	v6 =	vor.u32 v0, v5  }
0x14c: {  	v7 =	vmov s16  }
0x14d: {  	v8 =	vshll.u32 v7, $0x3;
	_ =	swait.ge [sflag:s21], $0x1000  }
0x14e: {  	v7 =	vand.u32 $0x70, v7;
	v8 =	vand.u32 $0xC00, v8;
	[sflag:s21] =	ssyncset.done $0x0  }
0x14f: {  	v7 =	vor.u32 v7, v8;
	[sflag:s21] =	ssyncadd.s32 $0xFFFFF000  }
0x150: {  	v8 =	vor.u32 v1, v7;
	v6 =	vld.idx.msk [tilespmem:v6+s19+$0x0], $0xffff  }
0x151: {  	v5 =	vor.u32 v2, v5;
	_ =	sdelay $0x3  }
0x152: {  	[tilespmem:v8+s13+$0x0] =	vst.idx.msk $0xffff, v6  }
0x153: {  	v41 =	vor.u32 v3, v7;
	v5 =	vld.idx.msk [tilespmem:v5+s19+$0x0], $0xffff;
	_ =	sdelay $0x1  }
0x154: {  	v42 =	vbroadcast v4, $0x1;
	_ =	sdelay $0x1  }
0x155: {  	s17 =	sadd.s32 $0xFFFFFFF1, s14;
	v43 =	vor.u32 v0, v42  }
0x156: {  	[tilespmem:v41+s13+$0x0] =	vst.idx.msk $0xffff, v5;
	v5 =	vmov s17  }
0x157: {  	_ =	swait.ge [sflag:s22], $0x1000;
	v44 =	vshll.u32 v5, $0x3  }
0x158: {  	v5 =	vand.u32 $0x71, v5;
	[sflag:s22] =	ssyncset.done $0x0;
	v6 =	vand.u32 $0xC00, v44  }
0x159: {  	s18 =	simm.s32 $0x9400;
	[sflag:s22] =	ssyncadd.s32 $0xFFFFF000;
	v5 =	vor.u32 v5, v6  }
0x15a: {  	v45 =	vld.idx.msk [tilespmem:v43+s18+$0x0], $0xffff;
	v46 =	vor.u32 v1, v5  }
0x15b: {  	v7 =	vor.u32 v2, v42;
	_ =	sdelay $0x3  }
0x15c: {  	[tilespmem:v46+s13+$0x0] =	vst.idx.msk $0xffff, v45  }
0x15d: {  	v5 =	vor.u32 v3, v5;
	v6 =	vld.idx.msk [tilespmem:v7+s18+$0x0], $0xffff;
	_ =	sdelay $0x1  }
0x15e: {  	v47 =	vbroadcast v4, $0x2;
	_ =	sdelay $0x1  }
0x15f: {  	v48 =	vor.u32 v0, v47;
	s19 =	sadd.s32 $0xFFFFFFF2, s14  }
0x160: {  	[tilespmem:v5+s13+$0x0] =	vst.idx.msk $0xffff, v6;
	v5 =	vmov s19  }
0x161: {  	_ =	swait.ge [sflag:s23], $0x1000;
	v49 =	vshll.u32 v5, $0x3  }
0x162: {  	v5 =	vand.u32 $0x72, v5;
	[sflag:s23] =	ssyncset.done $0x0;
	v6 =	vand.u32 $0xC00, v49  }
0x163: {  	s25 =	simm.s32 $0xA400;
	[sflag:s23] =	ssyncadd.s32 $0xFFFFF000;
	v5 =	vor.u32 v5, v6  }
0x164: {  	v50 =	vld.idx.msk [tilespmem:v48+s25+$0x0], $0xffff;
	v51 =	vor.u32 v1, v5  }
0x165: {  	v7 =	vor.u32 v2, v47;
	_ =	sdelay $0x3  }
0x166: {  	[tilespmem:v51+s13+$0x0] =	vst.idx.msk $0xffff, v50  }
0x167: {  	v5 =	vor.u32 v3, v5;
	v6 =	vld.idx.msk [tilespmem:v7+s25+$0x0], $0xffff;
	_ =	sdelay $0x1  }
0x168: {  	v52 =	vbroadcast v4, $0x3;
	_ =	sdelay $0x1  }
0x169: {  	s26 =	sadd.s32 $0xFFFFFFF3, s14;
	v53 =	vor.u32 v0, v52  }
0x16a: {  	[tilespmem:v5+s13+$0x0] =	vst.idx.msk $0xffff, v6;
	v5 =	vmov s26  }
0x16b: {  	_ =	swait.ge [sflag:s0], $0x1000;
	v54 =	vshll.u32 v5, $0x3  }
0x16c: {  	v5 =	vand.u32 $0x73, v5;
	[sflag:s0] =	ssyncset.done $0x0;
	v6 =	vand.u32 $0xC00, v54  }
0x16d: {  	s28 =	simm.s32 $0xB400;
	[sflag:s0] =	ssyncadd.s32 $0xFFFFF000;
	v5 =	vor.u32 v5, v6  }
0x16e: {  	v55 =	vld.idx.msk [tilespmem:v53+s28+$0x0], $0xffff;
	v56 =	vor.u32 v1, v5  }
0x16f: {  	v7 =	vor.u32 v2, v52;
	_ =	sdelay $0x3  }
0x170: {  	[tilespmem:v56+s13+$0x0] =	vst.idx.msk $0xffff, v55  }
0x171: {  	v5 =	vor.u32 v3, v5;
	v6 =	vld.idx.msk [tilespmem:v7+s28+$0x0], $0xffff;
	_ =	sdelay $0x1  }
0x172: {  	v57 =	vbroadcast v4, $0x4;
	_ =	sdelay $0x1  }
0x173: {  	v58 =	vor.u32 v0, v57;
	s17 =	sadd.s32 $0xFFFFFFF4, s14  }
0x174: {  	[tilespmem:v5+s13+$0x0] =	vst.idx.msk $0xffff, v6;
	v5 =	vmov s17  }
0x175: {  	_ =	swait.ge [sflag:s3], $0x1000;
	v59 =	vshll.u32 v5, $0x3  }
0x176: {  	v5 =	vand.u32 $0x74, v5;
	[sflag:s3] =	ssyncset.done $0x0;
	v6 =	vand.u32 $0xC00, v59  }
0x177: {  	s18 =	simm.s32 $0xC400;
	[sflag:s3] =	ssyncadd.s32 $0xFFFFF000;
	v5 =	vor.u32 v5, v6  }
0x178: {  	v60 =	vld.idx.msk [tilespmem:v58+s18+$0x0], $0xffff;
	v61 =	vor.u32 v1, v5  }
0x179: {  	v7 =	vor.u32 v2, v57;
	_ =	sdelay $0x3  }
0x17a: {  	[tilespmem:v61+s13+$0x0] =	vst.idx.msk $0xffff, v60  }
0x17b: {  	v5 =	vor.u32 v3, v5;
	v6 =	vld.idx.msk [tilespmem:v7+s18+$0x0], $0xffff;
	_ =	sdelay $0x1  }
0x17c: {  	v62 =	vbroadcast v4, $0x5;
	_ =	sdelay $0x1  }
0x17d: {  	v63 =	vor.u32 v0, v62;
	s19 =	sadd.s32 $0xFFFFFFF5, s14  }
0x17e: {  	[tilespmem:v5+s13+$0x0] =	vst.idx.msk $0xffff, v6;
	v5 =	vmov s19  }
0x17f: {  	_ =	swait.ge [sflag:s4], $0x1000;
	v12 =	vshll.u32 v5, $0x3  }
0x180: {  	v5 =	vand.u32 $0x75, v5;
	[sflag:s4] =	ssyncset.done $0x0;
	v6 =	vand.u32 $0xC00, v12  }
0x181: {  	s25 =	simm.s32 $0xD400;
	[sflag:s4] =	ssyncadd.s32 $0xFFFFF000;
	v5 =	vor.u32 v5, v6  }
0x182: {  	v13 =	vld.idx.msk [tilespmem:v63+s25+$0x0], $0xffff;
	v14 =	vor.u32 v1, v5  }
0x183: {  	v7 =	vor.u32 v2, v62;
	_ =	sdelay $0x3  }
0x184: {  	[tilespmem:v14+s13+$0x0] =	vst.idx.msk $0xffff, v13  }
0x185: {  	v5 =	vor.u32 v3, v5;
	v6 =	vld.idx.msk [tilespmem:v7+s25+$0x0], $0xffff;
	_ =	sdelay $0x1  }
0x186: {  	v15 =	vbroadcast v4, $0x6;
	_ =	sdelay $0x1  }
0x187: {  	v16 =	vor.u32 v0, v15;
	s26 =	sadd.s32 $0xFFFFFFF6, s14  }
0x188: {  	[tilespmem:v5+s13+$0x0] =	vst.idx.msk $0xffff, v6;
	v5 =	vmov s26  }
0x189: {  	_ =	swait.ge [sflag:s5], $0x1000;
	v17 =	vshll.u32 v5, $0x3  }
0x18a: {  	v5 =	vand.u32 $0x76, v5;
	[sflag:s5] =	ssyncset.done $0x0;
	v6 =	vand.u32 $0xC00, v17  }
0x18b: {  	s28 =	simm.s32 $0xE400;
	[sflag:s5] =	ssyncadd.s32 $0xFFFFF000;
	v5 =	vor.u32 v5, v6  }
0x18c: {  	v18 =	vld.idx.msk [tilespmem:v16+s28+$0x0], $0xffff;
	v19 =	vor.u32 v1, v5  }
0x18d: {  	v7 =	vor.u32 v2, v15;
	_ =	sdelay $0x3  }
0x18e: {  	[tilespmem:v19+s13+$0x0] =	vst.idx.msk $0xffff, v18  }
0x18f: {  	v5 =	vor.u32 v3, v5;
	v6 =	vld.idx.msk [tilespmem:v7+s28+$0x0], $0xffff;
	_ =	sdelay $0x1  }
0x190: {  	v20 =	vbroadcast v4, $0x7;
	_ =	sdelay $0x1  }
0x191: {  	v21 =	vor.u32 v0, v20;
	s17 =	sadd.s32 $0xFFFFFFF7, s14  }
0x192: {  	[tilespmem:v5+s13+$0x0] =	vst.idx.msk $0xffff, v6;
	v5 =	vmov s17  }
0x193: {  	_ =	swait.ge [sflag:s6], $0x1000;
	v22 =	vshll.u32 v5, $0x3  }
0x194: {  	v5 =	vand.u32 $0x77, v5;
	[sflag:s6] =	ssyncset.done $0x0;
	v6 =	vand.u32 $0xC00, v22  }
0x195: {  	s18 =	simm.s32 $0xF400;
	[sflag:s6] =	ssyncadd.s32 $0xFFFFF000;
	v5 =	vor.u32 v5, v6  }
0x196: {  	v23 =	vld.idx.msk [tilespmem:v21+s18+$0x0], $0xffff;
	v24 =	vor.u32 v1, v5  }
0x197: {  	v7 =	vor.u32 v2, v20;
	_ =	sdelay $0x3  }
0x198: {  	[tilespmem:v24+s13+$0x0] =	vst.idx.msk $0xffff, v23  }
0x199: {  	v5 =	vor.u32 v3, v5;
	v6 =	vld.idx.msk [tilespmem:v7+s18+$0x0], $0xffff;
	_ =	sdelay $0x1  }
0x19a: {  	v25 =	vbroadcast v4, $0x8;
	_ =	sdelay $0x1  }
0x19b: {  	v26 =	vor.u32 v0, v25;
	s19 =	sadd.s32 $0xFFFFFFF8, s14  }
0x19c: {  	[tilespmem:v5+s13+$0x0] =	vst.idx.msk $0xffff, v6;
	v5 =	vmov s19  }
0x19d: {  	_ =	swait.ge [sflag:s7], $0x1000;
	v27 =	vshll.u32 v5, $0x3  }
0x19e: {  	v5 =	vand.u32 $0x78, v5;
	[sflag:s7] =	ssyncset.done $0x0;
	v6 =	vand.u32 $0xC00, v27  }
0x19f: {  	s25 =	simm.s32 $0x10400;
	[sflag:s7] =	ssyncadd.s32 $0xFFFFF000;
	v5 =	vor.u32 v5, v6  }
0x1a0: {  	v28 =	vld.idx.msk [tilespmem:v26+s25+$0x0], $0xffff;
	v29 =	vor.u32 v1, v5  }
0x1a1: {  	v7 =	vor.u32 v2, v25;
	_ =	sdelay $0x3  }
0x1a2: {  	[tilespmem:v29+s13+$0x0] =	vst.idx.msk $0xffff, v28  }
0x1a3: {  	v5 =	vor.u32 v3, v5;
	v6 =	vld.idx.msk [tilespmem:v7+s25+$0x0], $0xffff;
	_ =	sdelay $0x1  }
0x1a4: {  	v30 =	vbroadcast v4, $0x9;
	_ =	sdelay $0x1  }
0x1a5: {  	v31 =	vor.u32 v0, v30;
	s26 =	sadd.s32 $0xFFFFFFF9, s14  }
0x1a6: {  	[tilespmem:v5+s13+$0x0] =	vst.idx.msk $0xffff, v6;
	v5 =	vmov s26  }
0x1a7: {  	_ =	swait.ge [sflag:s24], $0x1000;
	v32 =	vshll.u32 v5, $0x3  }
0x1a8: {  	v5 =	vand.u32 $0x79, v5;
	[sflag:s24] =	ssyncset.done $0x0;
	v6 =	vand.u32 $0xC00, v32  }
0x1a9: {  	s28 =	simm.s32 $0x11400;
	[sflag:s24] =	ssyncadd.s32 $0xFFFFF000;
	v5 =	vor.u32 v5, v6  }
0x1aa: {  	v33 =	vld.idx.msk [tilespmem:v31+s28+$0x0], $0xffff;
	v34 =	vor.u32 v1, v5  }
0x1ab: {  	v7 =	vor.u32 v2, v30;
	_ =	sdelay $0x3  }
0x1ac: {  	[tilespmem:v34+s13+$0x0] =	vst.idx.msk $0xffff, v33  }
0x1ad: {  	v5 =	vor.u32 v3, v5;
	v6 =	vld.idx.msk [tilespmem:v7+s28+$0x0], $0xffff;
	_ =	sdelay $0x1  }
0x1ae: {  	v35 =	vbroadcast v4, $0xA;
	_ =	sdelay $0x1  }
0x1af: {  	v36 =	vor.u32 v0, v35;
	s17 =	sadd.s32 $0xFFFFFFFA, s14  }
0x1b0: {  	[tilespmem:v5+s13+$0x0] =	vst.idx.msk $0xffff, v6;
	v5 =	vmov s17  }
0x1b1: {  	_ =	swait.ge [sflag:s8], $0x1000;
	v37 =	vshll.u32 v5, $0x3  }
0x1b2: {  	v5 =	vand.u32 $0x7A, v5;
	[sflag:s8] =	ssyncset.done $0x0;
	v6 =	vand.u32 $0xC00, v37  }
0x1b3: {  	s18 =	simm.s32 $0x12400;
	[sflag:s8] =	ssyncadd.s32 $0xFFFFF000;
	v5 =	vor.u32 v5, v6  }
0x1b4: {  	v38 =	vld.idx.msk [tilespmem:v36+s18+$0x0], $0xffff;
	v39 =	vor.u32 v1, v5  }
0x1b5: {  	v7 =	vor.u32 v2, v35;
	_ =	sdelay $0x3  }
0x1b6: {  	[tilespmem:v39+s13+$0x0] =	vst.idx.msk $0xffff, v38  }
0x1b7: {  	v5 =	vor.u32 v3, v5;
	v6 =	vld.idx.msk [tilespmem:v7+s18+$0x0], $0xffff;
	_ =	sdelay $0x1  }
0x1b8: {  	v40 =	vbroadcast v4, $0xB;
	_ =	sdelay $0x1  }
0x1b9: {  	v41 =	vor.u32 v0, v40;
	s19 =	sadd.s32 $0xFFFFFFFB, s14  }
0x1ba: {  	[tilespmem:v5+s13+$0x0] =	vst.idx.msk $0xffff, v6;
	v5 =	vmov s19  }
0x1bb: {  	_ =	swait.ge [sflag:s9], $0x1000;
	v42 =	vshll.u32 v5, $0x3  }
0x1bc: {  	v5 =	vand.u32 $0x7B, v5;
	[sflag:s9] =	ssyncset.done $0x0;
	v6 =	vand.u32 $0xC00, v42  }
0x1bd: {  	s25 =	simm.s32 $0x13400;
	[sflag:s9] =	ssyncadd.s32 $0xFFFFF000;
	v5 =	vor.u32 v5, v6  }
0x1be: {  	v43 =	vld.idx.msk [tilespmem:v41+s25+$0x0], $0xffff;
	v44 =	vor.u32 v1, v5  }
0x1bf: {  	v7 =	vor.u32 v2, v40;
	_ =	sdelay $0x3  }
0x1c0: {  	[tilespmem:v44+s13+$0x0] =	vst.idx.msk $0xffff, v43  }
0x1c1: {  	v5 =	vor.u32 v3, v5;
	v6 =	vld.idx.msk [tilespmem:v7+s25+$0x0], $0xffff;
	_ =	sdelay $0x1  }
0x1c2: {  	v45 =	vbroadcast v4, $0xC;
	_ =	sdelay $0x1  }
0x1c3: {  	v46 =	vor.u32 v0, v45;
	s26 =	sadd.s32 $0xFFFFFFFC, s14  }
0x1c4: {  	[tilespmem:v5+s13+$0x0] =	vst.idx.msk $0xffff, v6;
	v5 =	vmov s26  }
0x1c5: {  	_ =	swait.ge [sflag:s1], $0x1000;
	v47 =	vshll.u32 v5, $0x3  }
0x1c6: {  	v5 =	vand.u32 $0x7C, v5;
	[sflag:s1] =	ssyncset.done $0x0;
	v6 =	vand.u32 $0xC00, v47  }
0x1c7: {  	s28 =	simm.s32 $0x14400;
	[sflag:s1] =	ssyncadd.s32 $0xFFFFF000;
	v5 =	vor.u32 v5, v6  }
0x1c8: {  	v48 =	vld.idx.msk [tilespmem:v46+s28+$0x0], $0xffff;
	v49 =	vor.u32 v1, v5  }
0x1c9: {  	v7 =	vor.u32 v2, v45;
	_ =	sdelay $0x3  }
0x1ca: {  	[tilespmem:v49+s13+$0x0] =	vst.idx.msk $0xffff, v48  }
0x1cb: {  	v5 =	vor.u32 v3, v5;
	v6 =	vld.idx.msk [tilespmem:v7+s28+$0x0], $0xffff;
	_ =	sdelay $0x1  }
0x1cc: {  	v50 =	vbroadcast v4, $0xD;
	_ =	sdelay $0x1  }
0x1cd: {  	v51 =	vor.u32 v0, v50;
	s17 =	sadd.s32 $0xFFFFFFFD, s14  }
0x1ce: {  	[tilespmem:v5+s13+$0x0] =	vst.idx.msk $0xffff, v6;
	v5 =	vmov s17  }
0x1cf: {  	_ =	swait.ge [sflag:s2], $0x1000;
	v52 =	vshll.u32 v5, $0x3  }
0x1d0: {  	v5 =	vand.u32 $0x7D, v5;
	[sflag:s2] =	ssyncset.done $0x0;
	v6 =	vand.u32 $0xC00, v52  }
0x1d1: {  	s18 =	simm.s32 $0x15400;
	[sflag:s2] =	ssyncadd.s32 $0xFFFFF000;
	v5 =	vor.u32 v5, v6  }
0x1d2: {  	v53 =	vld.idx.msk [tilespmem:v51+s18+$0x0], $0xffff;
	v54 =	vor.u32 v1, v5  }
0x1d3: {  	v7 =	vor.u32 v2, v50;
	_ =	sdelay $0x3  }
0x1d4: {  	[tilespmem:v54+s13+$0x0] =	vst.idx.msk $0xffff, v53  }
0x1d5: {  	v5 =	vor.u32 v3, v5;
	v6 =	vld.idx.msk [tilespmem:v7+s18+$0x0], $0xffff;
	_ =	sdelay $0x1  }
0x1d6: {  	v55 =	vbroadcast v4, $0xE;
	_ =	sdelay $0x1  }
0x1d7: {  	v56 =	vor.u32 v0, v55;
	s19 =	sadd.s32 $0xFFFFFFFE, s14  }
0x1d8: {  	[tilespmem:v5+s13+$0x0] =	vst.idx.msk $0xffff, v6;
	v5 =	vmov s19  }
0x1d9: {  	_ =	swait.ge [sflag:s11], $0x1000;
	v57 =	vshll.u32 v5, $0x3  }
0x1da: {  	v5 =	vand.u32 $0x7E, v5;
	[sflag:s11] =	ssyncset.done $0x0;
	v6 =	vand.u32 $0xC00, v57  }
0x1db: {  	s25 =	simm.s32 $0x16400;
	[sflag:s11] =	ssyncadd.s32 $0xFFFFF000;
	v5 =	vor.u32 v5, v6  }
0x1dc: {  	v58 =	vld.idx.msk [tilespmem:v56+s25+$0x0], $0xffff;
	v59 =	vor.u32 v1, v5  }
0x1dd: {  	v7 =	vor.u32 v2, v55;
	_ =	sdelay $0x3  }
0x1de: {  	[tilespmem:v59+s13+$0x0] =	vst.idx.msk $0xffff, v58  }
0x1df: {  	v5 =	vor.u32 v3, v5;
	v6 =	vld.idx.msk [tilespmem:v7+s25+$0x0], $0xffff;
	_ =	sdelay $0x1  }
0x1e0: {  	v4 =	vbroadcast v4, $0xF;
	_ =	sdelay $0x1  }
0x1e1: {  	v60 =	vor.u32 v0, v4;
	s26 =	sadd.s32 $0xFFFFFFFF, s14  }
0x1e2: {  	[tilespmem:v5+s13+$0x0] =	vst.idx.msk $0xffff, v6;
	v5 =	vmov s26  }
0x1e3: {  	_ =	swait.ge [sflag:s12], $0x1000;
	v61 =	vshll.u32 v5, $0x3  }
0x1e4: {  	v5 =	vand.u32 $0x7F, v5;
	[sflag:s12] =	ssyncset.done $0x0;
	v6 =	vand.u32 $0xC00, v61  }
0x1e5: {  	s28 =	simm.s32 $0x17400;
	[sflag:s12] =	ssyncadd.s32 $0xFFFFF000;
	v5 =	vor.u32 v5, v6  }
0x1e6: {  	v62 =	vld.idx.msk [tilespmem:v60+s28+$0x0], $0xffff;
	v63 =	vor.u32 v1, v5  }
0x1e7: {  	v4 =	vor.u32 v2, v4;
	_ =	sdelay $0x3  }
0x1e8: {  	[tilespmem:v63+s13+$0x0] =	vst.idx.msk $0xffff, v62  }
0x1e9: {  	v5 =	vor.u32 v3, v5;
	v4 =	vld.idx.msk [tilespmem:v4+s28+$0x0], $0xffff;
	_ =	sdelay $0x2  }
0x1ea: {  	p0 =	seq.s32 s14, $0x200  }
0x1eb: {  	s16 =	sand.u32 @!p0 $0x70, s14;
	s17 =	sand.u32 @!p0 $0x700, s15  }
0x1ec: {  	s16 =	sor.u32 @!p0 s16, s17;
	[tilespmem:v5+s13+$0x0] =	vst.idx.msk $0xffff, v4  }
0x1ed: {  	v4 =	vld @!p0 [tilespmem:s16+$0x80];
	_ =	sdelay $0x4  }
0x1ee: {  	v4 =	vand.u32 @!p0 $0xFFFFFF80, v4  }
0x1ef: {  	v4 =	vadd.s32 @!p0 s20, v4  }
0x1f0: {  	(v2sf) =	vpush @!p0 v4, $0x0;
	_ =	sdelay $0x2  }
0x1f1: {  	(v2sf) =	vpush @!p0 v4, $0x1;
	_ =	sdelay $0x1  }
0x1f2: {  	(v2sf) =	vpush @!p0 v4, $0x2;
	_ =	sdelay $0x1  }
0x1f3: {  	(v2sf) =	vpush @!p0 v4, $0x3;
	_ =	sdelay $0x1  }
0x1f4: {  	(v2sf) =	vpush @!p0 v4, $0x4;
	_ =	sdelay $0x1  }
0x1f5: {  	(v2sf) =	vpush @!p0 v4, $0x5;
	_ =	sdelay $0x1  }
0x1f6: {  	(v2sf) =	vpush @!p0 v4, $0x6;
	_ =	sdelay $0x1  }
0x1f7: {  	s16 =	spop @!p0 (v2sf);
	(v2sf) =	vpush @!p0 v4, $0x7  }
0x1f8: {  	s17 =	simm.s32 @!p0 $0x400;
	s18 =	simm.s32 @!p0 $0x7A1400;
	s19 =	simm.s32 @!p0 $0x8400  }
0x1f9: {  	[tilespmem:s19], [sflag:$0x2] =	stream.strided.gather @!p0 [hbm4b:s16+s17], $0x1000, s18, s17, $0x38;
	(v2sf) =	vpush @!p0 v4, $0x8;
	[tilespmem:$0x18400] =	vst v63  }
0x1fa: {  	s16 =	spop @!p0 (v2sf);
	s19 =	simm.s32 @!p0 $0x9400  }
0x1fb: {  	(v2sf) =	vpush @!p0 v4, $0x9;
	[tilespmem:s19], [sflag:$0x3] =	stream.strided.gather @!p0 [hbm4b:s16+s17], $0x1000, s18, s17, $0x38;
	[tilespmem:$0x18400] =	vst v63  }
0x1fc: {  	s16 =	spop @!p0 (v2sf);
	s19 =	simm.s32 @!p0 $0xA400  }
0x1fd: {  	(v2sf) =	vpush @!p0 v4, $0xA;
	[tilespmem:s19], [sflag:$0x4] =	stream.strided.gather @!p0 [hbm4b:s16+s17], $0x1000, s18, s17, $0x38;
	[tilespmem:$0x18400] =	vst v63  }
0x1fe: {  	s16 =	spop @!p0 (v2sf);
	s19 =	simm.s32 @!p0 $0xB400  }
0x1ff: {  	(v2sf) =	vpush @!p0 v4, $0xB;
	[tilespmem:s19], [sflag:$0x5] =	stream.strided.gather @!p0 [hbm4b:s16+s17], $0x1000, s18, s17, $0x38;
	[tilespmem:$0x18400] =	vst v63  }
0x200: {  	s16 =	spop @!p0 (v2sf);
	s19 =	simm.s32 @!p0 $0xC400  }
0x201: {  	(v2sf) =	vpush @!p0 v4, $0xC;
	[tilespmem:s19], [sflag:$0x6] =	stream.strided.gather @!p0 [hbm4b:s16+s17], $0x1000, s18, s17, $0x38;
	[tilespmem:$0x18400] =	vst v63  }
0x202: {  	s16 =	spop @!p0 (v2sf);
	s19 =	simm.s32 @!p0 $0xD400  }
0x203: {  	(v2sf) =	vpush @!p0 v4, $0xD;
	[tilespmem:s19], [sflag:$0x7] =	stream.strided.gather @!p0 [hbm4b:s16+s17], $0x1000, s18, s17, $0x38;
	[tilespmem:$0x18400] =	vst v63  }
0x204: {  	s16 =	spop @!p0 (v2sf);
	s19 =	simm.s32 @!p0 $0xE400  }
0x205: {  	(v2sf) =	vpush @!p0 v4, $0xE;
	[tilespmem:s19], [sflag:$0x8] =	stream.strided.gather @!p0 [hbm4b:s16+s17], $0x1000, s18, s17, $0x38;
	[tilespmem:$0x18400] =	vst v63  }
0x206: {  	s19 =	simm.s32 @!p0 $0xF400;
	s16 =	spop @!p0 (v2sf)  }
0x207: {  	(v2sf) =	vpush @!p0 v4, $0xF;
	[tilespmem:s19], [sflag:$0x9] =	stream.strided.gather @!p0 [hbm4b:s16+s17], $0x1000, s18, s17, $0x38;
	[tilespmem:$0x18400] =	vst v63  }
0x208: {  	s16 =	spop @!p0 (v2sf);
	s19 =	simm.s32 @!p0 $0x10400  }
0x209: {  	[tilespmem:s19], [sflag:$0xA] =	stream.strided.gather @!p0 [hbm4b:s16+s17], $0x1000, s18, s17, $0x38;
	[tilespmem:$0x18400] =	vst v63  }
0x20a: {  	s16 =	spop @!p0 (v2sf);
	s19 =	simm.s32 @!p0 $0x11400  }
0x20b: {  	[tilespmem:s19], [sflag:$0xB] =	stream.strided.gather @!p0 [hbm4b:s16+s17], $0x1000, s18, s17, $0x38;
	[tilespmem:$0x18400] =	vst v63  }
0x20c: {  	s16 =	spop @!p0 (v2sf);
	s19 =	simm.s32 @!p0 $0x12400  }
0x20d: {  	[tilespmem:s19], [sflag:$0xC] =	stream.strided.gather @!p0 [hbm4b:s16+s17], $0x1000, s18, s17, $0x38;
	[tilespmem:$0x18400] =	vst v63  }
0x20e: {  	s14 =	sadd.s32 @!p0 $0x10, s14;
	s16 =	spop @!p0 (v2sf);
	s19 =	simm.s32 @!p0 $0x13400  }
0x20f: {  	[tilespmem:s19], [sflag:$0xD] =	stream.strided.gather @!p0 [hbm4b:s16+s17], $0x1000, s18, s17, $0x38;
	[tilespmem:$0x18400] =	vst v63  }
0x210: {  	p1 =	sne.s32 @!p0 s14, $0x210;
	s16 =	spop @!p0 (v2sf);
	s19 =	simm.s32 @!p0 $0x14400  }
0x211: {  	[tilespmem:s19], [sflag:$0xE] =	stream.strided.gather @!p0 [hbm4b:s16+s17], $0x1000, s18, s17, $0x38;
	[tilespmem:$0x18400] =	vst v63  }
0x212: {  	p1 =	por p0, !p1;
	s16 =	spop @!p0 (v2sf);
	s19 =	simm.s32 @!p0 $0x15400  }
0x213: {  	[tilespmem:s19], [sflag:$0xF] =	stream.strided.gather @!p0 [hbm4b:s16+s17], $0x1000, s18, s17, $0x38;
	[tilespmem:$0x18400] =	vst v63  }
.Ltmp1:
0x214: {  	s16 =	spop @!p0 (v2sf);
	s19 =	simm.s32 @!p0 $0x16400;
	(pc) =	sbr.rel @!p1 .LBB2_4-.Ltmp1, $4  }
0x215: {  	[tilespmem:s19], [sflag:$0x10] =	stream.strided.gather @!p0 [hbm4b:s16+s17], $0x1000, s18, s17, $0x38;
	[tilespmem:$0x18400] =	vst v63  }
0x216: {  	s16 =	spop @!p0 (v2sf);
	s19 =	simm.s32 @!p0 $0x17400  }
0x217: {  	[tilespmem:s19], [sflag:$0x11] =	stream.strided.gather @!p0 [hbm4b:s16+s17], $0x1000, s18, s17, $0x38;
	[tilespmem:$0x18400] =	vst v63  }
0x218: {  	s15 =	sadd.s32 @!p0 $0x20, s15;
	s19 =	simm.s32 $0x8400  }
0x219: {  	[bflag:$0x0] =	sbarrier.arrive $0xFFFF;
	s15 =	simm.s32 $0x1000  }
0x21a: {  	s16 =	simm.s32 $0x20000;
	s24 =	simm.s32 $0x1;
	s14 =	rddreg [dreg:$0x8]  }
0x21b: {  	[hbm4b:s14+s15] =	stream.strided.scatter [tilespmem:s13], [sflag:$0x1], $0x4000, s16, s15, $0x38;
	[tilespmem:$0x18400] =	vst v63  }
0x21c: {  	_ =	swait.ge [sflag:s24], $0x4000  }
0x21d: {  	[sflag:s24] =	ssyncset.done $0x0  }
0x21e: {  	[sflag:s24] =	ssyncadd.s32 $0xFFFFC000  }
0x21f: {  	_ =	swait.ge [sflag:s24], $0x4000  }
0x220: {  	s25 =	rddreg [dreg:$0x9]  }
0x221: {  	s26 =	rddreg [dreg:$0x7];
	s16 =	sadd.s32 $0x1, s25  }
0x222: {  	p0 =	sne.s32 s16, s26  }
.Ltmp2:
0x223: {  	s17 =	simm.s32 $0xA400;
	(pc) =	sbr.rel @p0 .LBB2_1-.Ltmp2, $4  }
0x224: {  	s18 =	simm.s32 $0xB400;
	s21 =	simm.s32 $0xC400;
	s22 =	simm.s32 $0xD400  }
0x225: {  	s23 =	simm.s32 $0xE400;
	s28 =	simm.s32 $0x11400;
	[sflag:s24] =	ssyncset.done $0x0  }
0x226: {  	[sflag:s24] =	ssyncadd.s32 $0xFFFFC000;
	s25 =	simm.s32 $0xF400;
	[dreg:$0x9] =	wrdreg s16  }
0x227: {  	s6 =	rddreg [dreg:$0x1];
	s16 =	simm.s32 $0x9400;
	s26 =	simm.s32 $0x10400  }
0x228: {  	_ =	sfence.sel $0x180000  }
0x229: {  	[bflag:$0x0] =	sbarrier.arrive $0xFFFF  }
0x22a: {  	_ =	strace $0x90000047  }
0x22b: {  	s0 =	stileid.u32;
	[bflag:$0x2] =	sbarrier.arrive $0xFFFF  }
0x22c: {  	p0 =	sne.s32 s0, $0x0;
	s0 =	rddreg [dreg:$0x4]  }
0x22d: {  	s0 =	sadd.s32 @!p0 $0x100000, s0  }
0x22e: {  	[sflag:s0] =	ssyncadd.tile.s32 @!p0 $0x1;
	_ =	shalt  }
.Lfunc_end2:
_tile_overlayer_lowered:
.L_overlay_start_2:
0x22f: {  	(tag) =	ssettag $0x2  }
0x230: {  	s0 =	rddreg [dreg:$0x0];
	s2 =	stileid.u32  }
0x231: {  	s1 =	rddreg [dreg:$0x1];
	p0 =	sne.s32 s2, $0x0  }
0x232: {  	s3 =	rddreg [dreg:$0x2];
	[bflag:$0x3] =	sbarrier.arrive $0xFFFF;
	s2 =	simm.s32 @!p0 $0x1C12  }
0x233: {  	[timem:s3], [sflag:s2] =	dma.local @!p0 [hbm:s0], s1  }
0x234: {  	s0 =	simm.s32 @!p0 $0x12  }
0x235: {  	_ =	swait.ge @!p0 [sflag:s0], s1  }
0x236: {  	s1 =	ssub.s32 @!p0 $0x0, s1;
	[sflag:s0] =	ssyncset.done @!p0 $0x0  }
0x237: {  	[sflag:s0] =	ssyncadd.s32 @!p0 s1  }
0x238: {  	[bflag:$0x3] =	sbarrier.arrive $0xFFFF  }
0x239: {  	_ =	shalt  }

</sc_bundles>
